<compile_context>
chip_gen: v7x
topology: tpu7x:2x2x1
jax: 0.10.2.dev20260603
libtpu: 0.0.44.dev20260713+nightly
codegen_flags: <defaults>
</compile_context>

<pallas_src>
import functools

import jax
import jax.numpy as jnp
from jax import lax
from jax.experimental import pallas as pl
from jax.experimental.pallas import tpu as pltpu
from jax.experimental.pallas import tpu_sc as plsc

N = 10000
D = 128
G = 64
T = 10
L = 3
RS = 1.0 / (1.0 + 1e-5) ** 0.5

NC = 2
NS = 16
NW = NC * NS
CH = 128
C = 80
C0 = 80
C1 = 80
HC = 40
TOTC = NS * (C0 + C1)
EPAD = NW * C * CH
NPAD = 10112
RPS = NPAD // NS

R = 1000
GRID = N // R

_mesh = plsc.VectorSubcoreMesh(core_axis_name="c", subcore_axis_name="s")



@functools.partial(
    pl.kernel,
    out_type=jax.ShapeDtypeStruct((2 * NPAD, D), jnp.float32),
    mesh=_mesh,
    scratch_types=[
        pltpu.VMEM((C, CH), jnp.int32),
        pltpu.VMEM((CH, D), jnp.float32),
        pltpu.VMEM_SHARED((NPAD, D), jnp.float32),
    ],
)
def _sc_degree(dst_hbm, ones_hbm, zdeg_hbm, out_hbm, dst_v, ones_v, deg_sh):
    c = lax.axis_index("c")
    s = lax.axis_index("s")
    w = c * NS + s
    pltpu.sync_copy(zdeg_hbm, deg_sh.at[pl.ds(s * RPS, RPS)])
    pltpu.sync_copy(dst_hbm.at[w], dst_v)
    pltpu.sync_copy(ones_hbm, ones_v)
    plsc.subcore_barrier()

    def body(j, carry):
        pltpu.sync_copy(ones_v, deg_sh.at[dst_v.at[j]], add=True)
        return carry

    lax.fori_loop(0, C, body, 0)
    plsc.subcore_barrier()
    pltpu.sync_copy(deg_sh.at[pl.ds(s * RPS, RPS)],
                    out_hbm.at[pl.ds(c * NPAD + s * RPS, RPS)])



@functools.partial(
    pl.kernel,
    out_type=jax.ShapeDtypeStruct((2 * NPAD, D), jnp.float32),
    mesh=_mesh,
    scratch_types=[
        pltpu.VMEM((HC, CH), jnp.int32),
        pltpu.VMEM((HC, CH), jnp.int32),
        pltpu.VMEM((CH, D), jnp.float32),
        pltpu.VMEM((CH, D), jnp.float32),
        pltpu.VMEM_SHARED((NPAD, D), jnp.float32),
        pltpu.SemaphoreType.DMA,
        pltpu.SemaphoreType.DMA,
    ],
)
def _sc_scatter(hws_hbm, src_hbm, dst_hbm, zacc_hbm, out_hbm,
                src_v, dst_v, buf0, buf1, acc_sh, sem0, sem1):
    c = lax.axis_index("c")
    s = lax.axis_index("s")
    pltpu.sync_copy(zacc_hbm, acc_sh.at[pl.ds(s * RPS, RPS)])
    plsc.subcore_barrier()

    cc = jnp.where(c == 0, C0, C1)
    base = c * (NS * C0) + s * cc
    nph = jnp.where(c == 0, C0 // HC, C1 // HC)
    bufs = (buf0, buf1)
    sems = (sem0, sem1)

    def phase(p, carry):
        row0 = pl.multiple_of(base + p * HC, 8)
        pltpu.sync_copy(src_hbm.at[pl.ds(row0, HC)], src_v)
        pltpu.sync_copy(dst_hbm.at[pl.ds(row0, HC)], dst_v)
        pltpu.async_copy(hws_hbm.at[src_v.at[0]], buf0, sem0)
        pltpu.async_copy(hws_hbm.at[src_v.at[1]], buf1, sem1)

        def body(i, carry2):
            for b in range(2):
                j = 2 * i + b
                buf, sem = bufs[b], sems[b]
                pltpu.make_async_copy(hws_hbm.at[pl.ds(0, CH)], buf,
                                      sem).wait()
                pltpu.sync_copy(buf, acc_sh.at[dst_v.at[j]], add=True)

                @pl.when(j + 2 < HC)
                def _():
                    pltpu.async_copy(hws_hbm.at[src_v.at[j + 2]], buf, sem)
            return carry2

        lax.fori_loop(0, HC // 2, body, 0)
        return carry

    lax.fori_loop(0, nph, phase, 0)
    plsc.subcore_barrier()
    pltpu.sync_copy(acc_sh.at[pl.ds(s * RPS, RPS)],
                    out_hbm.at[pl.ds(c * NPAD + s * RPS, RPS)])



def _tca_body(degp_ref, x_ref, embW_ref, embb_ref, W0_ref, dinv_ref, hws_ref):
    degp = degp_ref[...]
    deg = degp[0][:, :1] + degp[1][:, :1] + 1.0
    dinv = lax.rsqrt(deg)
    h0 = x_ref[...] * embW_ref[...] + embb_ref[...]
    hw0 = jnp.dot(h0, W0_ref[...], preferred_element_type=jnp.float32)
    dinv_ref[...] = dinv
    hws_ref[...] = hw0 * dinv


def _tcb_body(aggp_ref, hwsp_ref, dinv_ref, b_ref, g_ref, bt_ref, Wn_ref,
              out_ref):
    aggp = aggp_ref[...]
    dinv = dinv_ref[...]
    agg = (aggp[0] + aggp[1] + hwsp_ref[...]) * dinv
    hh = (agg + b_ref[...]) * (g_ref[...] * RS) + bt_ref[...]
    h = jnp.maximum(hh, 0.0)
    out_ref[...] = jnp.dot(h, Wn_ref[...],
                           preferred_element_type=jnp.float32) * dinv


def _tcc_body(aggp_ref, hwsp_ref, dinv_ref, b_ref, g_ref, bt_ref, batch_ref,
              pW_ref, pb_ref, out_ref, s_sc, c_sc):
    i = pl.program_id(0)
    aggp = aggp_ref[...]
    agg = (aggp[0] + aggp[1] + hwsp_ref[...]) * dinv_ref[...]
    hh = (agg + b_ref[...]) * (g_ref[...] * RS) + bt_ref[...]
    br = batch_ref[0]
    gcol = lax.broadcasted_iota(jnp.int32, (G, 1), 0)
    m = (br == gcol).astype(jnp.float32)

    @pl.when(i == 0)
    def _():
        s_sc[...] = jnp.zeros((G, D), jnp.float32)
        c_sc[...] = jnp.zeros((G, 1), jnp.float32)

    s_sc[...] += jnp.dot(m, hh, preferred_element_type=jnp.float32)
    c_sc[...] += jnp.sum(m, axis=1, keepdims=True)

    @pl.when(i == GRID - 1)
    def _():
        hg = s_sc[...] / jnp.maximum(c_sc[...], 1.0)
        out_ref[...] = (jnp.dot(hg, pW_ref[...],
                                preferred_element_type=jnp.float32)
                        + pb_ref[...])


def _row_spec(w):
    return pl.BlockSpec((R, w), lambda i: (i, 0))


def _const_spec(shape):
    ndim = len(shape)
    return pl.BlockSpec(shape, lambda i: (0,) * ndim)


_AGGP_SPEC = pl.BlockSpec((2, R, D), lambda i: (0, i, 0))
_F32 = jnp.float32


def _tc_a(degp3, x, embW, embb2, W0):
    return pl.pallas_call(
        _tca_body,
        grid=(GRID,),
        in_specs=[_AGGP_SPEC,
                  _row_spec(1), _const_spec((1, D)), _const_spec((1, D)),
                  _const_spec((D, D))],
        out_specs=[_row_spec(1), _row_spec(D)],
        out_shape=[jax.ShapeDtypeStruct((N, 1), _F32),
                   jax.ShapeDtypeStruct((N, D), _F32)],
    )(degp3, x, embW, embb2, W0)


def _tc_b(aggp3, hwsp, dinv, b2, g2, bt2, Wn):
    return pl.pallas_call(
        _tcb_body,
        grid=(GRID,),
        in_specs=[_AGGP_SPEC, _row_spec(D), _row_spec(1),
                  _const_spec((1, D)), _const_spec((1, D)),
                  _const_spec((1, D)), _const_spec((D, D))],
        out_specs=_row_spec(D),
        out_shape=jax.ShapeDtypeStruct((N, D), _F32),
    )(aggp3, hwsp, dinv, b2, g2, bt2, Wn)


def _tc_c(aggp3, hwsp, dinv, b2, g2, bt2, batch3, pW, pb2):
    return pl.pallas_call(
        _tcc_body,
        grid=(GRID,),
        in_specs=[_AGGP_SPEC, _row_spec(D), _row_spec(1),
                  _const_spec((1, D)), _const_spec((1, D)),
                  _const_spec((1, D)),
                  pl.BlockSpec((1, 1, R), lambda i: (i, 0, 0)),
                  _const_spec((D, T)), _const_spec((1, T))],
        out_specs=pl.BlockSpec((G, T), lambda i: (0, 0)),
        out_shape=jax.ShapeDtypeStruct((G, T), _F32),
        scratch_shapes=[pltpu.VMEM((G, D), _F32), pltpu.VMEM((G, 1), _F32)],
    )(aggp3, hwsp, dinv, b2, g2, bt2, batch3, pW, pb2)


def kernel(x, edge_index, edge_attr, batch, emb_W, emb_b, conv_W, conv_b,
           bn_gamma, bn_beta, pred_W, pred_b):
    E = edge_index.shape[1]
    pad = EPAD - E
    pad_src = jnp.arange(pad, dtype=jnp.int32) % N
    src_f = jnp.concatenate([edge_index[0], pad_src]).reshape(TOTC, CH)
    pad_dst = N + jnp.arange(pad, dtype=jnp.int32) % (NPAD - N)
    dst_f = jnp.concatenate([edge_index[1], pad_dst]).reshape(TOTC, CH)
    dst_p = dst_f.reshape(NW, C, CH)
    ones128 = jnp.ones((CH, D), _F32)
    zacc = jnp.zeros((RPS, D), _F32)

    degp = _sc_degree(dst_p, ones128, zacc).reshape(2, NPAD, D)
    dinv, hws = _tc_a(degp, x, emb_W, emb_b.reshape(1, D), conv_W[0])

    for l in range(L - 1):
        aggp = _sc_scatter(hws, src_f, dst_f, zacc).reshape(2, NPAD, D)
        hws = _tc_b(aggp, hws, dinv, conv_b[l].reshape(1, D),
                    bn_gamma[l].reshape(1, D), bn_beta[l].reshape(1, D),
                    conv_W[l + 1])

    aggp = _sc_scatter(hws, src_f, dst_f, zacc).reshape(2, NPAD, D)
    return _tc_c(aggp, hws, dinv, conv_b[L - 1].reshape(1, D),
                 bn_gamma[L - 1].reshape(1, D), bn_beta[L - 1].reshape(1, D),
                 batch.reshape(GRID, 1, R), pred_W, pred_b.reshape(1, T))

# --- scband reference (transcript-rebuilt; emitter-appended) ---
"""Pipeline reference for scband-gcn-net-71743133712709 (READ-ONLY COPY).

The authoritative reference and input builder live on the scoring server;
editing this copy changes nothing except your own understanding.
"""

import jax, jax.numpy as jnp
import numpy as np

N = 10000
E = 320000
D = 128
L = 3
G = 64
T = 10
EPS = 1e-5


def setup_inputs(seed: int = 0) -> dict:
    key = jax.random.key(seed)
    ks = jax.random.split(key, 12)
    x = jax.random.normal(ks[0], (N, 1), dtype=jnp.float32)
    edge_index = jax.random.randint(ks[1], (2, E), 0, N, dtype=jnp.int32)
    edge_attr = jax.random.normal(ks[2], (E, 4), dtype=jnp.float32)
    batch = jnp.sort(jax.random.randint(ks[3], (N,), 0, G, dtype=jnp.int32))
    emb_W = jax.random.normal(ks[4], (1, D), dtype=jnp.float32)
    emb_b = jax.random.normal(ks[5], (D,), dtype=jnp.float32) * 0.01
    conv_W = jax.random.normal(ks[6], (L, D, D), dtype=jnp.float32) * (1.0 / np.sqrt(D))
    conv_b = jax.random.normal(ks[7], (L, D), dtype=jnp.float32) * 0.01
    bn_gamma = jnp.ones((L, D), dtype=jnp.float32)
    bn_beta = jnp.zeros((L, D), dtype=jnp.float32)
    pred_W = jax.random.normal(ks[8], (D, T), dtype=jnp.float32) * (1.0 / np.sqrt(D))
    pred_b = jnp.zeros((T,), dtype=jnp.float32)
    return {
        'x': x, 'edge_index': edge_index, 'edge_attr': edge_attr, 'batch': batch,
        'emb_W': emb_W, 'emb_b': emb_b, 'conv_W': conv_W, 'conv_b': conv_b,
        'bn_gamma': bn_gamma, 'bn_beta': bn_beta, 'pred_W': pred_W, 'pred_b': pred_b,
    }


def reference(x, edge_index, edge_attr, batch, emb_W, emb_b, conv_W, conv_b, bn_gamma, bn_beta, pred_W, pred_b):
    # node embedding: Linear(1, emb_dim) for source='image', dataset='MNIST'
    h = x @ emb_W + emb_b
    src = edge_index[0]
    dst = edge_index[1]
    # GCNConv (PyG-style): add self-loops, symmetric normalization; edge_attr unused for image source
    loop = jnp.arange(N, dtype=edge_index.dtype)
    src_l = jnp.concatenate([src, loop])
    dst_l = jnp.concatenate([dst, loop])
    deg = jnp.zeros((N,), dtype=jnp.float32).at[dst_l].add(1.0)
    dinv = jax.lax.rsqrt(jnp.maximum(deg, 1.0))
    norm = dinv[src_l] * dinv[dst_l]
    bn_scale = bn_gamma / jnp.sqrt(1.0 + EPS)  # eval BN: running_mean=0, running_var=1
    for l in range(L):
        hw = h @ conv_W[l]
        msg = hw[src_l] * norm[:, None]            # gather (memory-bound)
        agg = jax.ops.segment_sum(msg, dst_l, num_segments=N)  # scatter-add
        hh = agg + conv_b[l]
        hh = hh * bn_scale[l] + bn_beta[l]
        if l < L - 1:
            hh = jax.nn.relu(hh)
        # dropout is identity in eval mode
        h = hh
    # global_mean_pool over graph ids
    cnt = jax.ops.segment_sum(jnp.ones((N,), dtype=jnp.float32), batch, num_segments=G)
    s = jax.ops.segment_sum(h, batch, num_segments=G)
    h_graph = s / jnp.maximum(cnt, 1.0)[:, None]
    return h_graph @ pred_W + pred_b

if __name__ == "__main__":
    import jax
    _d = setup_inputs()
    print(jax.jit(kernel)(*tuple(_d.values())))

</pallas_src>

<mosaic_0001>
#map = affine_map<(d0, d1) -> (0, 0)>
module attributes {stable_mosaic.version = 14 : i64} {
  func.func @_sc_scatter(%arg0: i32, %arg1: i32, %arg2: memref<10000x128xf32, #tpu.memory_space<hbm>>, %arg3: memref<2560x128xi32, #tpu.memory_space<hbm>>, %arg4: memref<2560x128xi32, #tpu.memory_space<hbm>>, %arg5: memref<632x128xf32, #tpu.memory_space<hbm>>, %arg6: memref<20224x128xf32, #tpu.memory_space<hbm>>, %arg7: memref<40x128xi32, #tpu.memory_space<vmem>>, %arg8: memref<40x128xi32, #tpu.memory_space<vmem>>, %arg9: memref<128x128xf32, #tpu.memory_space<vmem>>, %arg10: memref<128x128xf32, #tpu.memory_space<vmem>>, %arg11: memref<10112x128xf32, #tpu.memory_space<vmem_shared>>, %arg12: memref<!tpu.dma_semaphore, #tpu.memory_space<semaphore_mem>>, %arg13: memref<!tpu.dma_semaphore, #tpu.memory_space<semaphore_mem>>) attributes {dimension_semantics = [#tpu.dimension_semantics<core_parallel>, #tpu.dimension_semantics<subcore_parallel>], iteration_bounds = array<i64: 2, 16>, scalar_prefetch = 0 : i64, scratch_operands = 7 : i64, tpu.core_type = #tpu.core_type<sc_vector_subcore>, window_params = [{transform_indices = #map}, {transform_indices = #map}, {transform_indices = #map}, {transform_indices = #map}, {transform_indices = #map}]} {
    %mul3A = arith.constant 632 : i32
    %mul3A_0 = arith.muli %arg1, %mul3A : i32
    "tpu.region"() ({
      %run_scoped3A = tpu.sem_alloc : memref<!tpu.dma_semaphore, #tpu.memory_space<semaphore_mem>>
      %dma_start3A = arith.constant 0 : i32
      %dma_start3A_28 = tpu.memref_slice %arg11[%mul3A_0, %dma_start3A] : memref<10112x128xf32, #tpu.memory_space<vmem_shared>> -> memref<632x128xf32, #tpu.memory_space<vmem_shared>>
      tpu.enqueue_dma source(%arg5 : memref<632x128xf32, #tpu.memory_space<hbm>>) target(%dma_start3A_28 : memref<632x128xf32, #tpu.memory_space<vmem_shared>>) target_semaphore(%run_scoped3A : memref<!tpu.dma_semaphore, #tpu.memory_space<semaphore_mem>>)
      %dma_wait3A = arith.constant 0 : i32
      %dma_wait3A_29 = tpu.memref_slice %arg11[%mul3A_0, %dma_wait3A] : memref<10112x128xf32, #tpu.memory_space<vmem_shared>> -> memref<632x128xf32, #tpu.memory_space<vmem_shared>>
      tpu.wait_dma2 semaphore(%run_scoped3A : memref<!tpu.dma_semaphore, #tpu.memory_space<semaphore_mem>>) src(%arg5 : memref<632x128xf32, #tpu.memory_space<hbm>>) dst(%dma_wait3A_29 : memref<632x128xf32, #tpu.memory_space<vmem_shared>>)
      tpu.yield
    }) : () -> ()
    %barrier3A = arith.constant 0 : index
    tpu.barrier barrier_id(%barrier3A)
    %eq3A = arith.constant 0 : i32
    %eq3A_1 = arith.cmpi eq, %arg0, %eq3A : i32
    %jit3A = arith.constant 80 : i32
    %jit3A_2 = arith.constant 80 : i32
    %select_n3A = arith.select %eq3A_1, %jit3A, %jit3A_2 : i32
    %mul3A_3 = arith.constant 1280 : i32
    %mul3A_4 = arith.muli %arg0, %mul3A_3 : i32
    %mul3A_5 = arith.muli %arg1, %select_n3A : i32
    %add3A = arith.addi %mul3A_4, %mul3A_5 : i32
    %eq3A_6 = arith.constant 0 : i32
    %eq3A_7 = arith.cmpi eq, %arg0, %eq3A_6 : i32
    %jit3A_8 = arith.constant 2 : i32
    %jit3A_9 = arith.constant 2 : i32
    %select_n3A_10 = arith.select %eq3A_7, %jit3A_8, %jit3A_9 : i32
    %while3A = arith.constant 0 : i32
    %while3A_11 = arith.constant 0 : i32
    %while3A_12 = arith.subi %select_n3A_10, %while3A_11 : i32
    %while3A_13 = arith.addi %while3A_11, %while3A_12 : i32
    %while3A_14 = arith.constant 1 : i32
    %while3A_15 = arith.divsi %while3A_12, %while3A_14 : i32
    %while3A_16 = arith.muli %while3A_15, %while3A_14 : i32
    %while3A_17 = arith.addi %while3A_11, %while3A_16 : i32
    %while3A_18 = arith.constant 1 : i32
    scf.for %while3A_28 = %while3A_11 to %while3A_17 step %while3A_18  : i32 {
      %mul3A_29 = arith.constant 40 : i32
      %mul3A_30 = arith.muli %while3A_28, %mul3A_29 : i32
      %add3A_31 = arith.addi %add3A, %mul3A_30 : i32
      %multiple_of3A = tpu.assume_multiple %add3A_31, 8 : i32
      "tpu.region"() ({
        %run_scoped3A = tpu.sem_alloc : memref<!tpu.dma_semaphore, #tpu.memory_space<semaphore_mem>>
        %dma_start3A_50 = arith.constant 0 : i32
        %dma_start3A_51 = tpu.memref_slice %arg3[%multiple_of3A, %dma_start3A_50] : memref<2560x128xi32, #tpu.memory_space<hbm>> -> memref<40x128xi32, #tpu.memory_space<hbm>>
        %dma_start3A_52 = arith.constant 0 : i32
        %dma_start3A_53 = tpu.memref_slice %arg3[%multiple_of3A, %dma_start3A_52] : memref<2560x128xi32, #tpu.memory_space<hbm>> -> memref<40x128xi32, #tpu.memory_space<hbm>>
        tpu.enqueue_dma source(%dma_start3A_53 : memref<40x128xi32, #tpu.memory_space<hbm>>) target(%arg7 : memref<40x128xi32, #tpu.memory_space<vmem>>) target_semaphore(%run_scoped3A : memref<!tpu.dma_semaphore, #tpu.memory_space<semaphore_mem>>)
        %dma_wait3A = arith.constant 0 : i32
        %dma_wait3A_54 = tpu.memref_slice %arg3[%multiple_of3A, %dma_wait3A] : memref<2560x128xi32, #tpu.memory_space<hbm>> -> memref<40x128xi32, #tpu.memory_space<hbm>>
        %dma_wait3A_55 = arith.constant 0 : i32
        %dma_wait3A_56 = tpu.memref_slice %arg3[%multiple_of3A, %dma_wait3A_55] : memref<2560x128xi32, #tpu.memory_space<hbm>> -> memref<40x128xi32, #tpu.memory_space<hbm>>
        tpu.wait_dma2 semaphore(%run_scoped3A : memref<!tpu.dma_semaphore, #tpu.memory_space<semaphore_mem>>) src(%dma_wait3A_56 : memref<40x128xi32, #tpu.memory_space<hbm>>) dst(%arg7 : memref<40x128xi32, #tpu.memory_space<vmem>>)
        tpu.yield
      }) : () -> ()
      "tpu.region"() ({
        %run_scoped3A = tpu.sem_alloc : memref<!tpu.dma_semaphore, #tpu.memory_space<semaphore_mem>>
        %dma_start3A_50 = arith.constant 0 : i32
        %dma_start3A_51 = tpu.memref_slice %arg4[%multiple_of3A, %dma_start3A_50] : memref<2560x128xi32, #tpu.memory_space<hbm>> -> memref<40x128xi32, #tpu.memory_space<hbm>>
        %dma_start3A_52 = arith.constant 0 : i32
        %dma_start3A_53 = tpu.memref_slice %arg4[%multiple_of3A, %dma_start3A_52] : memref<2560x128xi32, #tpu.memory_space<hbm>> -> memref<40x128xi32, #tpu.memory_space<hbm>>
        tpu.enqueue_dma source(%dma_start3A_53 : memref<40x128xi32, #tpu.memory_space<hbm>>) target(%arg8 : memref<40x128xi32, #tpu.memory_space<vmem>>) target_semaphore(%run_scoped3A : memref<!tpu.dma_semaphore, #tpu.memory_space<semaphore_mem>>)
        %dma_wait3A = arith.constant 0 : i32
        %dma_wait3A_54 = tpu.memref_slice %arg4[%multiple_of3A, %dma_wait3A] : memref<2560x128xi32, #tpu.memory_space<hbm>> -> memref<40x128xi32, #tpu.memory_space<hbm>>
        %dma_wait3A_55 = arith.constant 0 : i32
        %dma_wait3A_56 = tpu.memref_slice %arg4[%multiple_of3A, %dma_wait3A_55] : memref<2560x128xi32, #tpu.memory_space<hbm>> -> memref<40x128xi32, #tpu.memory_space<hbm>>
        tpu.wait_dma2 semaphore(%run_scoped3A : memref<!tpu.dma_semaphore, #tpu.memory_space<semaphore_mem>>) src(%dma_wait3A_56 : memref<40x128xi32, #tpu.memory_space<hbm>>) dst(%arg8 : memref<40x128xi32, #tpu.memory_space<vmem>>)
        tpu.yield
      }) : () -> ()
      %dma_start3A = arith.constant 0 : i32
      %dma_start3A_32 = arith.constant 0 : i32
      %dma_start3A_33 = tpu.memref_slice %arg7[%dma_start3A, %dma_start3A_32] : memref<40x128xi32, #tpu.memory_space<vmem>> -> memref<1x128xi32, #tpu.memory_space<vmem>>
      %dma_start3A_34 = tpu.memref_squeeze %dma_start3A_33 : memref<1x128xi32, #tpu.memory_space<vmem>> -> memref<128xi32, #tpu.memory_space<vmem>>
      %dma_start3A_35 = arith.constant 0 : i32
      %dma_start3A_36 = arith.constant 0 : i32
      %dma_start3A_37 = tpu.memref_slice %arg2[%dma_start3A_35, %dma_start3A_36] : memref<10000x128xf32, #tpu.memory_space<hbm>> -> memref<10000x128xf32, #tpu.memory_space<hbm>>
      tpu.enqueue_indirect_dma source(%dma_start3A_37 : memref<10000x128xf32, #tpu.memory_space<hbm>>) target(%arg9 : memref<128x128xf32, #tpu.memory_space<vmem>>) offsets(%dma_start3A_34 : memref<128xi32, #tpu.memory_space<vmem>>) semaphore(%arg12 : memref<!tpu.dma_semaphore, #tpu.memory_space<semaphore_mem>>)
      %dma_start3A_38 = arith.constant 1 : i32
      %dma_start3A_39 = arith.constant 0 : i32
      %dma_start3A_40 = tpu.memref_slice %arg7[%dma_start3A_38, %dma_start3A_39] : memref<40x128xi32, #tpu.memory_space<vmem>> -> memref<1x128xi32, #tpu.memory_space<vmem>>
      %dma_start3A_41 = tpu.memref_squeeze %dma_start3A_40 : memref<1x128xi32, #tpu.memory_space<vmem>> -> memref<128xi32, #tpu.memory_space<vmem>>
      %dma_start3A_42 = arith.constant 0 : i32
      %dma_start3A_43 = arith.constant 0 : i32
      %dma_start3A_44 = tpu.memref_slice %arg2[%dma_start3A_42, %dma_start3A_43] : memref<10000x128xf32, #tpu.memory_space<hbm>> -> memref<10000x128xf32, #tpu.memory_space<hbm>>
      tpu.enqueue_indirect_dma source(%dma_start3A_44 : memref<10000x128xf32, #tpu.memory_space<hbm>>) target(%arg10 : memref<128x128xf32, #tpu.memory_space<vmem>>) offsets(%dma_start3A_41 : memref<128xi32, #tpu.memory_space<vmem>>) semaphore(%arg13 : memref<!tpu.dma_semaphore, #tpu.memory_space<semaphore_mem>>)
      %scan3A = arith.constant 0 : i32
      %scan3A_45 = arith.constant 0 : i32
      %scan3A_46 = arith.constant 20 : i32
      %scan3A_47 = arith.addi %scan3A_45, %scan3A_46 : i32
      %scan3A_48 = arith.constant 1 : i32
      scf.for %scan3A_50 = %scan3A_45 to %scan3A_47 step %scan3A_48  : i32 {
        %mul3A_51 = arith.constant 2 : i32
        %mul3A_52 = arith.muli %mul3A_51, %scan3A_50 : i32
        %add3A_53 = arith.constant 0 : i32
        %add3A_54 = arith.addi %mul3A_52, %add3A_53 : i32
        %dma_wait3A = arith.constant 0 : i32
        %dma_wait3A_55 = arith.constant 0 : i32
        %dma_wait3A_56 = tpu.memref_slice %arg2[%dma_wait3A, %dma_wait3A_55] : memref<10000x128xf32, #tpu.memory_space<hbm>> -> memref<128x128xf32, #tpu.memory_space<hbm>>
        %dma_wait3A_57 = arith.constant 0 : i32
        %dma_wait3A_58 = arith.constant 0 : i32
        %dma_wait3A_59 = tpu.memref_slice %arg2[%dma_wait3A_57, %dma_wait3A_58] : memref<10000x128xf32, #tpu.memory_space<hbm>> -> memref<128x128xf32, #tpu.memory_space<hbm>>
        tpu.wait_dma2 semaphore(%arg12 : memref<!tpu.dma_semaphore, #tpu.memory_space<semaphore_mem>>) src(%dma_wait3A_59 : memref<128x128xf32, #tpu.memory_space<hbm>>) dst(%arg9 : memref<128x128xf32, #tpu.memory_space<vmem>>)
        "tpu.region"() ({
          %run_scoped3A = tpu.sem_alloc : memref<!tpu.dma_semaphore, #tpu.memory_space<semaphore_mem>>
          %dma_start3A_81 = arith.constant 0 : i32
          %dma_start3A_82 = tpu.memref_slice %arg8[%add3A_54, %dma_start3A_81] : memref<40x128xi32, #tpu.memory_space<vmem>> -> memref<1x128xi32, #tpu.memory_space<vmem>>
          %dma_start3A_83 = tpu.memref_squeeze %dma_start3A_82 : memref<1x128xi32, #tpu.memory_space<vmem>> -> memref<128xi32, #tpu.memory_space<vmem>>
          %dma_start3A_84 = arith.constant 0 : i32
          %dma_start3A_85 = arith.constant 0 : i32
          %dma_start3A_86 = tpu.memref_slice %arg11[%dma_start3A_84, %dma_start3A_85] : memref<10112x128xf32, #tpu.memory_space<vmem_shared>> -> memref<10112x128xf32, #tpu.memory_space<vmem_shared>>
          tpu.enqueue_indirect_dma source(%arg9 : memref<128x128xf32, #tpu.memory_space<vmem>>) target(%dma_start3A_86 : memref<10112x128xf32, #tpu.memory_space<vmem_shared>>) offsets(%dma_start3A_83 : memref<128xi32, #tpu.memory_space<vmem>>) semaphore(%run_scoped3A : memref<!tpu.dma_semaphore, #tpu.memory_space<semaphore_mem>>) {add = true}
          %dma_wait3A_87 = arith.constant 0 : i32
          %dma_wait3A_88 = tpu.memref_slice %arg8[%add3A_54, %dma_wait3A_87] : memref<40x128xi32, #tpu.memory_space<vmem>> -> memref<1x128xi32, #tpu.memory_space<vmem>>
          %dma_wait3A_89 = tpu.memref_squeeze %dma_wait3A_88 : memref<1x128xi32, #tpu.memory_space<vmem>> -> memref<128xi32, #tpu.memory_space<vmem>>
          %dma_wait3A_90 = arith.constant 0 : i32
          %dma_wait3A_91 = arith.constant 0 : i32
          %dma_wait3A_92 = tpu.memref_slice %arg11[%dma_wait3A_90, %dma_wait3A_91] : memref<10112x128xf32, #tpu.memory_space<vmem_shared>> -> memref<10112x128xf32, #tpu.memory_space<vmem_shared>>
          tpu.wait_indirect_dma semaphore(%run_scoped3A : memref<!tpu.dma_semaphore, #tpu.memory_space<semaphore_mem>>) src(%arg9 : memref<128x128xf32, #tpu.memory_space<vmem>>) dst(%dma_wait3A_92 : memref<10112x128xf32, #tpu.memory_space<vmem_shared>>)
          tpu.yield
        }) : () -> ()
        %add3A_60 = arith.constant 2 : i32
        %add3A_61 = arith.addi %add3A_54, %add3A_60 : i32
        %lt3A = arith.constant 40 : i32
        %lt3A_62 = arith.cmpi slt, %add3A_61, %lt3A : i32
        %convert_element_type3A = arith.extui %lt3A_62 : i1 to i32
        %cond3A = arith.constant 0 : i32
        %cond3A_63 = arith.cmpi ne, %convert_element_type3A, %cond3A : i32
        scf.if %cond3A_63 {
          %add3A_81 = arith.constant 2 : i32
          %add3A_82 = arith.addi %add3A_54, %add3A_81 : i32
          %dma_start3A_83 = arith.constant 0 : i32
          %dma_start3A_84 = tpu.memref_slice %arg7[%add3A_82, %dma_start3A_83] : memref<40x128xi32, #tpu.memory_space<vmem>> -> memref<1x128xi32, #tpu.memory_space<vmem>>
          %dma_start3A_85 = tpu.memref_squeeze %dma_start3A_84 : memref<1x128xi32, #tpu.memory_space<vmem>> -> memref<128xi32, #tpu.memory_space<vmem>>
          %dma_start3A_86 = arith.constant 0 : i32
          %dma_start3A_87 = arith.constant 0 : i32
          %dma_start3A_88 = tpu.memref_slice %arg2[%dma_start3A_86, %dma_start3A_87] : memref<10000x128xf32, #tpu.memory_space<hbm>> -> memref<10000x128xf32, #tpu.memory_space<hbm>>
          tpu.enqueue_indirect_dma source(%dma_start3A_88 : memref<10000x128xf32, #tpu.memory_space<hbm>>) target(%arg9 : memref<128x128xf32, #tpu.memory_space<vmem>>) offsets(%dma_start3A_85 : memref<128xi32, #tpu.memory_space<vmem>>) semaphore(%arg12 : memref<!tpu.dma_semaphore, #tpu.memory_space<semaphore_mem>>)
        } else {
        }
        %mul3A_64 = arith.constant 2 : i32
        %mul3A_65 = arith.muli %mul3A_64, %scan3A_50 : i32
        %add3A_66 = arith.constant 1 : i32
        %add3A_67 = arith.addi %mul3A_65, %add3A_66 : i32
        %dma_wait3A_68 = arith.constant 0 : i32
        %dma_wait3A_69 = arith.constant 0 : i32
        %dma_wait3A_70 = tpu.memref_slice %arg2[%dma_wait3A_68, %dma_wait3A_69] : memref<10000x128xf32, #tpu.memory_space<hbm>> -> memref<128x128xf32, #tpu.memory_space<hbm>>
        %dma_wait3A_71 = arith.constant 0 : i32
        %dma_wait3A_72 = arith.constant 0 : i32
        %dma_wait3A_73 = tpu.memref_slice %arg2[%dma_wait3A_71, %dma_wait3A_72] : memref<10000x128xf32, #tpu.memory_space<hbm>> -> memref<128x128xf32, #tpu.memory_space<hbm>>
        tpu.wait_dma2 semaphore(%arg13 : memref<!tpu.dma_semaphore, #tpu.memory_space<semaphore_mem>>) src(%dma_wait3A_73 : memref<128x128xf32, #tpu.memory_space<hbm>>) dst(%arg10 : memref<128x128xf32, #tpu.memory_space<vmem>>)
        "tpu.region"() ({
          %run_scoped3A = tpu.sem_alloc : memref<!tpu.dma_semaphore, #tpu.memory_space<semaphore_mem>>
          %dma_start3A_81 = arith.constant 0 : i32
          %dma_start3A_82 = tpu.memref_slice %arg8[%add3A_67, %dma_start3A_81] : memref<40x128xi32, #tpu.memory_space<vmem>> -> memref<1x128xi32, #tpu.memory_space<vmem>>
          %dma_start3A_83 = tpu.memref_squeeze %dma_start3A_82 : memref<1x128xi32, #tpu.memory_space<vmem>> -> memref<128xi32, #tpu.memory_space<vmem>>
          %dma_start3A_84 = arith.constant 0 : i32
          %dma_start3A_85 = arith.constant 0 : i32
          %dma_start3A_86 = tpu.memref_slice %arg11[%dma_start3A_84, %dma_start3A_85] : memref<10112x128xf32, #tpu.memory_space<vmem_shared>> -> memref<10112x128xf32, #tpu.memory_space<vmem_shared>>
          tpu.enqueue_indirect_dma source(%arg10 : memref<128x128xf32, #tpu.memory_space<vmem>>) target(%dma_start3A_86 : memref<10112x128xf32, #tpu.memory_space<vmem_shared>>) offsets(%dma_start3A_83 : memref<128xi32, #tpu.memory_space<vmem>>) semaphore(%run_scoped3A : memref<!tpu.dma_semaphore, #tpu.memory_space<semaphore_mem>>) {add = true}
          %dma_wait3A_87 = arith.constant 0 : i32
          %dma_wait3A_88 = tpu.memref_slice %arg8[%add3A_67, %dma_wait3A_87] : memref<40x128xi32, #tpu.memory_space<vmem>> -> memref<1x128xi32, #tpu.memory_space<vmem>>
          %dma_wait3A_89 = tpu.memref_squeeze %dma_wait3A_88 : memref<1x128xi32, #tpu.memory_space<vmem>> -> memref<128xi32, #tpu.memory_space<vmem>>
          %dma_wait3A_90 = arith.constant 0 : i32
          %dma_wait3A_91 = arith.constant 0 : i32
          %dma_wait3A_92 = tpu.memref_slice %arg11[%dma_wait3A_90, %dma_wait3A_91] : memref<10112x128xf32, #tpu.memory_space<vmem_shared>> -> memref<10112x128xf32, #tpu.memory_space<vmem_shared>>
          tpu.wait_indirect_dma semaphore(%run_scoped3A : memref<!tpu.dma_semaphore, #tpu.memory_space<semaphore_mem>>) src(%arg10 : memref<128x128xf32, #tpu.memory_space<vmem>>) dst(%dma_wait3A_92 : memref<10112x128xf32, #tpu.memory_space<vmem_shared>>)
          tpu.yield
        }) : () -> ()
        %add3A_74 = arith.constant 2 : i32
        %add3A_75 = arith.addi %add3A_67, %add3A_74 : i32
        %lt3A_76 = arith.constant 40 : i32
        %lt3A_77 = arith.cmpi slt, %add3A_75, %lt3A_76 : i32
        %convert_element_type3A_78 = arith.extui %lt3A_77 : i1 to i32
        %cond3A_79 = arith.constant 0 : i32
        %cond3A_80 = arith.cmpi ne, %convert_element_type3A_78, %cond3A_79 : i32
        scf.if %cond3A_80 {
          %add3A_81 = arith.constant 2 : i32
          %add3A_82 = arith.addi %add3A_67, %add3A_81 : i32
          %dma_start3A_83 = arith.constant 0 : i32
          %dma_start3A_84 = tpu.memref_slice %arg7[%add3A_82, %dma_start3A_83] : memref<40x128xi32, #tpu.memory_space<vmem>> -> memref<1x128xi32, #tpu.memory_space<vmem>>
          %dma_start3A_85 = tpu.memref_squeeze %dma_start3A_84 : memref<1x128xi32, #tpu.memory_space<vmem>> -> memref<128xi32, #tpu.memory_space<vmem>>
          %dma_start3A_86 = arith.constant 0 : i32
          %dma_start3A_87 = arith.constant 0 : i32
          %dma_start3A_88 = tpu.memref_slice %arg2[%dma_start3A_86, %dma_start3A_87] : memref<10000x128xf32, #tpu.memory_space<hbm>> -> memref<10000x128xf32, #tpu.memory_space<hbm>>
          tpu.enqueue_indirect_dma source(%dma_start3A_88 : memref<10000x128xf32, #tpu.memory_space<hbm>>) target(%arg10 : memref<128x128xf32, #tpu.memory_space<vmem>>) offsets(%dma_start3A_85 : memref<128xi32, #tpu.memory_space<vmem>>) semaphore(%arg13 : memref<!tpu.dma_semaphore, #tpu.memory_space<semaphore_mem>>)
        } else {
        }
      }
      %scan3A_49 = arith.constant 20 : i32
    }
    %while3A_19 = arith.constant 1 : i32
    scf.for %while3A_28 = %while3A_17 to %while3A_13 step %while3A_19  : i32 {
      %mul3A_29 = arith.constant 40 : i32
      %mul3A_30 = arith.muli %while3A_28, %mul3A_29 : i32
      %add3A_31 = arith.addi %add3A, %mul3A_30 : i32
      %multiple_of3A = tpu.assume_multiple %add3A_31, 8 : i32
      "tpu.region"() ({
        %run_scoped3A = tpu.sem_alloc : memref<!tpu.dma_semaphore, #tpu.memory_space<semaphore_mem>>
        %dma_start3A_50 = arith.constant 0 : i32
        %dma_start3A_51 = tpu.memref_slice %arg3[%multiple_of3A, %dma_start3A_50] : memref<2560x128xi32, #tpu.memory_space<hbm>> -> memref<40x128xi32, #tpu.memory_space<hbm>>
        %dma_start3A_52 = arith.constant 0 : i32
        %dma_start3A_53 = tpu.memref_slice %arg3[%multiple_of3A, %dma_start3A_52] : memref<2560x128xi32, #tpu.memory_space<hbm>> -> memref<40x128xi32, #tpu.memory_space<hbm>>
        tpu.enqueue_dma source(%dma_start3A_53 : memref<40x128xi32, #tpu.memory_space<hbm>>) target(%arg7 : memref<40x128xi32, #tpu.memory_space<vmem>>) target_semaphore(%run_scoped3A : memref<!tpu.dma_semaphore, #tpu.memory_space<semaphore_mem>>)
        %dma_wait3A = arith.constant 0 : i32
        %dma_wait3A_54 = tpu.memref_slice %arg3[%multiple_of3A, %dma_wait3A] : memref<2560x128xi32, #tpu.memory_space<hbm>> -> memref<40x128xi32, #tpu.memory_space<hbm>>
        %dma_wait3A_55 = arith.constant 0 : i32
        %dma_wait3A_56 = tpu.memref_slice %arg3[%multiple_of3A, %dma_wait3A_55] : memref<2560x128xi32, #tpu.memory_space<hbm>> -> memref<40x128xi32, #tpu.memory_space<hbm>>
        tpu.wait_dma2 semaphore(%run_scoped3A : memref<!tpu.dma_semaphore, #tpu.memory_space<semaphore_mem>>) src(%dma_wait3A_56 : memref<40x128xi32, #tpu.memory_space<hbm>>) dst(%arg7 : memref<40x128xi32, #tpu.memory_space<vmem>>)
        tpu.yield
      }) : () -> ()
      "tpu.region"() ({
        %run_scoped3A = tpu.sem_alloc : memref<!tpu.dma_semaphore, #tpu.memory_space<semaphore_mem>>
        %dma_start3A_50 = arith.constant 0 : i32
        %dma_start3A_51 = tpu.memref_slice %arg4[%multiple_of3A, %dma_start3A_50] : memref<2560x128xi32, #tpu.memory_space<hbm>> -> memref<40x128xi32, #tpu.memory_space<hbm>>
        %dma_start3A_52 = arith.constant 0 : i32
        %dma_start3A_53 = tpu.memref_slice %arg4[%multiple_of3A, %dma_start3A_52] : memref<2560x128xi32, #tpu.memory_space<hbm>> -> memref<40x128xi32, #tpu.memory_space<hbm>>
        tpu.enqueue_dma source(%dma_start3A_53 : memref<40x128xi32, #tpu.memory_space<hbm>>) target(%arg8 : memref<40x128xi32, #tpu.memory_space<vmem>>) target_semaphore(%run_scoped3A : memref<!tpu.dma_semaphore, #tpu.memory_space<semaphore_mem>>)
        %dma_wait3A = arith.constant 0 : i32
        %dma_wait3A_54 = tpu.memref_slice %arg4[%multiple_of3A, %dma_wait3A] : memref<2560x128xi32, #tpu.memory_space<hbm>> -> memref<40x128xi32, #tpu.memory_space<hbm>>
        %dma_wait3A_55 = arith.constant 0 : i32
        %dma_wait3A_56 = tpu.memref_slice %arg4[%multiple_of3A, %dma_wait3A_55] : memref<2560x128xi32, #tpu.memory_space<hbm>> -> memref<40x128xi32, #tpu.memory_space<hbm>>
        tpu.wait_dma2 semaphore(%run_scoped3A : memref<!tpu.dma_semaphore, #tpu.memory_space<semaphore_mem>>) src(%dma_wait3A_56 : memref<40x128xi32, #tpu.memory_space<hbm>>) dst(%arg8 : memref<40x128xi32, #tpu.memory_space<vmem>>)
        tpu.yield
      }) : () -> ()
      %dma_start3A = arith.constant 0 : i32
      %dma_start3A_32 = arith.constant 0 : i32
      %dma_start3A_33 = tpu.memref_slice %arg7[%dma_start3A, %dma_start3A_32] : memref<40x128xi32, #tpu.memory_space<vmem>> -> memref<1x128xi32, #tpu.memory_space<vmem>>
      %dma_start3A_34 = tpu.memref_squeeze %dma_start3A_33 : memref<1x128xi32, #tpu.memory_space<vmem>> -> memref<128xi32, #tpu.memory_space<vmem>>
      %dma_start3A_35 = arith.constant 0 : i32
      %dma_start3A_36 = arith.constant 0 : i32
      %dma_start3A_37 = tpu.memref_slice %arg2[%dma_start3A_35, %dma_start3A_36] : memref<10000x128xf32, #tpu.memory_space<hbm>> -> memref<10000x128xf32, #tpu.memory_space<hbm>>
      tpu.enqueue_indirect_dma source(%dma_start3A_37 : memref<10000x128xf32, #tpu.memory_space<hbm>>) target(%arg9 : memref<128x128xf32, #tpu.memory_space<vmem>>) offsets(%dma_start3A_34 : memref<128xi32, #tpu.memory_space<vmem>>) semaphore(%arg12 : memref<!tpu.dma_semaphore, #tpu.memory_space<semaphore_mem>>)
      %dma_start3A_38 = arith.constant 1 : i32
      %dma_start3A_39 = arith.constant 0 : i32
      %dma_start3A_40 = tpu.memref_slice %arg7[%dma_start3A_38, %dma_start3A_39] : memref<40x128xi32, #tpu.memory_space<vmem>> -> memref<1x128xi32, #tpu.memory_space<vmem>>
      %dma_start3A_41 = tpu.memref_squeeze %dma_start3A_40 : memref<1x128xi32, #tpu.memory_space<vmem>> -> memref<128xi32, #tpu.memory_space<vmem>>
      %dma_start3A_42 = arith.constant 0 : i32
      %dma_start3A_43 = arith.constant 0 : i32
      %dma_start3A_44 = tpu.memref_slice %arg2[%dma_start3A_42, %dma_start3A_43] : memref<10000x128xf32, #tpu.memory_space<hbm>> -> memref<10000x128xf32, #tpu.memory_space<hbm>>
      tpu.enqueue_indirect_dma source(%dma_start3A_44 : memref<10000x128xf32, #tpu.memory_space<hbm>>) target(%arg10 : memref<128x128xf32, #tpu.memory_space<vmem>>) offsets(%dma_start3A_41 : memref<128xi32, #tpu.memory_space<vmem>>) semaphore(%arg13 : memref<!tpu.dma_semaphore, #tpu.memory_space<semaphore_mem>>)
      %scan3A = arith.constant 0 : i32
      %scan3A_45 = arith.constant 0 : i32
      %scan3A_46 = arith.constant 20 : i32
      %scan3A_47 = arith.addi %scan3A_45, %scan3A_46 : i32
      %scan3A_48 = arith.constant 1 : i32
      scf.for %scan3A_50 = %scan3A_45 to %scan3A_47 step %scan3A_48  : i32 {
        %mul3A_51 = arith.constant 2 : i32
        %mul3A_52 = arith.muli %mul3A_51, %scan3A_50 : i32
        %add3A_53 = arith.constant 0 : i32
        %add3A_54 = arith.addi %mul3A_52, %add3A_53 : i32
        %dma_wait3A = arith.constant 0 : i32
        %dma_wait3A_55 = arith.constant 0 : i32
        %dma_wait3A_56 = tpu.memref_slice %arg2[%dma_wait3A, %dma_wait3A_55] : memref<10000x128xf32, #tpu.memory_space<hbm>> -> memref<128x128xf32, #tpu.memory_space<hbm>>
        %dma_wait3A_57 = arith.constant 0 : i32
        %dma_wait3A_58 = arith.constant 0 : i32
        %dma_wait3A_59 = tpu.memref_slice %arg2[%dma_wait3A_57, %dma_wait3A_58] : memref<10000x128xf32, #tpu.memory_space<hbm>> -> memref<128x128xf32, #tpu.memory_space<hbm>>
        tpu.wait_dma2 semaphore(%arg12 : memref<!tpu.dma_semaphore, #tpu.memory_space<semaphore_mem>>) src(%dma_wait3A_59 : memref<128x128xf32, #tpu.memory_space<hbm>>) dst(%arg9 : memref<128x128xf32, #tpu.memory_space<vmem>>)
        "tpu.region"() ({
          %run_scoped3A = tpu.sem_alloc : memref<!tpu.dma_semaphore, #tpu.memory_space<semaphore_mem>>
          %dma_start3A_81 = arith.constant 0 : i32
          %dma_start3A_82 = tpu.memref_slice %arg8[%add3A_54, %dma_start3A_81] : memref<40x128xi32, #tpu.memory_space<vmem>> -> memref<1x128xi32, #tpu.memory_space<vmem>>
          %dma_start3A_83 = tpu.memref_squeeze %dma_start3A_82 : memref<1x128xi32, #tpu.memory_space<vmem>> -> memref<128xi32, #tpu.memory_space<vmem>>
          %dma_start3A_84 = arith.constant 0 : i32
          %dma_start3A_85 = arith.constant 0 : i32
          %dma_start3A_86 = tpu.memref_slice %arg11[%dma_start3A_84, %dma_start3A_85] : memref<10112x128xf32, #tpu.memory_space<vmem_shared>> -> memref<10112x128xf32, #tpu.memory_space<vmem_shared>>
          tpu.enqueue_indirect_dma source(%arg9 : memref<128x128xf32, #tpu.memory_space<vmem>>) target(%dma_start3A_86 : memref<10112x128xf32, #tpu.memory_space<vmem_shared>>) offsets(%dma_start3A_83 : memref<128xi32, #tpu.memory_space<vmem>>) semaphore(%run_scoped3A : memref<!tpu.dma_semaphore, #tpu.memory_space<semaphore_mem>>) {add = true}
          %dma_wait3A_87 = arith.constant 0 : i32
          %dma_wait3A_88 = tpu.memref_slice %arg8[%add3A_54, %dma_wait3A_87] : memref<40x128xi32, #tpu.memory_space<vmem>> -> memref<1x128xi32, #tpu.memory_space<vmem>>
          %dma_wait3A_89 = tpu.memref_squeeze %dma_wait3A_88 : memref<1x128xi32, #tpu.memory_space<vmem>> -> memref<128xi32, #tpu.memory_space<vmem>>
          %dma_wait3A_90 = arith.constant 0 : i32
          %dma_wait3A_91 = arith.constant 0 : i32
          %dma_wait3A_92 = tpu.memref_slice %arg11[%dma_wait3A_90, %dma_wait3A_91] : memref<10112x128xf32, #tpu.memory_space<vmem_shared>> -> memref<10112x128xf32, #tpu.memory_space<vmem_shared>>
          tpu.wait_indirect_dma semaphore(%run_scoped3A : memref<!tpu.dma_semaphore, #tpu.memory_space<semaphore_mem>>) src(%arg9 : memref<128x128xf32, #tpu.memory_space<vmem>>) dst(%dma_wait3A_92 : memref<10112x128xf32, #tpu.memory_space<vmem_shared>>)
          tpu.yield
        }) : () -> ()
        %add3A_60 = arith.constant 2 : i32
        %add3A_61 = arith.addi %add3A_54, %add3A_60 : i32
        %lt3A = arith.constant 40 : i32
        %lt3A_62 = arith.cmpi slt, %add3A_61, %lt3A : i32
        %convert_element_type3A = arith.extui %lt3A_62 : i1 to i32
        %cond3A = arith.constant 0 : i32
        %cond3A_63 = arith.cmpi ne, %convert_element_type3A, %cond3A : i32
        scf.if %cond3A_63 {
          %add3A_81 = arith.constant 2 : i32
          %add3A_82 = arith.addi %add3A_54, %add3A_81 : i32
          %dma_start3A_83 = arith.constant 0 : i32
          %dma_start3A_84 = tpu.memref_slice %arg7[%add3A_82, %dma_start3A_83] : memref<40x128xi32, #tpu.memory_space<vmem>> -> memref<1x128xi32, #tpu.memory_space<vmem>>
          %dma_start3A_85 = tpu.memref_squeeze %dma_start3A_84 : memref<1x128xi32, #tpu.memory_space<vmem>> -> memref<128xi32, #tpu.memory_space<vmem>>
          %dma_start3A_86 = arith.constant 0 : i32
          %dma_start3A_87 = arith.constant 0 : i32
          %dma_start3A_88 = tpu.memref_slice %arg2[%dma_start3A_86, %dma_start3A_87] : memref<10000x128xf32, #tpu.memory_space<hbm>> -> memref<10000x128xf32, #tpu.memory_space<hbm>>
          tpu.enqueue_indirect_dma source(%dma_start3A_88 : memref<10000x128xf32, #tpu.memory_space<hbm>>) target(%arg9 : memref<128x128xf32, #tpu.memory_space<vmem>>) offsets(%dma_start3A_85 : memref<128xi32, #tpu.memory_space<vmem>>) semaphore(%arg12 : memref<!tpu.dma_semaphore, #tpu.memory_space<semaphore_mem>>)
        } else {
        }
        %mul3A_64 = arith.constant 2 : i32
        %mul3A_65 = arith.muli %mul3A_64, %scan3A_50 : i32
        %add3A_66 = arith.constant 1 : i32
        %add3A_67 = arith.addi %mul3A_65, %add3A_66 : i32
        %dma_wait3A_68 = arith.constant 0 : i32
        %dma_wait3A_69 = arith.constant 0 : i32
        %dma_wait3A_70 = tpu.memref_slice %arg2[%dma_wait3A_68, %dma_wait3A_69] : memref<10000x128xf32, #tpu.memory_space<hbm>> -> memref<128x128xf32, #tpu.memory_space<hbm>>
        %dma_wait3A_71 = arith.constant 0 : i32
        %dma_wait3A_72 = arith.constant 0 : i32
        %dma_wait3A_73 = tpu.memref_slice %arg2[%dma_wait3A_71, %dma_wait3A_72] : memref<10000x128xf32, #tpu.memory_space<hbm>> -> memref<128x128xf32, #tpu.memory_space<hbm>>
        tpu.wait_dma2 semaphore(%arg13 : memref<!tpu.dma_semaphore, #tpu.memory_space<semaphore_mem>>) src(%dma_wait3A_73 : memref<128x128xf32, #tpu.memory_space<hbm>>) dst(%arg10 : memref<128x128xf32, #tpu.memory_space<vmem>>)
        "tpu.region"() ({
          %run_scoped3A = tpu.sem_alloc : memref<!tpu.dma_semaphore, #tpu.memory_space<semaphore_mem>>
          %dma_start3A_81 = arith.constant 0 : i32
          %dma_start3A_82 = tpu.memref_slice %arg8[%add3A_67, %dma_start3A_81] : memref<40x128xi32, #tpu.memory_space<vmem>> -> memref<1x128xi32, #tpu.memory_space<vmem>>
          %dma_start3A_83 = tpu.memref_squeeze %dma_start3A_82 : memref<1x128xi32, #tpu.memory_space<vmem>> -> memref<128xi32, #tpu.memory_space<vmem>>
          %dma_start3A_84 = arith.constant 0 : i32
          %dma_start3A_85 = arith.constant 0 : i32
          %dma_start3A_86 = tpu.memref_slice %arg11[%dma_start3A_84, %dma_start3A_85] : memref<10112x128xf32, #tpu.memory_space<vmem_shared>> -> memref<10112x128xf32, #tpu.memory_space<vmem_shared>>
          tpu.enqueue_indirect_dma source(%arg10 : memref<128x128xf32, #tpu.memory_space<vmem>>) target(%dma_start3A_86 : memref<10112x128xf32, #tpu.memory_space<vmem_shared>>) offsets(%dma_start3A_83 : memref<128xi32, #tpu.memory_space<vmem>>) semaphore(%run_scoped3A : memref<!tpu.dma_semaphore, #tpu.memory_space<semaphore_mem>>) {add = true}
          %dma_wait3A_87 = arith.constant 0 : i32
          %dma_wait3A_88 = tpu.memref_slice %arg8[%add3A_67, %dma_wait3A_87] : memref<40x128xi32, #tpu.memory_space<vmem>> -> memref<1x128xi32, #tpu.memory_space<vmem>>
          %dma_wait3A_89 = tpu.memref_squeeze %dma_wait3A_88 : memref<1x128xi32, #tpu.memory_space<vmem>> -> memref<128xi32, #tpu.memory_space<vmem>>
          %dma_wait3A_90 = arith.constant 0 : i32
          %dma_wait3A_91 = arith.constant 0 : i32
          %dma_wait3A_92 = tpu.memref_slice %arg11[%dma_wait3A_90, %dma_wait3A_91] : memref<10112x128xf32, #tpu.memory_space<vmem_shared>> -> memref<10112x128xf32, #tpu.memory_space<vmem_shared>>
          tpu.wait_indirect_dma semaphore(%run_scoped3A : memref<!tpu.dma_semaphore, #tpu.memory_space<semaphore_mem>>) src(%arg10 : memref<128x128xf32, #tpu.memory_space<vmem>>) dst(%dma_wait3A_92 : memref<10112x128xf32, #tpu.memory_space<vmem_shared>>)
          tpu.yield
        }) : () -> ()
        %add3A_74 = arith.constant 2 : i32
        %add3A_75 = arith.addi %add3A_67, %add3A_74 : i32
        %lt3A_76 = arith.constant 40 : i32
        %lt3A_77 = arith.cmpi slt, %add3A_75, %lt3A_76 : i32
        %convert_element_type3A_78 = arith.extui %lt3A_77 : i1 to i32
        %cond3A_79 = arith.constant 0 : i32
        %cond3A_80 = arith.cmpi ne, %convert_element_type3A_78, %cond3A_79 : i32
        scf.if %cond3A_80 {
          %add3A_81 = arith.constant 2 : i32
          %add3A_82 = arith.addi %add3A_67, %add3A_81 : i32
          %dma_start3A_83 = arith.constant 0 : i32
          %dma_start3A_84 = tpu.memref_slice %arg7[%add3A_82, %dma_start3A_83] : memref<40x128xi32, #tpu.memory_space<vmem>> -> memref<1x128xi32, #tpu.memory_space<vmem>>
          %dma_start3A_85 = tpu.memref_squeeze %dma_start3A_84 : memref<1x128xi32, #tpu.memory_space<vmem>> -> memref<128xi32, #tpu.memory_space<vmem>>
          %dma_start3A_86 = arith.constant 0 : i32
          %dma_start3A_87 = arith.constant 0 : i32
          %dma_start3A_88 = tpu.memref_slice %arg2[%dma_start3A_86, %dma_start3A_87] : memref<10000x128xf32, #tpu.memory_space<hbm>> -> memref<10000x128xf32, #tpu.memory_space<hbm>>
          tpu.enqueue_indirect_dma source(%dma_start3A_88 : memref<10000x128xf32, #tpu.memory_space<hbm>>) target(%arg10 : memref<128x128xf32, #tpu.memory_space<vmem>>) offsets(%dma_start3A_85 : memref<128xi32, #tpu.memory_space<vmem>>) semaphore(%arg13 : memref<!tpu.dma_semaphore, #tpu.memory_space<semaphore_mem>>)
        } else {
        }
      }
      %scan3A_49 = arith.constant 20 : i32
    }
    %barrier3A_20 = arith.constant 0 : index
    tpu.barrier barrier_id(%barrier3A_20)
    %mul3A_21 = arith.constant 632 : i32
    %mul3A_22 = arith.muli %arg1, %mul3A_21 : i32
    %mul3A_23 = arith.constant 10112 : i32
    %mul3A_24 = arith.muli %arg0, %mul3A_23 : i32
    %mul3A_25 = arith.constant 632 : i32
    %mul3A_26 = arith.muli %arg1, %mul3A_25 : i32
    %add3A_27 = arith.addi %mul3A_24, %mul3A_26 : i32
    "tpu.region"() ({
      %run_scoped3A = tpu.sem_alloc : memref<!tpu.dma_semaphore, #tpu.memory_space<semaphore_mem>>
      %dma_start3A = arith.constant 0 : i32
      %dma_start3A_28 = tpu.memref_slice %arg6[%add3A_27, %dma_start3A] : memref<20224x128xf32, #tpu.memory_space<hbm>> -> memref<632x128xf32, #tpu.memory_space<hbm>>
      %dma_start3A_29 = arith.constant 0 : i32
      %dma_start3A_30 = tpu.memref_slice %arg11[%mul3A_22, %dma_start3A_29] : memref<10112x128xf32, #tpu.memory_space<vmem_shared>> -> memref<632x128xf32, #tpu.memory_space<vmem_shared>>
      tpu.enqueue_dma source(%dma_start3A_30 : memref<632x128xf32, #tpu.memory_space<vmem_shared>>) target(%dma_start3A_28 : memref<632x128xf32, #tpu.memory_space<hbm>>) target_semaphore(%run_scoped3A : memref<!tpu.dma_semaphore, #tpu.memory_space<semaphore_mem>>)
      %dma_wait3A = arith.constant 0 : i32
      %dma_wait3A_31 = tpu.memref_slice %arg6[%add3A_27, %dma_wait3A] : memref<20224x128xf32, #tpu.memory_space<hbm>> -> memref<632x128xf32, #tpu.memory_space<hbm>>
      %dma_wait3A_32 = arith.constant 0 : i32
      %dma_wait3A_33 = tpu.memref_slice %arg11[%mul3A_22, %dma_wait3A_32] : memref<10112x128xf32, #tpu.memory_space<vmem_shared>> -> memref<632x128xf32, #tpu.memory_space<vmem_shared>>
      tpu.wait_dma2 semaphore(%run_scoped3A : memref<!tpu.dma_semaphore, #tpu.memory_space<semaphore_mem>>) src(%dma_wait3A_33 : memref<632x128xf32, #tpu.memory_space<vmem_shared>>) dst(%dma_wait3A_31 : memref<632x128xf32, #tpu.memory_space<hbm>>)
      tpu.yield
    }) : () -> ()
    return
  }
}

#map = affine_map<(d0, d1) -> (0, 0)>
module attributes {stable_mosaic.version = 14 : i64} {
  func.func @_sc_scatter(%arg0: i32, %arg1: i32, %arg2: memref<10000x128xf32, #tpu.memory_space<hbm>>, %arg3: memref<2560x128xi32, #tpu.memory_space<hbm>>, %arg4: memref<2560x128xi32, #tpu.memory_space<hbm>>, %arg5: memref<632x128xf32, #tpu.memory_space<hbm>>, %arg6: memref<20224x128xf32, #tpu.memory_space<hbm>>, %arg7: memref<40x128xi32, #tpu.memory_space<vmem>>, %arg8: memref<40x128xi32, #tpu.memory_space<vmem>>, %arg9: memref<128x128xf32, #tpu.memory_space<vmem>>, %arg10: memref<128x128xf32, #tpu.memory_space<vmem>>, %arg11: memref<10112x128xf32, #tpu.memory_space<vmem_shared>>, %arg12: memref<!tpu.dma_semaphore, #tpu.memory_space<semaphore_mem>>, %arg13: memref<!tpu.dma_semaphore, #tpu.memory_space<semaphore_mem>>) attributes {dimension_semantics = [#tpu.dimension_semantics<core_parallel>, #tpu.dimension_semantics<subcore_parallel>], iteration_bounds = array<i64: 2, 16>, scalar_prefetch = 0 : i64, scratch_operands = 7 : i64, tpu.core_type = #tpu.core_type<sc_vector_subcore>, window_params = [{transform_indices = #map}, {transform_indices = #map}, {transform_indices = #map}, {transform_indices = #map}, {transform_indices = #map}]} {
    %mul3A = arith.constant 632 : i32
    %mul3A_0 = arith.muli %arg1, %mul3A : i32
    "tpu.region"() ({
      %run_scoped3A = tpu.sem_alloc : memref<!tpu.dma_semaphore, #tpu.memory_space<semaphore_mem>>
      %dma_start3A = arith.constant 0 : i32
      %dma_start3A_28 = tpu.memref_slice %arg11[%mul3A_0, %dma_start3A] : memref<10112x128xf32, #tpu.memory_space<vmem_shared>> -> memref<632x128xf32, #tpu.memory_space<vmem_shared>>
      tpu.enqueue_dma source(%arg5 : memref<632x128xf32, #tpu.memory_space<hbm>>) target(%dma_start3A_28 : memref<632x128xf32, #tpu.memory_space<vmem_shared>>) target_semaphore(%run_scoped3A : memref<!tpu.dma_semaphore, #tpu.memory_space<semaphore_mem>>)
      %dma_wait3A = arith.constant 0 : i32
      %dma_wait3A_29 = tpu.memref_slice %arg11[%mul3A_0, %dma_wait3A] : memref<10112x128xf32, #tpu.memory_space<vmem_shared>> -> memref<632x128xf32, #tpu.memory_space<vmem_shared>>
      tpu.wait_dma2 semaphore(%run_scoped3A : memref<!tpu.dma_semaphore, #tpu.memory_space<semaphore_mem>>) src(%arg5 : memref<632x128xf32, #tpu.memory_space<hbm>>) dst(%dma_wait3A_29 : memref<632x128xf32, #tpu.memory_space<vmem_shared>>)
      tpu.yield
    }) : () -> ()
    %barrier3A = arith.constant 0 : index
    tpu.barrier barrier_id(%barrier3A)
    %eq3A = arith.constant 0 : i32
    %eq3A_1 = arith.cmpi eq, %arg0, %eq3A : i32
    %jit3A = arith.constant 80 : i32
    %jit3A_2 = arith.constant 80 : i32
    %select_n3A = arith.select %eq3A_1, %jit3A, %jit3A_2 : i32
    %mul3A_3 = arith.constant 1280 : i32
    %mul3A_4 = arith.muli %arg0, %mul3A_3 : i32
    %mul3A_5 = arith.muli %arg1, %select_n3A : i32
    %add3A = arith.addi %mul3A_4, %mul3A_5 : i32
    %eq3A_6 = arith.constant 0 : i32
    %eq3A_7 = arith.cmpi eq, %arg0, %eq3A_6 : i32
    %jit3A_8 = arith.constant 2 : i32
    %jit3A_9 = arith.constant 2 : i32
    %select_n3A_10 = arith.select %eq3A_7, %jit3A_8, %jit3A_9 : i32
    %while3A = arith.constant 0 : i32
    %while3A_11 = arith.constant 0 : i32
    %while3A_12 = arith.subi %select_n3A_10, %while3A_11 : i32
    %while3A_13 = arith.addi %while3A_11, %while3A_12 : i32
    %while3A_14 = arith.constant 1 : i32
    %while3A_15 = arith.divsi %while3A_12, %while3A_14 : i32
    %while3A_16 = arith.muli %while3A_15, %while3A_14 : i32
    %while3A_17 = arith.addi %while3A_11, %while3A_16 : i32
    %while3A_18 = arith.constant 1 : i32
    scf.for %while3A_28 = %while3A_11 to %while3A_17 step %while3A_18  : i32 {
      %mul3A_29 = arith.constant 40 : i32
      %mul3A_30 = arith.muli %while3A_28, %mul3A_29 : i32
      %add3A_31 = arith.addi %add3A, %mul3A_30 : i32
      %multiple_of3A = tpu.assume_multiple %add3A_31, 8 : i32
      "tpu.region"() ({
        %run_scoped3A = tpu.sem_alloc : memref<!tpu.dma_semaphore, #tpu.memory_space<semaphore_mem>>
        %dma_start3A_50 = arith.constant 0 : i32
        %dma_start3A_51 = tpu.memref_slice %arg3[%multiple_of3A, %dma_start3A_50] : memref<2560x128xi32, #tpu.memory_space<hbm>> -> memref<40x128xi32, #tpu.memory_space<hbm>>
        %dma_start3A_52 = arith.constant 0 : i32
        %dma_start3A_53 = tpu.memref_slice %arg3[%multiple_of3A, %dma_start3A_52] : memref<2560x128xi32, #tpu.memory_space<hbm>> -> memref<40x128xi32, #tpu.memory_space<hbm>>
        tpu.enqueue_dma source(%dma_start3A_53 : memref<40x128xi32, #tpu.memory_space<hbm>>) target(%arg7 : memref<40x128xi32, #tpu.memory_space<vmem>>) target_semaphore(%run_scoped3A : memref<!tpu.dma_semaphore, #tpu.memory_space<semaphore_mem>>)
        %dma_wait3A = arith.constant 0 : i32
        %dma_wait3A_54 = tpu.memref_slice %arg3[%multiple_of3A, %dma_wait3A] : memref<2560x128xi32, #tpu.memory_space<hbm>> -> memref<40x128xi32, #tpu.memory_space<hbm>>
        %dma_wait3A_55 = arith.constant 0 : i32
        %dma_wait3A_56 = tpu.memref_slice %arg3[%multiple_of3A, %dma_wait3A_55] : memref<2560x128xi32, #tpu.memory_space<hbm>> -> memref<40x128xi32, #tpu.memory_space<hbm>>
        tpu.wait_dma2 semaphore(%run_scoped3A : memref<!tpu.dma_semaphore, #tpu.memory_space<semaphore_mem>>) src(%dma_wait3A_56 : memref<40x128xi32, #tpu.memory_space<hbm>>) dst(%arg7 : memref<40x128xi32, #tpu.memory_space<vmem>>)
        tpu.yield
      }) : () -> ()
      "tpu.region"() ({
        %run_scoped3A = tpu.sem_alloc : memref<!tpu.dma_semaphore, #tpu.memory_space<semaphore_mem>>
        %dma_start3A_50 = arith.constant 0 : i32
        %dma_start3A_51 = tpu.memref_slice %arg4[%multiple_of3A, %dma_start3A_50] : memref<2560x128xi32, #tpu.memory_space<hbm>> -> memref<40x128xi32, #tpu.memory_space<hbm>>
        %dma_start3A_52 = arith.constant 0 : i32
        %dma_start3A_53 = tpu.memref_slice %arg4[%multiple_of3A, %dma_start3A_52] : memref<2560x128xi32, #tpu.memory_space<hbm>> -> memref<40x128xi32, #tpu.memory_space<hbm>>
        tpu.enqueue_dma source(%dma_start3A_53 : memref<40x128xi32, #tpu.memory_space<hbm>>) target(%arg8 : memref<40x128xi32, #tpu.memory_space<vmem>>) target_semaphore(%run_scoped3A : memref<!tpu.dma_semaphore, #tpu.memory_space<semaphore_mem>>)
        %dma_wait3A = arith.constant 0 : i32
        %dma_wait3A_54 = tpu.memref_slice %arg4[%multiple_of3A, %dma_wait3A] : memref<2560x128xi32, #tpu.memory_space<hbm>> -> memref<40x128xi32, #tpu.memory_space<hbm>>
        %dma_wait3A_55 = arith.constant 0 : i32
        %dma_wait3A_56 = tpu.memref_slice %arg4[%multiple_of3A, %dma_wait3A_55] : memref<2560x128xi32, #tpu.memory_space<hbm>> -> memref<40x128xi32, #tpu.memory_space<hbm>>
        tpu.wait_dma2 semaphore(%run_scoped3A : memref<!tpu.dma_semaphore, #tpu.memory_space<semaphore_mem>>) src(%dma_wait3A_56 : memref<40x128xi32, #tpu.memory_space<hbm>>) dst(%arg8 : memref<40x128xi32, #tpu.memory_space<vmem>>)
        tpu.yield
      }) : () -> ()
      %dma_start3A = arith.constant 0 : i32
      %dma_start3A_32 = arith.constant 0 : i32
      %dma_start3A_33 = tpu.memref_slice %arg7[%dma_start3A, %dma_start3A_32] : memref<40x128xi32, #tpu.memory_space<vmem>> -> memref<1x128xi32, #tpu.memory_space<vmem>>
      %dma_start3A_34 = tpu.memref_squeeze %dma_start3A_33 : memref<1x128xi32, #tpu.memory_space<vmem>> -> memref<128xi32, #tpu.memory_space<vmem>>
      %dma_start3A_35 = arith.constant 0 : i32
      %dma_start3A_36 = arith.constant 0 : i32
      %dma_start3A_37 = tpu.memref_slice %arg2[%dma_start3A_35, %dma_start3A_36] : memref<10000x128xf32, #tpu.memory_space<hbm>> -> memref<10000x128xf32, #tpu.memory_space<hbm>>
      tpu.enqueue_indirect_dma source(%dma_start3A_37 : memref<10000x128xf32, #tpu.memory_space<hbm>>) target(%arg9 : memref<128x128xf32, #tpu.memory_space<vmem>>) offsets(%dma_start3A_34 : memref<128xi32, #tpu.memory_space<vmem>>) semaphore(%arg12 : memref<!tpu.dma_semaphore, #tpu.memory_space<semaphore_mem>>)
      %dma_start3A_38 = arith.constant 1 : i32
      %dma_start3A_39 = arith.constant 0 : i32
      %dma_start3A_40 = tpu.memref_slice %arg7[%dma_start3A_38, %dma_start3A_39] : memref<40x128xi32, #tpu.memory_space<vmem>> -> memref<1x128xi32, #tpu.memory_space<vmem>>
      %dma_start3A_41 = tpu.memref_squeeze %dma_start3A_40 : memref<1x128xi32, #tpu.memory_space<vmem>> -> memref<128xi32, #tpu.memory_space<vmem>>
      %dma_start3A_42 = arith.constant 0 : i32
      %dma_start3A_43 = arith.constant 0 : i32
      %dma_start3A_44 = tpu.memref_slice %arg2[%dma_start3A_42, %dma_start3A_43] : memref<10000x128xf32, #tpu.memory_space<hbm>> -> memref<10000x128xf32, #tpu.memory_space<hbm>>
      tpu.enqueue_indirect_dma source(%dma_start3A_44 : memref<10000x128xf32, #tpu.memory_space<hbm>>) target(%arg10 : memref<128x128xf32, #tpu.memory_space<vmem>>) offsets(%dma_start3A_41 : memref<128xi32, #tpu.memory_space<vmem>>) semaphore(%arg13 : memref<!tpu.dma_semaphore, #tpu.memory_space<semaphore_mem>>)
      %scan3A = arith.constant 0 : i32
      %scan3A_45 = arith.constant 0 : i32
      %scan3A_46 = arith.constant 20 : i32
      %scan3A_47 = arith.addi %scan3A_45, %scan3A_46 : i32
      %scan3A_48 = arith.constant 1 : i32
      scf.for %scan3A_50 = %scan3A_45 to %scan3A_47 step %scan3A_48  : i32 {
        %mul3A_51 = arith.constant 2 : i32
        %mul3A_52 = arith.muli %mul3A_51, %scan3A_50 : i32
        %add3A_53 = arith.constant 0 : i32
        %add3A_54 = arith.addi %mul3A_52, %add3A_53 : i32
        %dma_wait3A = arith.constant 0 : i32
        %dma_wait3A_55 = arith.constant 0 : i32
        %dma_wait3A_56 = tpu.memref_slice %arg2[%dma_wait3A, %dma_wait3A_55] : memref<10000x128xf32, #tpu.memory_space<hbm>> -> memref<128x128xf32, #tpu.memory_space<hbm>>
        %dma_wait3A_57 = arith.constant 0 : i32
        %dma_wait3A_58 = arith.constant 0 : i32
        %dma_wait3A_59 = tpu.memref_slice %arg2[%dma_wait3A_57, %dma_wait3A_58] : memref<10000x128xf32, #tpu.memory_space<hbm>> -> memref<128x128xf32, #tpu.memory_space<hbm>>
        tpu.wait_dma2 semaphore(%arg12 : memref<!tpu.dma_semaphore, #tpu.memory_space<semaphore_mem>>) src(%dma_wait3A_59 : memref<128x128xf32, #tpu.memory_space<hbm>>) dst(%arg9 : memref<128x128xf32, #tpu.memory_space<vmem>>)
        "tpu.region"() ({
          %run_scoped3A = tpu.sem_alloc : memref<!tpu.dma_semaphore, #tpu.memory_space<semaphore_mem>>
          %dma_start3A_81 = arith.constant 0 : i32
          %dma_start3A_82 = tpu.memref_slice %arg8[%add3A_54, %dma_start3A_81] : memref<40x128xi32, #tpu.memory_space<vmem>> -> memref<1x128xi32, #tpu.memory_space<vmem>>
          %dma_start3A_83 = tpu.memref_squeeze %dma_start3A_82 : memref<1x128xi32, #tpu.memory_space<vmem>> -> memref<128xi32, #tpu.memory_space<vmem>>
          %dma_start3A_84 = arith.constant 0 : i32
          %dma_start3A_85 = arith.constant 0 : i32
          %dma_start3A_86 = tpu.memref_slice %arg11[%dma_start3A_84, %dma_start3A_85] : memref<10112x128xf32, #tpu.memory_space<vmem_shared>> -> memref<10112x128xf32, #tpu.memory_space<vmem_shared>>
          tpu.enqueue_indirect_dma source(%arg9 : memref<128x128xf32, #tpu.memory_space<vmem>>) target(%dma_start3A_86 : memref<10112x128xf32, #tpu.memory_space<vmem_shared>>) offsets(%dma_start3A_83 : memref<128xi32, #tpu.memory_space<vmem>>) semaphore(%run_scoped3A : memref<!tpu.dma_semaphore, #tpu.memory_space<semaphore_mem>>) {add = true}
          %dma_wait3A_87 = arith.constant 0 : i32
          %dma_wait3A_88 = tpu.memref_slice %arg8[%add3A_54, %dma_wait3A_87] : memref<40x128xi32, #tpu.memory_space<vmem>> -> memref<1x128xi32, #tpu.memory_space<vmem>>
          %dma_wait3A_89 = tpu.memref_squeeze %dma_wait3A_88 : memref<1x128xi32, #tpu.memory_space<vmem>> -> memref<128xi32, #tpu.memory_space<vmem>>
          %dma_wait3A_90 = arith.constant 0 : i32
          %dma_wait3A_91 = arith.constant 0 : i32
          %dma_wait3A_92 = tpu.memref_slice %arg11[%dma_wait3A_90, %dma_wait3A_91] : memref<10112x128xf32, #tpu.memory_space<vmem_shared>> -> memref<10112x128xf32, #tpu.memory_space<vmem_shared>>
          tpu.wait_indirect_dma semaphore(%run_scoped3A : memref<!tpu.dma_semaphore, #tpu.memory_space<semaphore_mem>>) src(%arg9 : memref<128x128xf32, #tpu.memory_space<vmem>>) dst(%dma_wait3A_92 : memref<10112x128xf32, #tpu.memory_space<vmem_shared>>)
          tpu.yield
        }) : () -> ()
        %add3A_60 = arith.constant 2 : i32
        %add3A_61 = arith.addi %add3A_54, %add3A_60 : i32
        %lt3A = arith.constant 40 : i32
        %lt3A_62 = arith.cmpi slt, %add3A_61, %lt3A : i32
        %convert_element_type3A = arith.extui %lt3A_62 : i1 to i32
        %cond3A = arith.constant 0 : i32
        %cond3A_63 = arith.cmpi ne, %convert_element_type3A, %cond3A : i32
        scf.if %cond3A_63 {
          %add3A_81 = arith.constant 2 : i32
          %add3A_82 = arith.addi %add3A_54, %add3A_81 : i32
          %dma_start3A_83 = arith.constant 0 : i32
          %dma_start3A_84 = tpu.memref_slice %arg7[%add3A_82, %dma_start3A_83] : memref<40x128xi32, #tpu.memory_space<vmem>> -> memref<1x128xi32, #tpu.memory_space<vmem>>
          %dma_start3A_85 = tpu.memref_squeeze %dma_start3A_84 : memref<1x128xi32, #tpu.memory_space<vmem>> -> memref<128xi32, #tpu.memory_space<vmem>>
          %dma_start3A_86 = arith.constant 0 : i32
          %dma_start3A_87 = arith.constant 0 : i32
          %dma_start3A_88 = tpu.memref_slice %arg2[%dma_start3A_86, %dma_start3A_87] : memref<10000x128xf32, #tpu.memory_space<hbm>> -> memref<10000x128xf32, #tpu.memory_space<hbm>>
          tpu.enqueue_indirect_dma source(%dma_start3A_88 : memref<10000x128xf32, #tpu.memory_space<hbm>>) target(%arg9 : memref<128x128xf32, #tpu.memory_space<vmem>>) offsets(%dma_start3A_85 : memref<128xi32, #tpu.memory_space<vmem>>) semaphore(%arg12 : memref<!tpu.dma_semaphore, #tpu.memory_space<semaphore_mem>>)
        } else {
        }
        %mul3A_64 = arith.constant 2 : i32
        %mul3A_65 = arith.muli %mul3A_64, %scan3A_50 : i32
        %add3A_66 = arith.constant 1 : i32
        %add3A_67 = arith.addi %mul3A_65, %add3A_66 : i32
        %dma_wait3A_68 = arith.constant 0 : i32
        %dma_wait3A_69 = arith.constant 0 : i32
        %dma_wait3A_70 = tpu.memref_slice %arg2[%dma_wait3A_68, %dma_wait3A_69] : memref<10000x128xf32, #tpu.memory_space<hbm>> -> memref<128x128xf32, #tpu.memory_space<hbm>>
        %dma_wait3A_71 = arith.constant 0 : i32
        %dma_wait3A_72 = arith.constant 0 : i32
        %dma_wait3A_73 = tpu.memref_slice %arg2[%dma_wait3A_71, %dma_wait3A_72] : memref<10000x128xf32, #tpu.memory_space<hbm>> -> memref<128x128xf32, #tpu.memory_space<hbm>>
        tpu.wait_dma2 semaphore(%arg13 : memref<!tpu.dma_semaphore, #tpu.memory_space<semaphore_mem>>) src(%dma_wait3A_73 : memref<128x128xf32, #tpu.memory_space<hbm>>) dst(%arg10 : memref<128x128xf32, #tpu.memory_space<vmem>>)
        "tpu.region"() ({
          %run_scoped3A = tpu.sem_alloc : memref<!tpu.dma_semaphore, #tpu.memory_space<semaphore_mem>>
          %dma_start3A_81 = arith.constant 0 : i32
          %dma_start3A_82 = tpu.memref_slice %arg8[%add3A_67, %dma_start3A_81] : memref<40x128xi32, #tpu.memory_space<vmem>> -> memref<1x128xi32, #tpu.memory_space<vmem>>
          %dma_start3A_83 = tpu.memref_squeeze %dma_start3A_82 : memref<1x128xi32, #tpu.memory_space<vmem>> -> memref<128xi32, #tpu.memory_space<vmem>>
          %dma_start3A_84 = arith.constant 0 : i32
          %dma_start3A_85 = arith.constant 0 : i32
          %dma_start3A_86 = tpu.memref_slice %arg11[%dma_start3A_84, %dma_start3A_85] : memref<10112x128xf32, #tpu.memory_space<vmem_shared>> -> memref<10112x128xf32, #tpu.memory_space<vmem_shared>>
          tpu.enqueue_indirect_dma source(%arg10 : memref<128x128xf32, #tpu.memory_space<vmem>>) target(%dma_start3A_86 : memref<10112x128xf32, #tpu.memory_space<vmem_shared>>) offsets(%dma_start3A_83 : memref<128xi32, #tpu.memory_space<vmem>>) semaphore(%run_scoped3A : memref<!tpu.dma_semaphore, #tpu.memory_space<semaphore_mem>>) {add = true}
          %dma_wait3A_87 = arith.constant 0 : i32
          %dma_wait3A_88 = tpu.memref_slice %arg8[%add3A_67, %dma_wait3A_87] : memref<40x128xi32, #tpu.memory_space<vmem>> -> memref<1x128xi32, #tpu.memory_space<vmem>>
          %dma_wait3A_89 = tpu.memref_squeeze %dma_wait3A_88 : memref<1x128xi32, #tpu.memory_space<vmem>> -> memref<128xi32, #tpu.memory_space<vmem>>
          %dma_wait3A_90 = arith.constant 0 : i32
          %dma_wait3A_91 = arith.constant 0 : i32
          %dma_wait3A_92 = tpu.memref_slice %arg11[%dma_wait3A_90, %dma_wait3A_91] : memref<10112x128xf32, #tpu.memory_space<vmem_shared>> -> memref<10112x128xf32, #tpu.memory_space<vmem_shared>>
          tpu.wait_indirect_dma semaphore(%run_scoped3A : memref<!tpu.dma_semaphore, #tpu.memory_space<semaphore_mem>>) src(%arg10 : memref<128x128xf32, #tpu.memory_space<vmem>>) dst(%dma_wait3A_92 : memref<10112x128xf32, #tpu.memory_space<vmem_shared>>)
          tpu.yield
        }) : () -> ()
        %add3A_74 = arith.constant 2 : i32
        %add3A_75 = arith.addi %add3A_67, %add3A_74 : i32
        %lt3A_76 = arith.constant 40 : i32
        %lt3A_77 = arith.cmpi slt, %add3A_75, %lt3A_76 : i32
        %convert_element_type3A_78 = arith.extui %lt3A_77 : i1 to i32
        %cond3A_79 = arith.constant 0 : i32
        %cond3A_80 = arith.cmpi ne, %convert_element_type3A_78, %cond3A_79 : i32
        scf.if %cond3A_80 {
          %add3A_81 = arith.constant 2 : i32
          %add3A_82 = arith.addi %add3A_67, %add3A_81 : i32
          %dma_start3A_83 = arith.constant 0 : i32
          %dma_start3A_84 = tpu.memref_slice %arg7[%add3A_82, %dma_start3A_83] : memref<40x128xi32, #tpu.memory_space<vmem>> -> memref<1x128xi32, #tpu.memory_space<vmem>>
          %dma_start3A_85 = tpu.memref_squeeze %dma_start3A_84 : memref<1x128xi32, #tpu.memory_space<vmem>> -> memref<128xi32, #tpu.memory_space<vmem>>
          %dma_start3A_86 = arith.constant 0 : i32
          %dma_start3A_87 = arith.constant 0 : i32
          %dma_start3A_88 = tpu.memref_slice %arg2[%dma_start3A_86, %dma_start3A_87] : memref<10000x128xf32, #tpu.memory_space<hbm>> -> memref<10000x128xf32, #tpu.memory_space<hbm>>
          tpu.enqueue_indirect_dma source(%dma_start3A_88 : memref<10000x128xf32, #tpu.memory_space<hbm>>) target(%arg10 : memref<128x128xf32, #tpu.memory_space<vmem>>) offsets(%dma_start3A_85 : memref<128xi32, #tpu.memory_space<vmem>>) semaphore(%arg13 : memref<!tpu.dma_semaphore, #tpu.memory_space<semaphore_mem>>)
        } else {
        }
      }
      %scan3A_49 = arith.constant 20 : i32
    }
    %while3A_19 = arith.constant 1 : i32
    scf.for %while3A_28 = %while3A_17 to %while3A_13 step %while3A_19  : i32 {
      %mul3A_29 = arith.constant 40 : i32
      %mul3A_30 = arith.muli %while3A_28, %mul3A_29 : i32
      %add3A_31 = arith.addi %add3A, %mul3A_30 : i32
      %multiple_of3A = tpu.assume_multiple %add3A_31, 8 : i32
      "tpu.region"() ({
        %run_scoped3A = tpu.sem_alloc : memref<!tpu.dma_semaphore, #tpu.memory_space<semaphore_mem>>
        %dma_start3A_50 = arith.constant 0 : i32
        %dma_start3A_51 = tpu.memref_slice %arg3[%multiple_of3A, %dma_start3A_50] : memref<2560x128xi32, #tpu.memory_space<hbm>> -> memref<40x128xi32, #tpu.memory_space<hbm>>
        %dma_start3A_52 = arith.constant 0 : i32
        %dma_start3A_53 = tpu.memref_slice %arg3[%multiple_of3A, %dma_start3A_52] : memref<2560x128xi32, #tpu.memory_space<hbm>> -> memref<40x128xi32, #tpu.memory_space<hbm>>
        tpu.enqueue_dma source(%dma_start3A_53 : memref<40x128xi32, #tpu.memory_space<hbm>>) target(%arg7 : memref<40x128xi32, #tpu.memory_space<vmem>>) target_semaphore(%run_scoped3A : memref<!tpu.dma_semaphore, #tpu.memory_space<semaphore_mem>>)
        %dma_wait3A = arith.constant 0 : i32
        %dma_wait3A_54 = tpu.memref_slice %arg3[%multiple_of3A, %dma_wait3A] : memref<2560x128xi32, #tpu.memory_space<hbm>> -> memref<40x128xi32, #tpu.memory_space<hbm>>
        %dma_wait3A_55 = arith.constant 0 : i32
        %dma_wait3A_56 = tpu.memref_slice %arg3[%multiple_of3A, %dma_wait3A_55] : memref<2560x128xi32, #tpu.memory_space<hbm>> -> memref<40x128xi32, #tpu.memory_space<hbm>>
        tpu.wait_dma2 semaphore(%run_scoped3A : memref<!tpu.dma_semaphore, #tpu.memory_space<semaphore_mem>>) src(%dma_wait3A_56 : memref<40x128xi32, #tpu.memory_space<hbm>>) dst(%arg7 : memref<40x128xi32, #tpu.memory_space<vmem>>)
        tpu.yield
      }) : () -> ()
      "tpu.region"() ({
        %run_scoped3A = tpu.sem_alloc : memref<!tpu.dma_semaphore, #tpu.memory_space<semaphore_mem>>
        %dma_start3A_50 = arith.constant 0 : i32
        %dma_start3A_51 = tpu.memref_slice %arg4[%multiple_of3A, %dma_start3A_50] : memref<2560x128xi32, #tpu.memory_space<hbm>> -> memref<40x128xi32, #tpu.memory_space<hbm>>
        %dma_start3A_52 = arith.constant 0 : i32
        %dma_start3A_53 = tpu.memref_slice %arg4[%multiple_of3A, %dma_start3A_52] : memref<2560x128xi32, #tpu.memory_space<hbm>> -> memref<40x128xi32, #tpu.memory_space<hbm>>
        tpu.enqueue_dma source(%dma_start3A_53 : memref<40x128xi32, #tpu.memory_space<hbm>>) target(%arg8 : memref<40x128xi32, #tpu.memory_space<vmem>>) target_semaphore(%run_scoped3A : memref<!tpu.dma_semaphore, #tpu.memory_space<semaphore_mem>>)
        %dma_wait3A = arith.constant 0 : i32
        %dma_wait3A_54 = tpu.memref_slice %arg4[%multiple_of3A, %dma_wait3A] : memref<2560x128xi32, #tpu.memory_space<hbm>> -> memref<40x128xi32, #tpu.memory_space<hbm>>
        %dma_wait3A_55 = arith.constant 0 : i32
        %dma_wait3A_56 = tpu.memref_slice %arg4[%multiple_of3A, %dma_wait3A_55] : memref<2560x128xi32, #tpu.memory_space<hbm>> -> memref<40x128xi32, #tpu.memory_space<hbm>>
        tpu.wait_dma2 semaphore(%run_scoped3A : memref<!tpu.dma_semaphore, #tpu.memory_space<semaphore_mem>>) src(%dma_wait3A_56 : memref<40x128xi32, #tpu.memory_space<hbm>>) dst(%arg8 : memref<40x128xi32, #tpu.memory_space<vmem>>)
        tpu.yield
      }) : () -> ()
      %dma_start3A = arith.constant 0 : i32
      %dma_start3A_32 = arith.constant 0 : i32
      %dma_start3A_33 = tpu.memref_slice %arg7[%dma_start3A, %dma_start3A_32] : memref<40x128xi32, #tpu.memory_space<vmem>> -> memref<1x128xi32, #tpu.memory_space<vmem>>
      %dma_start3A_34 = tpu.memref_squeeze %dma_start3A_33 : memref<1x128xi32, #tpu.memory_space<vmem>> -> memref<128xi32, #tpu.memory_space<vmem>>
      %dma_start3A_35 = arith.constant 0 : i32
      %dma_start3A_36 = arith.constant 0 : i32
      %dma_start3A_37 = tpu.memref_slice %arg2[%dma_start3A_35, %dma_start3A_36] : memref<10000x128xf32, #tpu.memory_space<hbm>> -> memref<10000x128xf32, #tpu.memory_space<hbm>>
      tpu.enqueue_indirect_dma source(%dma_start3A_37 : memref<10000x128xf32, #tpu.memory_space<hbm>>) target(%arg9 : memref<128x128xf32, #tpu.memory_space<vmem>>) offsets(%dma_start3A_34 : memref<128xi32, #tpu.memory_space<vmem>>) semaphore(%arg12 : memref<!tpu.dma_semaphore, #tpu.memory_space<semaphore_mem>>)
      %dma_start3A_38 = arith.constant 1 : i32
      %dma_start3A_39 = arith.constant 0 : i32
      %dma_start3A_40 = tpu.memref_slice %arg7[%dma_start3A_38, %dma_start3A_39] : memref<40x128xi32, #tpu.memory_space<vmem>> -> memref<1x128xi32, #tpu.memory_space<vmem>>
      %dma_start3A_41 = tpu.memref_squeeze %dma_start3A_40 : memref<1x128xi32, #tpu.memory_space<vmem>> -> memref<128xi32, #tpu.memory_space<vmem>>
      %dma_start3A_42 = arith.constant 0 : i32
      %dma_start3A_43 = arith.constant 0 : i32
      %dma_start3A_44 = tpu.memref_slice %arg2[%dma_start3A_42, %dma_start3A_43] : memref<10000x128xf32, #tpu.memory_space<hbm>> -> memref<10000x128xf32, #tpu.memory_space<hbm>>
      tpu.enqueue_indirect_dma source(%dma_start3A_44 : memref<10000x128xf32, #tpu.memory_space<hbm>>) target(%arg10 : memref<128x128xf32, #tpu.memory_space<vmem>>) offsets(%dma_start3A_41 : memref<128xi32, #tpu.memory_space<vmem>>) semaphore(%arg13 : memref<!tpu.dma_semaphore, #tpu.memory_space<semaphore_mem>>)
      %scan3A = arith.constant 0 : i32
      %scan3A_45 = arith.constant 0 : i32
      %scan3A_46 = arith.constant 20 : i32
      %scan3A_47 = arith.addi %scan3A_45, %scan3A_46 : i32
      %scan3A_48 = arith.constant 1 : i32
      scf.for %scan3A_50 = %scan3A_45 to %scan3A_47 step %scan3A_48  : i32 {
        %mul3A_51 = arith.constant 2 : i32
        %mul3A_52 = arith.muli %mul3A_51, %scan3A_50 : i32
        %add3A_53 = arith.constant 0 : i32
        %add3A_54 = arith.addi %mul3A_52, %add3A_53 : i32
        %dma_wait3A = arith.constant 0 : i32
        %dma_wait3A_55 = arith.constant 0 : i32
        %dma_wait3A_56 = tpu.memref_slice %arg2[%dma_wait3A, %dma_wait3A_55] : memref<10000x128xf32, #tpu.memory_space<hbm>> -> memref<128x128xf32, #tpu.memory_space<hbm>>
        %dma_wait3A_57 = arith.constant 0 : i32
        %dma_wait3A_58 = arith.constant 0 : i32
        %dma_wait3A_59 = tpu.memref_slice %arg2[%dma_wait3A_57, %dma_wait3A_58] : memref<10000x128xf32, #tpu.memory_space<hbm>> -> memref<128x128xf32, #tpu.memory_space<hbm>>
        tpu.wait_dma2 semaphore(%arg12 : memref<!tpu.dma_semaphore, #tpu.memory_space<semaphore_mem>>) src(%dma_wait3A_59 : memref<128x128xf32, #tpu.memory_space<hbm>>) dst(%arg9 : memref<128x128xf32, #tpu.memory_space<vmem>>)
        "tpu.region"() ({
          %run_scoped3A = tpu.sem_alloc : memref<!tpu.dma_semaphore, #tpu.memory_space<semaphore_mem>>
          %dma_start3A_81 = arith.constant 0 : i32
          %dma_start3A_82 = tpu.memref_slice %arg8[%add3A_54, %dma_start3A_81] : memref<40x128xi32, #tpu.memory_space<vmem>> -> memref<1x128xi32, #tpu.memory_space<vmem>>
          %dma_start3A_83 = tpu.memref_squeeze %dma_start3A_82 : memref<1x128xi32, #tpu.memory_space<vmem>> -> memref<128xi32, #tpu.memory_space<vmem>>
          %dma_start3A_84 = arith.constant 0 : i32
          %dma_start3A_85 = arith.constant 0 : i32
          %dma_start3A_86 = tpu.memref_slice %arg11[%dma_start3A_84, %dma_start3A_85] : memref<10112x128xf32, #tpu.memory_space<vmem_shared>> -> memref<10112x128xf32, #tpu.memory_space<vmem_shared>>
          tpu.enqueue_indirect_dma source(%arg9 : memref<128x128xf32, #tpu.memory_space<vmem>>) target(%dma_start3A_86 : memref<10112x128xf32, #tpu.memory_space<vmem_shared>>) offsets(%dma_start3A_83 : memref<128xi32, #tpu.memory_space<vmem>>) semaphore(%run_scoped3A : memref<!tpu.dma_semaphore, #tpu.memory_space<semaphore_mem>>) {add = true}
          %dma_wait3A_87 = arith.constant 0 : i32
          %dma_wait3A_88 = tpu.memref_slice %arg8[%add3A_54, %dma_wait3A_87] : memref<40x128xi32, #tpu.memory_space<vmem>> -> memref<1x128xi32, #tpu.memory_space<vmem>>
          %dma_wait3A_89 = tpu.memref_squeeze %dma_wait3A_88 : memref<1x128xi32, #tpu.memory_space<vmem>> -> memref<128xi32, #tpu.memory_space<vmem>>
          %dma_wait3A_90 = arith.constant 0 : i32
          %dma_wait3A_91 = arith.constant 0 : i32
          %dma_wait3A_92 = tpu.memref_slice %arg11[%dma_wait3A_90, %dma_wait3A_91] : memref<10112x128xf32, #tpu.memory_space<vmem_shared>> -> memref<10112x128xf32, #tpu.memory_space<vmem_shared>>
          tpu.wait_indirect_dma semaphore(%run_scoped3A : memref<!tpu.dma_semaphore, #tpu.memory_space<semaphore_mem>>) src(%arg9 : memref<128x128xf32, #tpu.memory_space<vmem>>) dst(%dma_wait3A_92 : memref<10112x128xf32, #tpu.memory_space<vmem_shared>>)
          tpu.yield
        }) : () -> ()
        %add3A_60 = arith.constant 2 : i32
        %add3A_61 = arith.addi %add3A_54, %add3A_60 : i32
        %lt3A = arith.constant 40 : i32
        %lt3A_62 = arith.cmpi slt, %add3A_61, %lt3A : i32
        %convert_element_type3A = arith.extui %lt3A_62 : i1 to i32
        %cond3A = arith.constant 0 : i32
        %cond3A_63 = arith.cmpi ne, %convert_element_type3A, %cond3A : i32
        scf.if %cond3A_63 {
          %add3A_81 = arith.constant 2 : i32
          %add3A_82 = arith.addi %add3A_54, %add3A_81 : i32
          %dma_start3A_83 = arith.constant 0 : i32
          %dma_start3A_84 = tpu.memref_slice %arg7[%add3A_82, %dma_start3A_83] : memref<40x128xi32, #tpu.memory_space<vmem>> -> memref<1x128xi32, #tpu.memory_space<vmem>>
          %dma_start3A_85 = tpu.memref_squeeze %dma_start3A_84 : memref<1x128xi32, #tpu.memory_space<vmem>> -> memref<128xi32, #tpu.memory_space<vmem>>
          %dma_start3A_86 = arith.constant 0 : i32
          %dma_start3A_87 = arith.constant 0 : i32
          %dma_start3A_88 = tpu.memref_slice %arg2[%dma_start3A_86, %dma_start3A_87] : memref<10000x128xf32, #tpu.memory_space<hbm>> -> memref<10000x128xf32, #tpu.memory_space<hbm>>
          tpu.enqueue_indirect_dma source(%dma_start3A_88 : memref<10000x128xf32, #tpu.memory_space<hbm>>) target(%arg9 : memref<128x128xf32, #tpu.memory_space<vmem>>) offsets(%dma_start3A_85 : memref<128xi32, #tpu.memory_space<vmem>>) semaphore(%arg12 : memref<!tpu.dma_semaphore, #tpu.memory_space<semaphore_mem>>)
        } else {
        }
        %mul3A_64 = arith.constant 2 : i32
        %mul3A_65 = arith.muli %mul3A_64, %scan3A_50 : i32
        %add3A_66 = arith.constant 1 : i32
        %add3A_67 = arith.addi %mul3A_65, %add3A_66 : i32
        %dma_wait3A_68 = arith.constant 0 : i32
        %dma_wait3A_69 = arith.constant 0 : i32
        %dma_wait3A_70 = tpu.memref_slice %arg2[%dma_wait3A_68, %dma_wait3A_69] : memref<10000x128xf32, #tpu.memory_space<hbm>> -> memref<128x128xf32, #tpu.memory_space<hbm>>
        %dma_wait3A_71 = arith.constant 0 : i32
        %dma_wait3A_72 = arith.constant 0 : i32
        %dma_wait3A_73 = tpu.memref_slice %arg2[%dma_wait3A_71, %dma_wait3A_72] : memref<10000x128xf32, #tpu.memory_space<hbm>> -> memref<128x128xf32, #tpu.memory_space<hbm>>
        tpu.wait_dma2 semaphore(%arg13 : memref<!tpu.dma_semaphore, #tpu.memory_space<semaphore_mem>>) src(%dma_wait3A_73 : memref<128x128xf32, #tpu.memory_space<hbm>>) dst(%arg10 : memref<128x128xf32, #tpu.memory_space<vmem>>)
        "tpu.region"() ({
          %run_scoped3A = tpu.sem_alloc : memref<!tpu.dma_semaphore, #tpu.memory_space<semaphore_mem>>
          %dma_start3A_81 = arith.constant 0 : i32
          %dma_start3A_82 = tpu.memref_slice %arg8[%add3A_67, %dma_start3A_81] : memref<40x128xi32, #tpu.memory_space<vmem>> -> memref<1x128xi32, #tpu.memory_space<vmem>>
          %dma_start3A_83 = tpu.memref_squeeze %dma_start3A_82 : memref<1x128xi32, #tpu.memory_space<vmem>> -> memref<128xi32, #tpu.memory_space<vmem>>
          %dma_start3A_84 = arith.constant 0 : i32
          %dma_start3A_85 = arith.constant 0 : i32
          %dma_start3A_86 = tpu.memref_slice %arg11[%dma_start3A_84, %dma_start3A_85] : memref<10112x128xf32, #tpu.memory_space<vmem_shared>> -> memref<10112x128xf32, #tpu.memory_space<vmem_shared>>
          tpu.enqueue_indirect_dma source(%arg10 : memref<128x128xf32, #tpu.memory_space<vmem>>) target(%dma_start3A_86 : memref<10112x128xf32, #tpu.memory_space<vmem_shared>>) offsets(%dma_start3A_83 : memref<128xi32, #tpu.memory_space<vmem>>) semaphore(%run_scoped3A : memref<!tpu.dma_semaphore, #tpu.memory_space<semaphore_mem>>) {add = true}
          %dma_wait3A_87 = arith.constant 0 : i32
          %dma_wait3A_88 = tpu.memref_slice %arg8[%add3A_67, %dma_wait3A_87] : memref<40x128xi32, #tpu.memory_space<vmem>> -> memref<1x128xi32, #tpu.memory_space<vmem>>
          %dma_wait3A_89 = tpu.memref_squeeze %dma_wait3A_88 : memref<1x128xi32, #tpu.memory_space<vmem>> -> memref<128xi32, #tpu.memory_space<vmem>>
          %dma_wait3A_90 = arith.constant 0 : i32
          %dma_wait3A_91 = arith.constant 0 : i32
          %dma_wait3A_92 = tpu.memref_slice %arg11[%dma_wait3A_90, %dma_wait3A_91] : memref<10112x128xf32, #tpu.memory_space<vmem_shared>> -> memref<10112x128xf32, #tpu.memory_space<vmem_shared>>
          tpu.wait_indirect_dma semaphore(%run_scoped3A : memref<!tpu.dma_semaphore, #tpu.memory_space<semaphore_mem>>) src(%arg10 : memref<128x128xf32, #tpu.memory_space<vmem>>) dst(%dma_wait3A_92 : memref<10112x128xf32, #tpu.memory_space<vmem_shared>>)
          tpu.yield
        }) : () -> ()
        %add3A_74 = arith.constant 2 : i32
        %add3A_75 = arith.addi %add3A_67, %add3A_74 : i32
        %lt3A_76 = arith.constant 40 : i32
        %lt3A_77 = arith.cmpi slt, %add3A_75, %lt3A_76 : i32
        %convert_element_type3A_78 = arith.extui %lt3A_77 : i1 to i32
        %cond3A_79 = arith.constant 0 : i32
        %cond3A_80 = arith.cmpi ne, %convert_element_type3A_78, %cond3A_79 : i32
        scf.if %cond3A_80 {
          %add3A_81 = arith.constant 2 : i32
          %add3A_82 = arith.addi %add3A_67, %add3A_81 : i32
          %dma_start3A_83 = arith.constant 0 : i32
          %dma_start3A_84 = tpu.memref_slice %arg7[%add3A_82, %dma_start3A_83] : memref<40x128xi32, #tpu.memory_space<vmem>> -> memref<1x128xi32, #tpu.memory_space<vmem>>
          %dma_start3A_85 = tpu.memref_squeeze %dma_start3A_84 : memref<1x128xi32, #tpu.memory_space<vmem>> -> memref<128xi32, #tpu.memory_space<vmem>>
          %dma_start3A_86 = arith.constant 0 : i32
          %dma_start3A_87 = arith.constant 0 : i32
          %dma_start3A_88 = tpu.memref_slice %arg2[%dma_start3A_86, %dma_start3A_87] : memref<10000x128xf32, #tpu.memory_space<hbm>> -> memref<10000x128xf32, #tpu.memory_space<hbm>>
          tpu.enqueue_indirect_dma source(%dma_start3A_88 : memref<10000x128xf32, #tpu.memory_space<hbm>>) target(%arg10 : memref<128x128xf32, #tpu.memory_space<vmem>>) offsets(%dma_start3A_85 : memref<128xi32, #tpu.memory_space<vmem>>) semaphore(%arg13 : memref<!tpu.dma_semaphore, #tpu.memory_space<semaphore_mem>>)
        } else {
        }
      }
      %scan3A_49 = arith.constant 20 : i32
    }
    %barrier3A_20 = arith.constant 0 : index
    tpu.barrier barrier_id(%barrier3A_20)
    %mul3A_21 = arith.constant 632 : i32
    %mul3A_22 = arith.muli %arg1, %mul3A_21 : i32
    %mul3A_23 = arith.constant 10112 : i32
    %mul3A_24 = arith.muli %arg0, %mul3A_23 : i32
    %mul3A_25 = arith.constant 632 : i32
    %mul3A_26 = arith.muli %arg1, %mul3A_25 : i32
    %add3A_27 = arith.addi %mul3A_24, %mul3A_26 : i32
    "tpu.region"() ({
      %run_scoped3A = tpu.sem_alloc : memref<!tpu.dma_semaphore, #tpu.memory_space<semaphore_mem>>
      %dma_start3A = arith.constant 0 : i32
      %dma_start3A_28 = tpu.memref_slice %arg6[%add3A_27, %dma_start3A] : memref<20224x128xf32, #tpu.memory_space<hbm>> -> memref<632x128xf32, #tpu.memory_space<hbm>>
      %dma_start3A_29 = arith.constant 0 : i32
      %dma_start3A_30 = tpu.memref_slice %arg11[%mul3A_22, %dma_start3A_29] : memref<10112x128xf32, #tpu.memory_space<vmem_shared>> -> memref<632x128xf32, #tpu.memory_space<vmem_shared>>
      tpu.enqueue_dma source(%dma_start3A_30 : memref<632x128xf32, #tpu.memory_space<vmem_shared>>) target(%dma_start3A_28 : memref<632x128xf32, #tpu.memory_space<hbm>>) target_semaphore(%run_scoped3A : memref<!tpu.dma_semaphore, #tpu.memory_space<semaphore_mem>>)
      %dma_wait3A = arith.constant 0 : i32
      %dma_wait3A_31 = tpu.memref_slice %arg6[%add3A_27, %dma_wait3A] : memref<20224x128xf32, #tpu.memory_space<hbm>> -> memref<632x128xf32, #tpu.memory_space<hbm>>
      %dma_wait3A_32 = arith.constant 0 : i32
      %dma_wait3A_33 = tpu.memref_slice %arg11[%mul3A_22, %dma_wait3A_32] : memref<10112x128xf32, #tpu.memory_space<vmem_shared>> -> memref<632x128xf32, #tpu.memory_space<vmem_shared>>
      tpu.wait_dma2 semaphore(%run_scoped3A : memref<!tpu.dma_semaphore, #tpu.memory_space<semaphore_mem>>) src(%dma_wait3A_33 : memref<632x128xf32, #tpu.memory_space<vmem_shared>>) dst(%dma_wait3A_31 : memref<632x128xf32, #tpu.memory_space<hbm>>)
      tpu.yield
    }) : () -> ()
    return
  }
}

#map = affine_map<(d0, d1) -> (0, 0, 0)>
#map1 = affine_map<(d0, d1) -> (0, 0)>
module attributes {stable_mosaic.version = 14 : i64} {
  func.func @_sc_degree(%arg0: i32, %arg1: i32, %arg2: memref<32x80x128xi32, #tpu.memory_space<hbm>>, %arg3: memref<128x128xf32, #tpu.memory_space<hbm>>, %arg4: memref<632x128xf32, #tpu.memory_space<hbm>>, %arg5: memref<20224x128xf32, #tpu.memory_space<hbm>>, %arg6: memref<80x128xi32, #tpu.memory_space<vmem>>, %arg7: memref<128x128xf32, #tpu.memory_space<vmem>>, %arg8: memref<10112x128xf32, #tpu.memory_space<vmem_shared>>) attributes {dimension_semantics = [#tpu.dimension_semantics<core_parallel>, #tpu.dimension_semantics<subcore_parallel>], iteration_bounds = array<i64: 2, 16>, scalar_prefetch = 0 : i64, scratch_operands = 3 : i64, tpu.core_type = #tpu.core_type<sc_vector_subcore>, window_params = [{transform_indices = #map}, {transform_indices = #map1}, {transform_indices = #map1}, {transform_indices = #map1}]} {
    %mul3A = arith.constant 16 : i32
    %mul3A_0 = arith.muli %arg0, %mul3A : i32
    %add3A = arith.addi %mul3A_0, %arg1 : i32
    %mul3A_1 = arith.constant 632 : i32
    %mul3A_2 = arith.muli %arg1, %mul3A_1 : i32
    "tpu.region"() ({
      %run_scoped3A = tpu.sem_alloc : memref<!tpu.dma_semaphore, #tpu.memory_space<semaphore_mem>>
      %dma_start3A = arith.constant 0 : i32
      %dma_start3A_16 = tpu.memref_slice %arg8[%mul3A_2, %dma_start3A] : memref<10112x128xf32, #tpu.memory_space<vmem_shared>> -> memref<632x128xf32, #tpu.memory_space<vmem_shared>>
      tpu.enqueue_dma source(%arg4 : memref<632x128xf32, #tpu.memory_space<hbm>>) target(%dma_start3A_16 : memref<632x128xf32, #tpu.memory_space<vmem_shared>>) target_semaphore(%run_scoped3A : memref<!tpu.dma_semaphore, #tpu.memory_space<semaphore_mem>>)
      %dma_wait3A = arith.constant 0 : i32
      %dma_wait3A_17 = tpu.memref_slice %arg8[%mul3A_2, %dma_wait3A] : memref<10112x128xf32, #tpu.memory_space<vmem_shared>> -> memref<632x128xf32, #tpu.memory_space<vmem_shared>>
      tpu.wait_dma2 semaphore(%run_scoped3A : memref<!tpu.dma_semaphore, #tpu.memory_space<semaphore_mem>>) src(%arg4 : memref<632x128xf32, #tpu.memory_space<hbm>>) dst(%dma_wait3A_17 : memref<632x128xf32, #tpu.memory_space<vmem_shared>>)
      tpu.yield
    }) : () -> ()
    "tpu.region"() ({
      %run_scoped3A = tpu.sem_alloc : memref<!tpu.dma_semaphore, #tpu.memory_space<semaphore_mem>>
      %dma_start3A = arith.constant 0 : i32
      %dma_start3A_16 = arith.constant 0 : i32
      %dma_start3A_17 = tpu.memref_slice %arg2[%add3A, %dma_start3A, %dma_start3A_16] : memref<32x80x128xi32, #tpu.memory_space<hbm>> -> memref<1x80x128xi32, #tpu.memory_space<hbm>>
      %dma_start3A_18 = tpu.memref_squeeze %dma_start3A_17 : memref<1x80x128xi32, #tpu.memory_space<hbm>> -> memref<80x128xi32, #tpu.memory_space<hbm>>
      %dma_start3A_19 = arith.constant 0 : i32
      %dma_start3A_20 = arith.constant 0 : i32
      %dma_start3A_21 = tpu.memref_slice %arg2[%add3A, %dma_start3A_19, %dma_start3A_20] : memref<32x80x128xi32, #tpu.memory_space<hbm>> -> memref<1x80x128xi32, #tpu.memory_space<hbm>>
      %dma_start3A_22 = tpu.memref_squeeze %dma_start3A_21 : memref<1x80x128xi32, #tpu.memory_space<hbm>> -> memref<80x128xi32, #tpu.memory_space<hbm>>
      tpu.enqueue_dma source(%dma_start3A_22 : memref<80x128xi32, #tpu.memory_space<hbm>>) target(%arg6 : memref<80x128xi32, #tpu.memory_space<vmem>>) target_semaphore(%run_scoped3A : memref<!tpu.dma_semaphore, #tpu.memory_space<semaphore_mem>>)
      %dma_wait3A = arith.constant 0 : i32
      %dma_wait3A_23 = arith.constant 0 : i32
      %dma_wait3A_24 = tpu.memref_slice %arg2[%add3A, %dma_wait3A, %dma_wait3A_23] : memref<32x80x128xi32, #tpu.memory_space<hbm>> -> memref<1x80x128xi32, #tpu.memory_space<hbm>>
      %dma_wait3A_25 = tpu.memref_squeeze %dma_wait3A_24 : memref<1x80x128xi32, #tpu.memory_space<hbm>> -> memref<80x128xi32, #tpu.memory_space<hbm>>
      %dma_wait3A_26 = arith.constant 0 : i32
      %dma_wait3A_27 = arith.constant 0 : i32
      %dma_wait3A_28 = tpu.memref_slice %arg2[%add3A, %dma_wait3A_26, %dma_wait3A_27] : memref<32x80x128xi32, #tpu.memory_space<hbm>> -> memref<1x80x128xi32, #tpu.memory_space<hbm>>
      %dma_wait3A_29 = tpu.memref_squeeze %dma_wait3A_28 : memref<1x80x128xi32, #tpu.memory_space<hbm>> -> memref<80x128xi32, #tpu.memory_space<hbm>>
      tpu.wait_dma2 semaphore(%run_scoped3A : memref<!tpu.dma_semaphore, #tpu.memory_space<semaphore_mem>>) src(%dma_wait3A_29 : memref<80x128xi32, #tpu.memory_space<hbm>>) dst(%arg6 : memref<80x128xi32, #tpu.memory_space<vmem>>)
      tpu.yield
    }) : () -> ()
    "tpu.region"() ({
      %run_scoped3A = tpu.sem_alloc : memref<!tpu.dma_semaphore, #tpu.memory_space<semaphore_mem>>
      tpu.enqueue_dma source(%arg3 : memref<128x128xf32, #tpu.memory_space<hbm>>) target(%arg7 : memref<128x128xf32, #tpu.memory_space<vmem>>) target_semaphore(%run_scoped3A : memref<!tpu.dma_semaphore, #tpu.memory_space<semaphore_mem>>)
      tpu.wait_dma2 semaphore(%run_scoped3A : memref<!tpu.dma_semaphore, #tpu.memory_space<semaphore_mem>>) src(%arg3 : memref<128x128xf32, #tpu.memory_space<hbm>>) dst(%arg7 : memref<128x128xf32, #tpu.memory_space<vmem>>)
      tpu.yield
    }) : () -> ()
    %barrier3A = arith.constant 0 : index
    tpu.barrier barrier_id(%barrier3A)
    %scan3A = arith.constant 0 : i32
    %scan3A_3 = arith.constant 0 : i32
    %scan3A_4 = arith.constant 80 : i32
    %scan3A_5 = arith.addi %scan3A_3, %scan3A_4 : i32
    %scan3A_6 = arith.constant 1 : i32
    scf.for %scan3A_16 = %scan3A_3 to %scan3A_5 step %scan3A_6  : i32 {
      "tpu.region"() ({
        %run_scoped3A = tpu.sem_alloc : memref<!tpu.dma_semaphore, #tpu.memory_space<semaphore_mem>>
        %dma_start3A = arith.constant 0 : i32
        %dma_start3A_17 = tpu.memref_slice %arg6[%scan3A_16, %dma_start3A] : memref<80x128xi32, #tpu.memory_space<vmem>> -> memref<1x128xi32, #tpu.memory_space<vmem>>
        %dma_start3A_18 = tpu.memref_squeeze %dma_start3A_17 : memref<1x128xi32, #tpu.memory_space<vmem>> -> memref<128xi32, #tpu.memory_space<vmem>>
        %dma_start3A_19 = arith.constant 0 : i32
        %dma_start3A_20 = arith.constant 0 : i32
        %dma_start3A_21 = tpu.memref_slice %arg8[%dma_start3A_19, %dma_start3A_20] : memref<10112x128xf32, #tpu.memory_space<vmem_shared>> -> memref<10112x128xf32, #tpu.memory_space<vmem_shared>>
        tpu.enqueue_indirect_dma source(%arg7 : memref<128x128xf32, #tpu.memory_space<vmem>>) target(%dma_start3A_21 : memref<10112x128xf32, #tpu.memory_space<vmem_shared>>) offsets(%dma_start3A_18 : memref<128xi32, #tpu.memory_space<vmem>>) semaphore(%run_scoped3A : memref<!tpu.dma_semaphore, #tpu.memory_space<semaphore_mem>>) {add = true}
        %dma_wait3A = arith.constant 0 : i32
        %dma_wait3A_22 = tpu.memref_slice %arg6[%scan3A_16, %dma_wait3A] : memref<80x128xi32, #tpu.memory_space<vmem>> -> memref<1x128xi32, #tpu.memory_space<vmem>>
        %dma_wait3A_23 = tpu.memref_squeeze %dma_wait3A_22 : memref<1x128xi32, #tpu.memory_space<vmem>> -> memref<128xi32, #tpu.memory_space<vmem>>
        %dma_wait3A_24 = arith.constant 0 : i32
        %dma_wait3A_25 = arith.constant 0 : i32
        %dma_wait3A_26 = tpu.memref_slice %arg8[%dma_wait3A_24, %dma_wait3A_25] : memref<10112x128xf32, #tpu.memory_space<vmem_shared>> -> memref<10112x128xf32, #tpu.memory_space<vmem_shared>>
        tpu.wait_indirect_dma semaphore(%run_scoped3A : memref<!tpu.dma_semaphore, #tpu.memory_space<semaphore_mem>>) src(%arg7 : memref<128x128xf32, #tpu.memory_space<vmem>>) dst(%dma_wait3A_26 : memref<10112x128xf32, #tpu.memory_space<vmem_shared>>)
        tpu.yield
      }) : () -> ()
    }
    %scan3A_7 = arith.constant 80 : i32
    %barrier3A_8 = arith.constant 0 : index
    tpu.barrier barrier_id(%barrier3A_8)
    %mul3A_9 = arith.constant 632 : i32
    %mul3A_10 = arith.muli %arg1, %mul3A_9 : i32
    %mul3A_11 = arith.constant 10112 : i32
    %mul3A_12 = arith.muli %arg0, %mul3A_11 : i32
    %mul3A_13 = arith.constant 632 : i32
    %mul3A_14 = arith.muli %arg1, %mul3A_13 : i32
    %add3A_15 = arith.addi %mul3A_12, %mul3A_14 : i32
    "tpu.region"() ({
      %run_scoped3A = tpu.sem_alloc : memref<!tpu.dma_semaphore, #tpu.memory_space<semaphore_mem>>
      %dma_start3A = arith.constant 0 : i32
      %dma_start3A_16 = tpu.memref_slice %arg5[%add3A_15, %dma_start3A] : memref<20224x128xf32, #tpu.memory_space<hbm>> -> memref<632x128xf32, #tpu.memory_space<hbm>>
      %dma_start3A_17 = arith.constant 0 : i32
      %dma_start3A_18 = tpu.memref_slice %arg8[%mul3A_10, %dma_start3A_17] : memref<10112x128xf32, #tpu.memory_space<vmem_shared>> -> memref<632x128xf32, #tpu.memory_space<vmem_shared>>
      tpu.enqueue_dma source(%dma_start3A_18 : memref<632x128xf32, #tpu.memory_space<vmem_shared>>) target(%dma_start3A_16 : memref<632x128xf32, #tpu.memory_space<hbm>>) target_semaphore(%run_scoped3A : memref<!tpu.dma_semaphore, #tpu.memory_space<semaphore_mem>>)
      %dma_wait3A = arith.constant 0 : i32
      %dma_wait3A_19 = tpu.memref_slice %arg5[%add3A_15, %dma_wait3A] : memref<20224x128xf32, #tpu.memory_space<hbm>> -> memref<632x128xf32, #tpu.memory_space<hbm>>
      %dma_wait3A_20 = arith.constant 0 : i32
      %dma_wait3A_21 = tpu.memref_slice %arg8[%mul3A_10, %dma_wait3A_20] : memref<10112x128xf32, #tpu.memory_space<vmem_shared>> -> memref<632x128xf32, #tpu.memory_space<vmem_shared>>
      tpu.wait_dma2 semaphore(%run_scoped3A : memref<!tpu.dma_semaphore, #tpu.memory_space<semaphore_mem>>) src(%dma_wait3A_21 : memref<632x128xf32, #tpu.memory_space<vmem_shared>>) dst(%dma_wait3A_19 : memref<632x128xf32, #tpu.memory_space<hbm>>)
      tpu.yield
    }) : () -> ()
    return
  }
}

#map = affine_map<(d0, d1) -> (0, 0)>
module attributes {stable_mosaic.version = 14 : i64} {
  func.func @_sc_scatter(%arg0: i32, %arg1: i32, %arg2: memref<10000x128xf32, #tpu.memory_space<hbm>>, %arg3: memref<2560x128xi32, #tpu.memory_space<hbm>>, %arg4: memref<2560x128xi32, #tpu.memory_space<hbm>>, %arg5: memref<632x128xf32, #tpu.memory_space<hbm>>, %arg6: memref<20224x128xf32, #tpu.memory_space<hbm>>, %arg7: memref<40x128xi32, #tpu.memory_space<vmem>>, %arg8: memref<40x128xi32, #tpu.memory_space<vmem>>, %arg9: memref<128x128xf32, #tpu.memory_space<vmem>>, %arg10: memref<128x128xf32, #tpu.memory_space<vmem>>, %arg11: memref<10112x128xf32, #tpu.memory_space<vmem_shared>>, %arg12: memref<!tpu.dma_semaphore, #tpu.memory_space<semaphore_mem>>, %arg13: memref<!tpu.dma_semaphore, #tpu.memory_space<semaphore_mem>>) attributes {dimension_semantics = [#tpu.dimension_semantics<core_parallel>, #tpu.dimension_semantics<subcore_parallel>], iteration_bounds = array<i64: 2, 16>, scalar_prefetch = 0 : i64, scratch_operands = 7 : i64, tpu.core_type = #tpu.core_type<sc_vector_subcore>, window_params = [{transform_indices = #map}, {transform_indices = #map}, {transform_indices = #map}, {transform_indices = #map}, {transform_indices = #map}]} {
    %mul3A = arith.constant 632 : i32
    %mul3A_0 = arith.muli %arg1, %mul3A : i32
    "tpu.region"() ({
      %run_scoped3A = tpu.sem_alloc : memref<!tpu.dma_semaphore, #tpu.memory_space<semaphore_mem>>
      %dma_start3A = arith.constant 0 : i32
      %dma_start3A_28 = tpu.memref_slice %arg11[%mul3A_0, %dma_start3A] : memref<10112x128xf32, #tpu.memory_space<vmem_shared>> -> memref<632x128xf32, #tpu.memory_space<vmem_shared>>
      tpu.enqueue_dma source(%arg5 : memref<632x128xf32, #tpu.memory_space<hbm>>) target(%dma_start3A_28 : memref<632x128xf32, #tpu.memory_space<vmem_shared>>) target_semaphore(%run_scoped3A : memref<!tpu.dma_semaphore, #tpu.memory_space<semaphore_mem>>)
      %dma_wait3A = arith.constant 0 : i32
      %dma_wait3A_29 = tpu.memref_slice %arg11[%mul3A_0, %dma_wait3A] : memref<10112x128xf32, #tpu.memory_space<vmem_shared>> -> memref<632x128xf32, #tpu.memory_space<vmem_shared>>
      tpu.wait_dma2 semaphore(%run_scoped3A : memref<!tpu.dma_semaphore, #tpu.memory_space<semaphore_mem>>) src(%arg5 : memref<632x128xf32, #tpu.memory_space<hbm>>) dst(%dma_wait3A_29 : memref<632x128xf32, #tpu.memory_space<vmem_shared>>)
      tpu.yield
    }) : () -> ()
    %barrier3A = arith.constant 0 : index
    tpu.barrier barrier_id(%barrier3A)
    %eq3A = arith.constant 0 : i32
    %eq3A_1 = arith.cmpi eq, %arg0, %eq3A : i32
    %jit3A = arith.constant 80 : i32
    %jit3A_2 = arith.constant 80 : i32
    %select_n3A = arith.select %eq3A_1, %jit3A, %jit3A_2 : i32
    %mul3A_3 = arith.constant 1280 : i32
    %mul3A_4 = arith.muli %arg0, %mul3A_3 : i32
    %mul3A_5 = arith.muli %arg1, %select_n3A : i32
    %add3A = arith.addi %mul3A_4, %mul3A_5 : i32
    %eq3A_6 = arith.constant 0 : i32
    %eq3A_7 = arith.cmpi eq, %arg0, %eq3A_6 : i32
    %jit3A_8 = arith.constant 2 : i32
    %jit3A_9 = arith.constant 2 : i32
    %select_n3A_10 = arith.select %eq3A_7, %jit3A_8, %jit3A_9 : i32
    %while3A = arith.constant 0 : i32
    %while3A_11 = arith.constant 0 : i32
    %while3A_12 = arith.subi %select_n3A_10, %while3A_11 : i32
    %while3A_13 = arith.addi %while3A_11, %while3A_12 : i32
    %while3A_14 = arith.constant 1 : i32
    %while3A_15 = arith.divsi %while3A_12, %while3A_14 : i32
    %while3A_16 = arith.muli %while3A_15, %while3A_14 : i32
    %while3A_17 = arith.addi %while3A_11, %while3A_16 : i32
    %while3A_18 = arith.constant 1 : i32
    scf.for %while3A_28 = %while3A_11 to %while3A_17 step %while3A_18  : i32 {
      %mul3A_29 = arith.constant 40 : i32
      %mul3A_30 = arith.muli %while3A_28, %mul3A_29 : i32
      %add3A_31 = arith.addi %add3A, %mul3A_30 : i32
      %multiple_of3A = tpu.assume_multiple %add3A_31, 8 : i32
      "tpu.region"() ({
        %run_scoped3A = tpu.sem_alloc : memref<!tpu.dma_semaphore, #tpu.memory_space<semaphore_mem>>
        %dma_start3A_50 = arith.constant 0 : i32
        %dma_start3A_51 = tpu.memref_slice %arg3[%multiple_of3A, %dma_start3A_50] : memref<2560x128xi32, #tpu.memory_space<hbm>> -> memref<40x128xi32, #tpu.memory_space<hbm>>
        %dma_start3A_52 = arith.constant 0 : i32
        %dma_start3A_53 = tpu.memref_slice %arg3[%multiple_of3A, %dma_start3A_52] : memref<2560x128xi32, #tpu.memory_space<hbm>> -> memref<40x128xi32, #tpu.memory_space<hbm>>
        tpu.enqueue_dma source(%dma_start3A_53 : memref<40x128xi32, #tpu.memory_space<hbm>>) target(%arg7 : memref<40x128xi32, #tpu.memory_space<vmem>>) target_semaphore(%run_scoped3A : memref<!tpu.dma_semaphore, #tpu.memory_space<semaphore_mem>>)
        %dma_wait3A = arith.constant 0 : i32
        %dma_wait3A_54 = tpu.memref_slice %arg3[%multiple_of3A, %dma_wait3A] : memref<2560x128xi32, #tpu.memory_space<hbm>> -> memref<40x128xi32, #tpu.memory_space<hbm>>
        %dma_wait3A_55 = arith.constant 0 : i32
        %dma_wait3A_56 = tpu.memref_slice %arg3[%multiple_of3A, %dma_wait3A_55] : memref<2560x128xi32, #tpu.memory_space<hbm>> -> memref<40x128xi32, #tpu.memory_space<hbm>>
        tpu.wait_dma2 semaphore(%run_scoped3A : memref<!tpu.dma_semaphore, #tpu.memory_space<semaphore_mem>>) src(%dma_wait3A_56 : memref<40x128xi32, #tpu.memory_space<hbm>>) dst(%arg7 : memref<40x128xi32, #tpu.memory_space<vmem>>)
        tpu.yield
      }) : () -> ()
      "tpu.region"() ({
        %run_scoped3A = tpu.sem_alloc : memref<!tpu.dma_semaphore, #tpu.memory_space<semaphore_mem>>
        %dma_start3A_50 = arith.constant 0 : i32
        %dma_start3A_51 = tpu.memref_slice %arg4[%multiple_of3A, %dma_start3A_50] : memref<2560x128xi32, #tpu.memory_space<hbm>> -> memref<40x128xi32, #tpu.memory_space<hbm>>
        %dma_start3A_52 = arith.constant 0 : i32
        %dma_start3A_53 = tpu.memref_slice %arg4[%multiple_of3A, %dma_start3A_52] : memref<2560x128xi32, #tpu.memory_space<hbm>> -> memref<40x128xi32, #tpu.memory_space<hbm>>
        tpu.enqueue_dma source(%dma_start3A_53 : memref<40x128xi32, #tpu.memory_space<hbm>>) target(%arg8 : memref<40x128xi32, #tpu.memory_space<vmem>>) target_semaphore(%run_scoped3A : memref<!tpu.dma_semaphore, #tpu.memory_space<semaphore_mem>>)
        %dma_wait3A = arith.constant 0 : i32
        %dma_wait3A_54 = tpu.memref_slice %arg4[%multiple_of3A, %dma_wait3A] : memref<2560x128xi32, #tpu.memory_space<hbm>> -> memref<40x128xi32, #tpu.memory_space<hbm>>
        %dma_wait3A_55 = arith.constant 0 : i32
        %dma_wait3A_56 = tpu.memref_slice %arg4[%multiple_of3A, %dma_wait3A_55] : memref<2560x128xi32, #tpu.memory_space<hbm>> -> memref<40x128xi32, #tpu.memory_space<hbm>>
        tpu.wait_dma2 semaphore(%run_scoped3A : memref<!tpu.dma_semaphore, #tpu.memory_space<semaphore_mem>>) src(%dma_wait3A_56 : memref<40x128xi32, #tpu.memory_space<hbm>>) dst(%arg8 : memref<40x128xi32, #tpu.memory_space<vmem>>)
        tpu.yield
      }) : () -> ()
      %dma_start3A = arith.constant 0 : i32
      %dma_start3A_32 = arith.constant 0 : i32
      %dma_start3A_33 = tpu.memref_slice %arg7[%dma_start3A, %dma_start3A_32] : memref<40x128xi32, #tpu.memory_space<vmem>> -> memref<1x128xi32, #tpu.memory_space<vmem>>
      %dma_start3A_34 = tpu.memref_squeeze %dma_start3A_33 : memref<1x128xi32, #tpu.memory_space<vmem>> -> memref<128xi32, #tpu.memory_space<vmem>>
      %dma_start3A_35 = arith.constant 0 : i32
      %dma_start3A_36 = arith.constant 0 : i32
      %dma_start3A_37 = tpu.memref_slice %arg2[%dma_start3A_35, %dma_start3A_36] : memref<10000x128xf32, #tpu.memory_space<hbm>> -> memref<10000x128xf32, #tpu.memory_space<hbm>>
      tpu.enqueue_indirect_dma source(%dma_start3A_37 : memref<10000x128xf32, #tpu.memory_space<hbm>>) target(%arg9 : memref<128x128xf32, #tpu.memory_space<vmem>>) offsets(%dma_start3A_34 : memref<128xi32, #tpu.memory_space<vmem>>) semaphore(%arg12 : memref<!tpu.dma_semaphore, #tpu.memory_space<semaphore_mem>>)
      %dma_start3A_38 = arith.constant 1 : i32
      %dma_start3A_39 = arith.constant 0 : i32
      %dma_start3A_40 = tpu.memref_slice %arg7[%dma_start3A_38, %dma_start3A_39] : memref<40x128xi32, #tpu.memory_space<vmem>> -> memref<1x128xi32, #tpu.memory_space<vmem>>
      %dma_start3A_41 = tpu.memref_squeeze %dma_start3A_40 : memref<1x128xi32, #tpu.memory_space<vmem>> -> memref<128xi32, #tpu.memory_space<vmem>>
      %dma_start3A_42 = arith.constant 0 : i32
      %dma_start3A_43 = arith.constant 0 : i32
      %dma_start3A_44 = tpu.memref_slice %arg2[%dma_start3A_42, %dma_start3A_43] : memref<10000x128xf32, #tpu.memory_space<hbm>> -> memref<10000x128xf32, #tpu.memory_space<hbm>>
      tpu.enqueue_indirect_dma source(%dma_start3A_44 : memref<10000x128xf32, #tpu.memory_space<hbm>>) target(%arg10 : memref<128x128xf32, #tpu.memory_space<vmem>>) offsets(%dma_start3A_41 : memref<128xi32, #tpu.memory_space<vmem>>) semaphore(%arg13 : memref<!tpu.dma_semaphore, #tpu.memory_space<semaphore_mem>>)
      %scan3A = arith.constant 0 : i32
      %scan3A_45 = arith.constant 0 : i32
      %scan3A_46 = arith.constant 20 : i32
      %scan3A_47 = arith.addi %scan3A_45, %scan3A_46 : i32
      %scan3A_48 = arith.constant 1 : i32
      scf.for %scan3A_50 = %scan3A_45 to %scan3A_47 step %scan3A_48  : i32 {
        %mul3A_51 = arith.constant 2 : i32
        %mul3A_52 = arith.muli %mul3A_51, %scan3A_50 : i32
        %add3A_53 = arith.constant 0 : i32
        %add3A_54 = arith.addi %mul3A_52, %add3A_53 : i32
        %dma_wait3A = arith.constant 0 : i32
        %dma_wait3A_55 = arith.constant 0 : i32
        %dma_wait3A_56 = tpu.memref_slice %arg2[%dma_wait3A, %dma_wait3A_55] : memref<10000x128xf32, #tpu.memory_space<hbm>> -> memref<128x128xf32, #tpu.memory_space<hbm>>
        %dma_wait3A_57 = arith.constant 0 : i32
        %dma_wait3A_58 = arith.constant 0 : i32
        %dma_wait3A_59 = tpu.memref_slice %arg2[%dma_wait3A_57, %dma_wait3A_58] : memref<10000x128xf32, #tpu.memory_space<hbm>> -> memref<128x128xf32, #tpu.memory_space<hbm>>
        tpu.wait_dma2 semaphore(%arg12 : memref<!tpu.dma_semaphore, #tpu.memory_space<semaphore_mem>>) src(%dma_wait3A_59 : memref<128x128xf32, #tpu.memory_space<hbm>>) dst(%arg9 : memref<128x128xf32, #tpu.memory_space<vmem>>)
        "tpu.region"() ({
          %run_scoped3A = tpu.sem_alloc : memref<!tpu.dma_semaphore, #tpu.memory_space<semaphore_mem>>
          %dma_start3A_81 = arith.constant 0 : i32
          %dma_start3A_82 = tpu.memref_slice %arg8[%add3A_54, %dma_start3A_81] : memref<40x128xi32, #tpu.memory_space<vmem>> -> memref<1x128xi32, #tpu.memory_space<vmem>>
          %dma_start3A_83 = tpu.memref_squeeze %dma_start3A_82 : memref<1x128xi32, #tpu.memory_space<vmem>> -> memref<128xi32, #tpu.memory_space<vmem>>
          %dma_start3A_84 = arith.constant 0 : i32
          %dma_start3A_85 = arith.constant 0 : i32
          %dma_start3A_86 = tpu.memref_slice %arg11[%dma_start3A_84, %dma_start3A_85] : memref<10112x128xf32, #tpu.memory_space<vmem_shared>> -> memref<10112x128xf32, #tpu.memory_space<vmem_shared>>
          tpu.enqueue_indirect_dma source(%arg9 : memref<128x128xf32, #tpu.memory_space<vmem>>) target(%dma_start3A_86 : memref<10112x128xf32, #tpu.memory_space<vmem_shared>>) offsets(%dma_start3A_83 : memref<128xi32, #tpu.memory_space<vmem>>) semaphore(%run_scoped3A : memref<!tpu.dma_semaphore, #tpu.memory_space<semaphore_mem>>) {add = true}
          %dma_wait3A_87 = arith.constant 0 : i32
          %dma_wait3A_88 = tpu.memref_slice %arg8[%add3A_54, %dma_wait3A_87] : memref<40x128xi32, #tpu.memory_space<vmem>> -> memref<1x128xi32, #tpu.memory_space<vmem>>
          %dma_wait3A_89 = tpu.memref_squeeze %dma_wait3A_88 : memref<1x128xi32, #tpu.memory_space<vmem>> -> memref<128xi32, #tpu.memory_space<vmem>>
          %dma_wait3A_90 = arith.constant 0 : i32
          %dma_wait3A_91 = arith.constant 0 : i32
          %dma_wait3A_92 = tpu.memref_slice %arg11[%dma_wait3A_90, %dma_wait3A_91] : memref<10112x128xf32, #tpu.memory_space<vmem_shared>> -> memref<10112x128xf32, #tpu.memory_space<vmem_shared>>
          tpu.wait_indirect_dma semaphore(%run_scoped3A : memref<!tpu.dma_semaphore, #tpu.memory_space<semaphore_mem>>) src(%arg9 : memref<128x128xf32, #tpu.memory_space<vmem>>) dst(%dma_wait3A_92 : memref<10112x128xf32, #tpu.memory_space<vmem_shared>>)
          tpu.yield
        }) : () -> ()
        %add3A_60 = arith.constant 2 : i32
        %add3A_61 = arith.addi %add3A_54, %add3A_60 : i32
        %lt3A = arith.constant 40 : i32
        %lt3A_62 = arith.cmpi slt, %add3A_61, %lt3A : i32
        %convert_element_type3A = arith.extui %lt3A_62 : i1 to i32
        %cond3A = arith.constant 0 : i32
        %cond3A_63 = arith.cmpi ne, %convert_element_type3A, %cond3A : i32
        scf.if %cond3A_63 {
          %add3A_81 = arith.constant 2 : i32
          %add3A_82 = arith.addi %add3A_54, %add3A_81 : i32
          %dma_start3A_83 = arith.constant 0 : i32
          %dma_start3A_84 = tpu.memref_slice %arg7[%add3A_82, %dma_start3A_83] : memref<40x128xi32, #tpu.memory_space<vmem>> -> memref<1x128xi32, #tpu.memory_space<vmem>>
          %dma_start3A_85 = tpu.memref_squeeze %dma_start3A_84 : memref<1x128xi32, #tpu.memory_space<vmem>> -> memref<128xi32, #tpu.memory_space<vmem>>
          %dma_start3A_86 = arith.constant 0 : i32
          %dma_start3A_87 = arith.constant 0 : i32
          %dma_start3A_88 = tpu.memref_slice %arg2[%dma_start3A_86, %dma_start3A_87] : memref<10000x128xf32, #tpu.memory_space<hbm>> -> memref<10000x128xf32, #tpu.memory_space<hbm>>
          tpu.enqueue_indirect_dma source(%dma_start3A_88 : memref<10000x128xf32, #tpu.memory_space<hbm>>) target(%arg9 : memref<128x128xf32, #tpu.memory_space<vmem>>) offsets(%dma_start3A_85 : memref<128xi32, #tpu.memory_space<vmem>>) semaphore(%arg12 : memref<!tpu.dma_semaphore, #tpu.memory_space<semaphore_mem>>)
        } else {
        }
        %mul3A_64 = arith.constant 2 : i32
        %mul3A_65 = arith.muli %mul3A_64, %scan3A_50 : i32
        %add3A_66 = arith.constant 1 : i32
        %add3A_67 = arith.addi %mul3A_65, %add3A_66 : i32
        %dma_wait3A_68 = arith.constant 0 : i32
        %dma_wait3A_69 = arith.constant 0 : i32
        %dma_wait3A_70 = tpu.memref_slice %arg2[%dma_wait3A_68, %dma_wait3A_69] : memref<10000x128xf32, #tpu.memory_space<hbm>> -> memref<128x128xf32, #tpu.memory_space<hbm>>
        %dma_wait3A_71 = arith.constant 0 : i32
        %dma_wait3A_72 = arith.constant 0 : i32
        %dma_wait3A_73 = tpu.memref_slice %arg2[%dma_wait3A_71, %dma_wait3A_72] : memref<10000x128xf32, #tpu.memory_space<hbm>> -> memref<128x128xf32, #tpu.memory_space<hbm>>
        tpu.wait_dma2 semaphore(%arg13 : memref<!tpu.dma_semaphore, #tpu.memory_space<semaphore_mem>>) src(%dma_wait3A_73 : memref<128x128xf32, #tpu.memory_space<hbm>>) dst(%arg10 : memref<128x128xf32, #tpu.memory_space<vmem>>)
        "tpu.region"() ({
          %run_scoped3A = tpu.sem_alloc : memref<!tpu.dma_semaphore, #tpu.memory_space<semaphore_mem>>
          %dma_start3A_81 = arith.constant 0 : i32
          %dma_start3A_82 = tpu.memref_slice %arg8[%add3A_67, %dma_start3A_81] : memref<40x128xi32, #tpu.memory_space<vmem>> -> memref<1x128xi32, #tpu.memory_space<vmem>>
          %dma_start3A_83 = tpu.memref_squeeze %dma_start3A_82 : memref<1x128xi32, #tpu.memory_space<vmem>> -> memref<128xi32, #tpu.memory_space<vmem>>
          %dma_start3A_84 = arith.constant 0 : i32
          %dma_start3A_85 = arith.constant 0 : i32
          %dma_start3A_86 = tpu.memref_slice %arg11[%dma_start3A_84, %dma_start3A_85] : memref<10112x128xf32, #tpu.memory_space<vmem_shared>> -> memref<10112x128xf32, #tpu.memory_space<vmem_shared>>
          tpu.enqueue_indirect_dma source(%arg10 : memref<128x128xf32, #tpu.memory_space<vmem>>) target(%dma_start3A_86 : memref<10112x128xf32, #tpu.memory_space<vmem_shared>>) offsets(%dma_start3A_83 : memref<128xi32, #tpu.memory_space<vmem>>) semaphore(%run_scoped3A : memref<!tpu.dma_semaphore, #tpu.memory_space<semaphore_mem>>) {add = true}
          %dma_wait3A_87 = arith.constant 0 : i32
          %dma_wait3A_88 = tpu.memref_slice %arg8[%add3A_67, %dma_wait3A_87] : memref<40x128xi32, #tpu.memory_space<vmem>> -> memref<1x128xi32, #tpu.memory_space<vmem>>
          %dma_wait3A_89 = tpu.memref_squeeze %dma_wait3A_88 : memref<1x128xi32, #tpu.memory_space<vmem>> -> memref<128xi32, #tpu.memory_space<vmem>>
          %dma_wait3A_90 = arith.constant 0 : i32
          %dma_wait3A_91 = arith.constant 0 : i32
          %dma_wait3A_92 = tpu.memref_slice %arg11[%dma_wait3A_90, %dma_wait3A_91] : memref<10112x128xf32, #tpu.memory_space<vmem_shared>> -> memref<10112x128xf32, #tpu.memory_space<vmem_shared>>
          tpu.wait_indirect_dma semaphore(%run_scoped3A : memref<!tpu.dma_semaphore, #tpu.memory_space<semaphore_mem>>) src(%arg10 : memref<128x128xf32, #tpu.memory_space<vmem>>) dst(%dma_wait3A_92 : memref<10112x128xf32, #tpu.memory_space<vmem_shared>>)
          tpu.yield
        }) : () -> ()
        %add3A_74 = arith.constant 2 : i32
        %add3A_75 = arith.addi %add3A_67, %add3A_74 : i32
        %lt3A_76 = arith.constant 40 : i32
        %lt3A_77 = arith.cmpi slt, %add3A_75, %lt3A_76 : i32
        %convert_element_type3A_78 = arith.extui %lt3A_77 : i1 to i32
        %cond3A_79 = arith.constant 0 : i32
        %cond3A_80 = arith.cmpi ne, %convert_element_type3A_78, %cond3A_79 : i32
        scf.if %cond3A_80 {
          %add3A_81 = arith.constant 2 : i32
          %add3A_82 = arith.addi %add3A_67, %add3A_81 : i32
          %dma_start3A_83 = arith.constant 0 : i32
          %dma_start3A_84 = tpu.memref_slice %arg7[%add3A_82, %dma_start3A_83] : memref<40x128xi32, #tpu.memory_space<vmem>> -> memref<1x128xi32, #tpu.memory_space<vmem>>
          %dma_start3A_85 = tpu.memref_squeeze %dma_start3A_84 : memref<1x128xi32, #tpu.memory_space<vmem>> -> memref<128xi32, #tpu.memory_space<vmem>>
          %dma_start3A_86 = arith.constant 0 : i32
          %dma_start3A_87 = arith.constant 0 : i32
          %dma_start3A_88 = tpu.memref_slice %arg2[%dma_start3A_86, %dma_start3A_87] : memref<10000x128xf32, #tpu.memory_space<hbm>> -> memref<10000x128xf32, #tpu.memory_space<hbm>>
          tpu.enqueue_indirect_dma source(%dma_start3A_88 : memref<10000x128xf32, #tpu.memory_space<hbm>>) target(%arg10 : memref<128x128xf32, #tpu.memory_space<vmem>>) offsets(%dma_start3A_85 : memref<128xi32, #tpu.memory_space<vmem>>) semaphore(%arg13 : memref<!tpu.dma_semaphore, #tpu.memory_space<semaphore_mem>>)
        } else {
        }
      }
      %scan3A_49 = arith.constant 20 : i32
    }
    %while3A_19 = arith.constant 1 : i32
    scf.for %while3A_28 = %while3A_17 to %while3A_13 step %while3A_19  : i32 {
      %mul3A_29 = arith.constant 40 : i32
      %mul3A_30 = arith.muli %while3A_28, %mul3A_29 : i32
      %add3A_31 = arith.addi %add3A, %mul3A_30 : i32
      %multiple_of3A = tpu.assume_multiple %add3A_31, 8 : i32
      "tpu.region"() ({
        %run_scoped3A = tpu.sem_alloc : memref<!tpu.dma_semaphore, #tpu.memory_space<semaphore_mem>>
        %dma_start3A_50 = arith.constant 0 : i32
        %dma_start3A_51 = tpu.memref_slice %arg3[%multiple_of3A, %dma_start3A_50] : memref<2560x128xi32, #tpu.memory_space<hbm>> -> memref<40x128xi32, #tpu.memory_space<hbm>>
        %dma_start3A_52 = arith.constant 0 : i32
        %dma_start3A_53 = tpu.memref_slice %arg3[%multiple_of3A, %dma_start3A_52] : memref<2560x128xi32, #tpu.memory_space<hbm>> -> memref<40x128xi32, #tpu.memory_space<hbm>>
        tpu.enqueue_dma source(%dma_start3A_53 : memref<40x128xi32, #tpu.memory_space<hbm>>) target(%arg7 : memref<40x128xi32, #tpu.memory_space<vmem>>) target_semaphore(%run_scoped3A : memref<!tpu.dma_semaphore, #tpu.memory_space<semaphore_mem>>)
        %dma_wait3A = arith.constant 0 : i32
        %dma_wait3A_54 = tpu.memref_slice %arg3[%multiple_of3A, %dma_wait3A] : memref<2560x128xi32, #tpu.memory_space<hbm>> -> memref<40x128xi32, #tpu.memory_space<hbm>>
        %dma_wait3A_55 = arith.constant 0 : i32
        %dma_wait3A_56 = tpu.memref_slice %arg3[%multiple_of3A, %dma_wait3A_55] : memref<2560x128xi32, #tpu.memory_space<hbm>> -> memref<40x128xi32, #tpu.memory_space<hbm>>
        tpu.wait_dma2 semaphore(%run_scoped3A : memref<!tpu.dma_semaphore, #tpu.memory_space<semaphore_mem>>) src(%dma_wait3A_56 : memref<40x128xi32, #tpu.memory_space<hbm>>) dst(%arg7 : memref<40x128xi32, #tpu.memory_space<vmem>>)
        tpu.yield
      }) : () -> ()
      "tpu.region"() ({
        %run_scoped3A = tpu.sem_alloc : memref<!tpu.dma_semaphore, #tpu.memory_space<semaphore_mem>>
        %dma_start3A_50 = arith.constant 0 : i32
        %dma_start3A_51 = tpu.memref_slice %arg4[%multiple_of3A, %dma_start3A_50] : memref<2560x128xi32, #tpu.memory_space<hbm>> -> memref<40x128xi32, #tpu.memory_space<hbm>>
        %dma_start3A_52 = arith.constant 0 : i32
        %dma_start3A_53 = tpu.memref_slice %arg4[%multiple_of3A, %dma_start3A_52] : memref<2560x128xi32, #tpu.memory_space<hbm>> -> memref<40x128xi32, #tpu.memory_space<hbm>>
        tpu.enqueue_dma source(%dma_start3A_53 : memref<40x128xi32, #tpu.memory_space<hbm>>) target(%arg8 : memref<40x128xi32, #tpu.memory_space<vmem>>) target_semaphore(%run_scoped3A : memref<!tpu.dma_semaphore, #tpu.memory_space<semaphore_mem>>)
        %dma_wait3A = arith.constant 0 : i32
        %dma_wait3A_54 = tpu.memref_slice %arg4[%multiple_of3A, %dma_wait3A] : memref<2560x128xi32, #tpu.memory_space<hbm>> -> memref<40x128xi32, #tpu.memory_space<hbm>>
        %dma_wait3A_55 = arith.constant 0 : i32
        %dma_wait3A_56 = tpu.memref_slice %arg4[%multiple_of3A, %dma_wait3A_55] : memref<2560x128xi32, #tpu.memory_space<hbm>> -> memref<40x128xi32, #tpu.memory_space<hbm>>
        tpu.wait_dma2 semaphore(%run_scoped3A : memref<!tpu.dma_semaphore, #tpu.memory_space<semaphore_mem>>) src(%dma_wait3A_56 : memref<40x128xi32, #tpu.memory_space<hbm>>) dst(%arg8 : memref<40x128xi32, #tpu.memory_space<vmem>>)
        tpu.yield
      }) : () -> ()
      %dma_start3A = arith.constant 0 : i32
      %dma_start3A_32 = arith.constant 0 : i32
      %dma_start3A_33 = tpu.memref_slice %arg7[%dma_start3A, %dma_start3A_32] : memref<40x128xi32, #tpu.memory_space<vmem>> -> memref<1x128xi32, #tpu.memory_space<vmem>>
      %dma_start3A_34 = tpu.memref_squeeze %dma_start3A_33 : memref<1x128xi32, #tpu.memory_space<vmem>> -> memref<128xi32, #tpu.memory_space<vmem>>
      %dma_start3A_35 = arith.constant 0 : i32
      %dma_start3A_36 = arith.constant 0 : i32
      %dma_start3A_37 = tpu.memref_slice %arg2[%dma_start3A_35, %dma_start3A_36] : memref<10000x128xf32, #tpu.memory_space<hbm>> -> memref<10000x128xf32, #tpu.memory_space<hbm>>
      tpu.enqueue_indirect_dma source(%dma_start3A_37 : memref<10000x128xf32, #tpu.memory_space<hbm>>) target(%arg9 : memref<128x128xf32, #tpu.memory_space<vmem>>) offsets(%dma_start3A_34 : memref<128xi32, #tpu.memory_space<vmem>>) semaphore(%arg12 : memref<!tpu.dma_semaphore, #tpu.memory_space<semaphore_mem>>)
      %dma_start3A_38 = arith.constant 1 : i32
      %dma_start3A_39 = arith.constant 0 : i32
      %dma_start3A_40 = tpu.memref_slice %arg7[%dma_start3A_38, %dma_start3A_39] : memref<40x128xi32, #tpu.memory_space<vmem>> -> memref<1x128xi32, #tpu.memory_space<vmem>>
      %dma_start3A_41 = tpu.memref_squeeze %dma_start3A_40 : memref<1x128xi32, #tpu.memory_space<vmem>> -> memref<128xi32, #tpu.memory_space<vmem>>
      %dma_start3A_42 = arith.constant 0 : i32
      %dma_start3A_43 = arith.constant 0 : i32
      %dma_start3A_44 = tpu.memref_slice %arg2[%dma_start3A_42, %dma_start3A_43] : memref<10000x128xf32, #tpu.memory_space<hbm>> -> memref<10000x128xf32, #tpu.memory_space<hbm>>
      tpu.enqueue_indirect_dma source(%dma_start3A_44 : memref<10000x128xf32, #tpu.memory_space<hbm>>) target(%arg10 : memref<128x128xf32, #tpu.memory_space<vmem>>) offsets(%dma_start3A_41 : memref<128xi32, #tpu.memory_space<vmem>>) semaphore(%arg13 : memref<!tpu.dma_semaphore, #tpu.memory_space<semaphore_mem>>)
      %scan3A = arith.constant 0 : i32
      %scan3A_45 = arith.constant 0 : i32
      %scan3A_46 = arith.constant 20 : i32
      %scan3A_47 = arith.addi %scan3A_45, %scan3A_46 : i32
      %scan3A_48 = arith.constant 1 : i32
      scf.for %scan3A_50 = %scan3A_45 to %scan3A_47 step %scan3A_48  : i32 {
        %mul3A_51 = arith.constant 2 : i32
        %mul3A_52 = arith.muli %mul3A_51, %scan3A_50 : i32
        %add3A_53 = arith.constant 0 : i32
        %add3A_54 = arith.addi %mul3A_52, %add3A_53 : i32
        %dma_wait3A = arith.constant 0 : i32
        %dma_wait3A_55 = arith.constant 0 : i32
        %dma_wait3A_56 = tpu.memref_slice %arg2[%dma_wait3A, %dma_wait3A_55] : memref<10000x128xf32, #tpu.memory_space<hbm>> -> memref<128x128xf32, #tpu.memory_space<hbm>>
        %dma_wait3A_57 = arith.constant 0 : i32
        %dma_wait3A_58 = arith.constant 0 : i32
        %dma_wait3A_59 = tpu.memref_slice %arg2[%dma_wait3A_57, %dma_wait3A_58] : memref<10000x128xf32, #tpu.memory_space<hbm>> -> memref<128x128xf32, #tpu.memory_space<hbm>>
        tpu.wait_dma2 semaphore(%arg12 : memref<!tpu.dma_semaphore, #tpu.memory_space<semaphore_mem>>) src(%dma_wait3A_59 : memref<128x128xf32, #tpu.memory_space<hbm>>) dst(%arg9 : memref<128x128xf32, #tpu.memory_space<vmem>>)
        "tpu.region"() ({
          %run_scoped3A = tpu.sem_alloc : memref<!tpu.dma_semaphore, #tpu.memory_space<semaphore_mem>>
          %dma_start3A_81 = arith.constant 0 : i32
          %dma_start3A_82 = tpu.memref_slice %arg8[%add3A_54, %dma_start3A_81] : memref<40x128xi32, #tpu.memory_space<vmem>> -> memref<1x128xi32, #tpu.memory_space<vmem>>
          %dma_start3A_83 = tpu.memref_squeeze %dma_start3A_82 : memref<1x128xi32, #tpu.memory_space<vmem>> -> memref<128xi32, #tpu.memory_space<vmem>>
          %dma_start3A_84 = arith.constant 0 : i32
          %dma_start3A_85 = arith.constant 0 : i32
          %dma_start3A_86 = tpu.memref_slice %arg11[%dma_start3A_84, %dma_start3A_85] : memref<10112x128xf32, #tpu.memory_space<vmem_shared>> -> memref<10112x128xf32, #tpu.memory_space<vmem_shared>>
          tpu.enqueue_indirect_dma source(%arg9 : memref<128x128xf32, #tpu.memory_space<vmem>>) target(%dma_start3A_86 : memref<10112x128xf32, #tpu.memory_space<vmem_shared>>) offsets(%dma_start3A_83 : memref<128xi32, #tpu.memory_space<vmem>>) semaphore(%run_scoped3A : memref<!tpu.dma_semaphore, #tpu.memory_space<semaphore_mem>>) {add = true}
          %dma_wait3A_87 = arith.constant 0 : i32
          %dma_wait3A_88 = tpu.memref_slice %arg8[%add3A_54, %dma_wait3A_87] : memref<40x128xi32, #tpu.memory_space<vmem>> -> memref<1x128xi32, #tpu.memory_space<vmem>>
          %dma_wait3A_89 = tpu.memref_squeeze %dma_wait3A_88 : memref<1x128xi32, #tpu.memory_space<vmem>> -> memref<128xi32, #tpu.memory_space<vmem>>
          %dma_wait3A_90 = arith.constant 0 : i32
          %dma_wait3A_91 = arith.constant 0 : i32
          %dma_wait3A_92 = tpu.memref_slice %arg11[%dma_wait3A_90, %dma_wait3A_91] : memref<10112x128xf32, #tpu.memory_space<vmem_shared>> -> memref<10112x128xf32, #tpu.memory_space<vmem_shared>>
          tpu.wait_indirect_dma semaphore(%run_scoped3A : memref<!tpu.dma_semaphore, #tpu.memory_space<semaphore_mem>>) src(%arg9 : memref<128x128xf32, #tpu.memory_space<vmem>>) dst(%dma_wait3A_92 : memref<10112x128xf32, #tpu.memory_space<vmem_shared>>)
          tpu.yield
        }) : () -> ()
        %add3A_60 = arith.constant 2 : i32
        %add3A_61 = arith.addi %add3A_54, %add3A_60 : i32
        %lt3A = arith.constant 40 : i32
        %lt3A_62 = arith.cmpi slt, %add3A_61, %lt3A : i32
        %convert_element_type3A = arith.extui %lt3A_62 : i1 to i32
        %cond3A = arith.constant 0 : i32
        %cond3A_63 = arith.cmpi ne, %convert_element_type3A, %cond3A : i32
        scf.if %cond3A_63 {
          %add3A_81 = arith.constant 2 : i32
          %add3A_82 = arith.addi %add3A_54, %add3A_81 : i32
          %dma_start3A_83 = arith.constant 0 : i32
          %dma_start3A_84 = tpu.memref_slice %arg7[%add3A_82, %dma_start3A_83] : memref<40x128xi32, #tpu.memory_space<vmem>> -> memref<1x128xi32, #tpu.memory_space<vmem>>
          %dma_start3A_85 = tpu.memref_squeeze %dma_start3A_84 : memref<1x128xi32, #tpu.memory_space<vmem>> -> memref<128xi32, #tpu.memory_space<vmem>>
          %dma_start3A_86 = arith.constant 0 : i32
          %dma_start3A_87 = arith.constant 0 : i32
          %dma_start3A_88 = tpu.memref_slice %arg2[%dma_start3A_86, %dma_start3A_87] : memref<10000x128xf32, #tpu.memory_space<hbm>> -> memref<10000x128xf32, #tpu.memory_space<hbm>>
          tpu.enqueue_indirect_dma source(%dma_start3A_88 : memref<10000x128xf32, #tpu.memory_space<hbm>>) target(%arg9 : memref<128x128xf32, #tpu.memory_space<vmem>>) offsets(%dma_start3A_85 : memref<128xi32, #tpu.memory_space<vmem>>) semaphore(%arg12 : memref<!tpu.dma_semaphore, #tpu.memory_space<semaphore_mem>>)
        } else {
        }
        %mul3A_64 = arith.constant 2 : i32
        %mul3A_65 = arith.muli %mul3A_64, %scan3A_50 : i32
        %add3A_66 = arith.constant 1 : i32
        %add3A_67 = arith.addi %mul3A_65, %add3A_66 : i32
        %dma_wait3A_68 = arith.constant 0 : i32
        %dma_wait3A_69 = arith.constant 0 : i32
        %dma_wait3A_70 = tpu.memref_slice %arg2[%dma_wait3A_68, %dma_wait3A_69] : memref<10000x128xf32, #tpu.memory_space<hbm>> -> memref<128x128xf32, #tpu.memory_space<hbm>>
        %dma_wait3A_71 = arith.constant 0 : i32
        %dma_wait3A_72 = arith.constant 0 : i32
        %dma_wait3A_73 = tpu.memref_slice %arg2[%dma_wait3A_71, %dma_wait3A_72] : memref<10000x128xf32, #tpu.memory_space<hbm>> -> memref<128x128xf32, #tpu.memory_space<hbm>>
        tpu.wait_dma2 semaphore(%arg13 : memref<!tpu.dma_semaphore, #tpu.memory_space<semaphore_mem>>) src(%dma_wait3A_73 : memref<128x128xf32, #tpu.memory_space<hbm>>) dst(%arg10 : memref<128x128xf32, #tpu.memory_space<vmem>>)
        "tpu.region"() ({
          %run_scoped3A = tpu.sem_alloc : memref<!tpu.dma_semaphore, #tpu.memory_space<semaphore_mem>>
          %dma_start3A_81 = arith.constant 0 : i32
          %dma_start3A_82 = tpu.memref_slice %arg8[%add3A_67, %dma_start3A_81] : memref<40x128xi32, #tpu.memory_space<vmem>> -> memref<1x128xi32, #tpu.memory_space<vmem>>
          %dma_start3A_83 = tpu.memref_squeeze %dma_start3A_82 : memref<1x128xi32, #tpu.memory_space<vmem>> -> memref<128xi32, #tpu.memory_space<vmem>>
          %dma_start3A_84 = arith.constant 0 : i32
          %dma_start3A_85 = arith.constant 0 : i32
          %dma_start3A_86 = tpu.memref_slice %arg11[%dma_start3A_84, %dma_start3A_85] : memref<10112x128xf32, #tpu.memory_space<vmem_shared>> -> memref<10112x128xf32, #tpu.memory_space<vmem_shared>>
          tpu.enqueue_indirect_dma source(%arg10 : memref<128x128xf32, #tpu.memory_space<vmem>>) target(%dma_start3A_86 : memref<10112x128xf32, #tpu.memory_space<vmem_shared>>) offsets(%dma_start3A_83 : memref<128xi32, #tpu.memory_space<vmem>>) semaphore(%run_scoped3A : memref<!tpu.dma_semaphore, #tpu.memory_space<semaphore_mem>>) {add = true}
          %dma_wait3A_87 = arith.constant 0 : i32
          %dma_wait3A_88 = tpu.memref_slice %arg8[%add3A_67, %dma_wait3A_87] : memref<40x128xi32, #tpu.memory_space<vmem>> -> memref<1x128xi32, #tpu.memory_space<vmem>>
          %dma_wait3A_89 = tpu.memref_squeeze %dma_wait3A_88 : memref<1x128xi32, #tpu.memory_space<vmem>> -> memref<128xi32, #tpu.memory_space<vmem>>
          %dma_wait3A_90 = arith.constant 0 : i32
          %dma_wait3A_91 = arith.constant 0 : i32
          %dma_wait3A_92 = tpu.memref_slice %arg11[%dma_wait3A_90, %dma_wait3A_91] : memref<10112x128xf32, #tpu.memory_space<vmem_shared>> -> memref<10112x128xf32, #tpu.memory_space<vmem_shared>>
          tpu.wait_indirect_dma semaphore(%run_scoped3A : memref<!tpu.dma_semaphore, #tpu.memory_space<semaphore_mem>>) src(%arg10 : memref<128x128xf32, #tpu.memory_space<vmem>>) dst(%dma_wait3A_92 : memref<10112x128xf32, #tpu.memory_space<vmem_shared>>)
          tpu.yield
        }) : () -> ()
        %add3A_74 = arith.constant 2 : i32
        %add3A_75 = arith.addi %add3A_67, %add3A_74 : i32
        %lt3A_76 = arith.constant 40 : i32
        %lt3A_77 = arith.cmpi slt, %add3A_75, %lt3A_76 : i32
        %convert_element_type3A_78 = arith.extui %lt3A_77 : i1 to i32
        %cond3A_79 = arith.constant 0 : i32
        %cond3A_80 = arith.cmpi ne, %convert_element_type3A_78, %cond3A_79 : i32
        scf.if %cond3A_80 {
          %add3A_81 = arith.constant 2 : i32
          %add3A_82 = arith.addi %add3A_67, %add3A_81 : i32
          %dma_start3A_83 = arith.constant 0 : i32
          %dma_start3A_84 = tpu.memref_slice %arg7[%add3A_82, %dma_start3A_83] : memref<40x128xi32, #tpu.memory_space<vmem>> -> memref<1x128xi32, #tpu.memory_space<vmem>>
          %dma_start3A_85 = tpu.memref_squeeze %dma_start3A_84 : memref<1x128xi32, #tpu.memory_space<vmem>> -> memref<128xi32, #tpu.memory_space<vmem>>
          %dma_start3A_86 = arith.constant 0 : i32
          %dma_start3A_87 = arith.constant 0 : i32
          %dma_start3A_88 = tpu.memref_slice %arg2[%dma_start3A_86, %dma_start3A_87] : memref<10000x128xf32, #tpu.memory_space<hbm>> -> memref<10000x128xf32, #tpu.memory_space<hbm>>
          tpu.enqueue_indirect_dma source(%dma_start3A_88 : memref<10000x128xf32, #tpu.memory_space<hbm>>) target(%arg10 : memref<128x128xf32, #tpu.memory_space<vmem>>) offsets(%dma_start3A_85 : memref<128xi32, #tpu.memory_space<vmem>>) semaphore(%arg13 : memref<!tpu.dma_semaphore, #tpu.memory_space<semaphore_mem>>)
        } else {
        }
      }
      %scan3A_49 = arith.constant 20 : i32
    }
    %barrier3A_20 = arith.constant 0 : index
    tpu.barrier barrier_id(%barrier3A_20)
    %mul3A_21 = arith.constant 632 : i32
    %mul3A_22 = arith.muli %arg1, %mul3A_21 : i32
    %mul3A_23 = arith.constant 10112 : i32
    %mul3A_24 = arith.muli %arg0, %mul3A_23 : i32
    %mul3A_25 = arith.constant 632 : i32
    %mul3A_26 = arith.muli %arg1, %mul3A_25 : i32
    %add3A_27 = arith.addi %mul3A_24, %mul3A_26 : i32
    "tpu.region"() ({
      %run_scoped3A = tpu.sem_alloc : memref<!tpu.dma_semaphore, #tpu.memory_space<semaphore_mem>>
      %dma_start3A = arith.constant 0 : i32
      %dma_start3A_28 = tpu.memref_slice %arg6[%add3A_27, %dma_start3A] : memref<20224x128xf32, #tpu.memory_space<hbm>> -> memref<632x128xf32, #tpu.memory_space<hbm>>
      %dma_start3A_29 = arith.constant 0 : i32
      %dma_start3A_30 = tpu.memref_slice %arg11[%mul3A_22, %dma_start3A_29] : memref<10112x128xf32, #tpu.memory_space<vmem_shared>> -> memref<632x128xf32, #tpu.memory_space<vmem_shared>>
      tpu.enqueue_dma source(%dma_start3A_30 : memref<632x128xf32, #tpu.memory_space<vmem_shared>>) target(%dma_start3A_28 : memref<632x128xf32, #tpu.memory_space<hbm>>) target_semaphore(%run_scoped3A : memref<!tpu.dma_semaphore, #tpu.memory_space<semaphore_mem>>)
      %dma_wait3A = arith.constant 0 : i32
      %dma_wait3A_31 = tpu.memref_slice %arg6[%add3A_27, %dma_wait3A] : memref<20224x128xf32, #tpu.memory_space<hbm>> -> memref<632x128xf32, #tpu.memory_space<hbm>>
      %dma_wait3A_32 = arith.constant 0 : i32
      %dma_wait3A_33 = tpu.memref_slice %arg11[%mul3A_22, %dma_wait3A_32] : memref<10112x128xf32, #tpu.memory_space<vmem_shared>> -> memref<632x128xf32, #tpu.memory_space<vmem_shared>>
      tpu.wait_dma2 semaphore(%run_scoped3A : memref<!tpu.dma_semaphore, #tpu.memory_space<semaphore_mem>>) src(%dma_wait3A_33 : memref<632x128xf32, #tpu.memory_space<vmem_shared>>) dst(%dma_wait3A_31 : memref<632x128xf32, #tpu.memory_space<hbm>>)
      tpu.yield
    }) : () -> ()
    return
  }
}

module attributes {stable_mosaic.version = 14 : i64} {
  func.func @_tca_body(%arg0: i32, %arg1: memref<2x1000x128xf32, #tpu.memory_space<vmem>>, %arg2: memref<1000x1xf32, #tpu.memory_space<vmem>>, %arg3: memref<1x128xf32, #tpu.memory_space<vmem>>, %arg4: memref<1x128xf32, #tpu.memory_space<vmem>>, %arg5: memref<128x128xf32, #tpu.memory_space<vmem>>, %arg6: memref<1000x1xf32, #tpu.memory_space<vmem>>, %arg7: memref<1000x128xf32, #tpu.memory_space<vmem>>) attributes {dimension_semantics = [#tpu.dimension_semantics<arbitrary>], iteration_bounds = array<i64: 10>, scalar_prefetch = 0 : i64, scratch_operands = 0 : i64, tpu.core_type = #tpu.core_type<tc>, window_params = [{transform_indices = @transform_0, window_bounds = array<i64: 2, 1000, 128>}, {transform_indices = @transform_1, window_bounds = array<i64: 1000, 1>}, {pipeline_mode = #tpu.pipeline_mode<synchronous>, transform_indices = @transform_2, window_bounds = array<i64: 1, 128>}, {pipeline_mode = #tpu.pipeline_mode<synchronous>, transform_indices = @transform_3, window_bounds = array<i64: 1, 128>}, {pipeline_mode = #tpu.pipeline_mode<synchronous>, transform_indices = @transform_4, window_bounds = array<i64: 128, 128>}, {transform_indices = @transform_5, window_bounds = array<i64: 1000, 1>}, {transform_indices = @transform_6, window_bounds = array<i64: 1000, 128>}]} {
    %get3A = arith.constant 0 : index
    %get3A_0 = arith.constant 0 : index
    %get3A_1 = arith.constant 0 : index
    %get3A_2 = vector.load %arg1[%get3A, %get3A_0, %get3A_1] : memref<2x1000x128xf32, #tpu.memory_space<vmem>>, vector<2x1000x128xf32>
    %slice3A = vector.extract_strided_slice %get3A_2 {offsets = [0, 0, 0], sizes = [1, 1000, 128], strides = [1, 1, 1]} : vector<2x1000x128xf32> to vector<1x1000x128xf32>
    %squeeze3A = vector.shape_cast %slice3A : vector<1x1000x128xf32> to vector<1000x128xf32>
    %slice3A_3 = vector.extract_strided_slice %squeeze3A {offsets = [0, 0], sizes = [1000, 1], strides = [1, 1]} : vector<1000x128xf32> to vector<1000x1xf32>
    %slice3A_4 = vector.extract_strided_slice %get3A_2 {offsets = [1, 0, 0], sizes = [1, 1000, 128], strides = [1, 1, 1]} : vector<2x1000x128xf32> to vector<1x1000x128xf32>
    %squeeze3A_5 = vector.shape_cast %slice3A_4 : vector<1x1000x128xf32> to vector<1000x128xf32>
    %slice3A_6 = vector.extract_strided_slice %squeeze3A_5 {offsets = [0, 0], sizes = [1000, 1], strides = [1, 1]} : vector<1000x128xf32> to vector<1000x1xf32>
    %add3A = arith.addf %slice3A_3, %slice3A_6 : vector<1000x1xf32>
    %add3A_7 = arith.constant 1.000000e+00 : f32
    %add3A_8 = vector.broadcast %add3A_7 : f32 to vector<1000x1xf32>
    %add3A_9 = arith.addf %add3A, %add3A_8 : vector<1000x1xf32>
    %rsqrt3A = math.rsqrt %add3A_9 : vector<1000x1xf32>
    %get3A_10 = arith.constant 0 : index
    %get3A_11 = arith.constant 0 : index
    %get3A_12 = vector.load %arg2[%get3A_10, %get3A_11] : memref<1000x1xf32, #tpu.memory_space<vmem>>, vector<1000x1xf32>
    %get3A_13 = arith.constant 0 : index
    %get3A_14 = arith.constant 0 : index
    %get3A_15 = vector.load %arg3[%get3A_13, %get3A_14] : memref<1x128xf32, #tpu.memory_space<vmem>>, vector<1x128xf32>
    %mul3A = vector.broadcast %get3A_12 : vector<1000x1xf32> to vector<1000x128xf32>
    %mul3A_16 = vector.broadcast %get3A_15 : vector<1x128xf32> to vector<1000x128xf32>
    %mul3A_17 = arith.mulf %mul3A, %mul3A_16 : vector<1000x128xf32>
    %get3A_18 = arith.constant 0 : index
    %get3A_19 = arith.constant 0 : index
    %get3A_20 = vector.load %arg4[%get3A_18, %get3A_19] : memref<1x128xf32, #tpu.memory_space<vmem>>, vector<1x128xf32>
    %add3A_21 = vector.broadcast %get3A_20 : vector<1x128xf32> to vector<1000x128xf32>
    %add3A_22 = arith.addf %mul3A_17, %add3A_21 : vector<1000x128xf32>
    %get3A_23 = arith.constant 0 : index
    %get3A_24 = arith.constant 0 : index
    %get3A_25 = vector.load %arg5[%get3A_23, %get3A_24] : memref<128x128xf32, #tpu.memory_space<vmem>>, vector<128x128xf32>
    %dot_general3A = arith.constant dense<0.000000e+00> : vector<1000x128xf32>
    %dot_general3A_26 = tpu.matmul %add3A_22, %get3A_25, %dot_general3A {dimension_numbers = #tpu.dot_dimension_numbers<[1], [0], [0], [1], [0, 0, 1, 1], [], []>, transpose_lhs_hint = false} : vector<1000x128xf32>, vector<128x128xf32>, vector<1000x128xf32> -> vector<1000x128xf32>
    %swap3A = arith.constant 0 : index
    %swap3A_27 = arith.constant 0 : index
    %swap3A_28 = vector.load %arg6[%swap3A, %swap3A_27] : memref<1000x1xf32, #tpu.memory_space<vmem>>, vector<1000x1xf32>
    tpu.vector_store %arg6[%swap3A, %swap3A_27], %rsqrt3A {strides = array<i32>} : memref<1000x1xf32, #tpu.memory_space<vmem>>, vector<1000x1xf32>,
    %mul3A_29 = vector.broadcast %rsqrt3A : vector<1000x1xf32> to vector<1000x128xf32>
    %mul3A_30 = arith.mulf %dot_general3A_26, %mul3A_29 : vector<1000x128xf32>
    %swap3A_31 = arith.constant 0 : index
    %swap3A_32 = arith.constant 0 : index
    %swap3A_33 = vector.load %arg7[%swap3A_31, %swap3A_32] : memref<1000x128xf32, #tpu.memory_space<vmem>>, vector<1000x128xf32>
    tpu.vector_store %arg7[%swap3A_31, %swap3A_32], %mul3A_30 {strides = array<i32>} : memref<1000x128xf32, #tpu.memory_space<vmem>>, vector<1000x128xf32>,
    return
  }
  func.func @transform_0(%arg0: i32) -> (i32, i32, i32) {
    %c0_i32 = arith.constant 0 : i32
    %c0_i32_0 = arith.constant 0 : i32
    %c0_i32_1 = arith.constant 0 : i32
    return %c0_i32, %arg0, %c0_i32_0 : i32, i32, i32
  }
  func.func @transform_1(%arg0: i32) -> (i32, i32) {
    %c0_i32 = arith.constant 0 : i32
    %c0_i32_0 = arith.constant 0 : i32
    return %arg0, %c0_i32 : i32, i32
  }
  func.func @transform_2(%arg0: i32) -> (i32, i32) {
    %c0_i32 = arith.constant 0 : i32
    %c0_i32_0 = arith.constant 0 : i32
    %c0_i32_1 = arith.constant 0 : i32
    return %c0_i32, %c0_i32_0 : i32, i32
  }
  func.func @transform_3(%arg0: i32) -> (i32, i32) {
    %c0_i32 = arith.constant 0 : i32
    %c0_i32_0 = arith.constant 0 : i32
    %c0_i32_1 = arith.constant 0 : i32
    return %c0_i32, %c0_i32_0 : i32, i32
  }
  func.func @transform_4(%arg0: i32) -> (i32, i32) {
    %c0_i32 = arith.constant 0 : i32
    %c0_i32_0 = arith.constant 0 : i32
    %c0_i32_1 = arith.constant 0 : i32
    return %c0_i32, %c0_i32_0 : i32, i32
  }
  func.func @transform_5(%arg0: i32) -> (i32, i32) {
    %c0_i32 = arith.constant 0 : i32
    %c0_i32_0 = arith.constant 0 : i32
    return %arg0, %c0_i32 : i32, i32
  }
  func.func @transform_6(%arg0: i32) -> (i32, i32) {
    %c0_i32 = arith.constant 0 : i32
    %c0_i32_0 = arith.constant 0 : i32
    return %arg0, %c0_i32 : i32, i32
  }
}

module attributes {stable_mosaic.version = 14 : i64} {
  func.func @_tcb_body(%arg0: i32, %arg1: memref<2x1000x128xf32, #tpu.memory_space<vmem>>, %arg2: memref<1000x128xf32, #tpu.memory_space<vmem>>, %arg3: memref<1000x1xf32, #tpu.memory_space<vmem>>, %arg4: memref<1x128xf32, #tpu.memory_space<vmem>>, %arg5: memref<1x128xf32, #tpu.memory_space<vmem>>, %arg6: memref<1x128xf32, #tpu.memory_space<vmem>>, %arg7: memref<128x128xf32, #tpu.memory_space<vmem>>, %arg8: memref<1000x128xf32, #tpu.memory_space<vmem>>) attributes {dimension_semantics = [#tpu.dimension_semantics<arbitrary>], iteration_bounds = array<i64: 10>, scalar_prefetch = 0 : i64, scratch_operands = 0 : i64, tpu.core_type = #tpu.core_type<tc>, window_params = [{transform_indices = @transform_0, window_bounds = array<i64: 2, 1000, 128>}, {transform_indices = @transform_1, window_bounds = array<i64: 1000, 128>}, {transform_indices = @transform_2, window_bounds = array<i64: 1000, 1>}, {pipeline_mode = #tpu.pipeline_mode<synchronous>, transform_indices = @transform_3, window_bounds = array<i64: 1, 128>}, {pipeline_mode = #tpu.pipeline_mode<synchronous>, transform_indices = @transform_4, window_bounds = array<i64: 1, 128>}, {pipeline_mode = #tpu.pipeline_mode<synchronous>, transform_indices = @transform_5, window_bounds = array<i64: 1, 128>}, {pipeline_mode = #tpu.pipeline_mode<synchronous>, transform_indices = @transform_6, window_bounds = array<i64: 128, 128>}, {transform_indices = @transform_7, window_bounds = array<i64: 1000, 128>}]} {
    %get3A = arith.constant 0 : index
    %get3A_0 = arith.constant 0 : index
    %get3A_1 = arith.constant 0 : index
    %get3A_2 = vector.load %arg1[%get3A, %get3A_0, %get3A_1] : memref<2x1000x128xf32, #tpu.memory_space<vmem>>, vector<2x1000x128xf32>
    %get3A_3 = arith.constant 0 : index
    %get3A_4 = arith.constant 0 : index
    %get3A_5 = vector.load %arg3[%get3A_3, %get3A_4] : memref<1000x1xf32, #tpu.memory_space<vmem>>, vector<1000x1xf32>
    %slice3A = vector.extract_strided_slice %get3A_2 {offsets = [0, 0, 0], sizes = [1, 1000, 128], strides = [1, 1, 1]} : vector<2x1000x128xf32> to vector<1x1000x128xf32>
    %squeeze3A = vector.shape_cast %slice3A : vector<1x1000x128xf32> to vector<1000x128xf32>
    %slice3A_6 = vector.extract_strided_slice %get3A_2 {offsets = [1, 0, 0], sizes = [1, 1000, 128], strides = [1, 1, 1]} : vector<2x1000x128xf32> to vector<1x1000x128xf32>
    %squeeze3A_7 = vector.shape_cast %slice3A_6 : vector<1x1000x128xf32> to vector<1000x128xf32>
    %add3A = arith.addf %squeeze3A, %squeeze3A_7 : vector<1000x128xf32>
    %get3A_8 = arith.constant 0 : index
    %get3A_9 = arith.constant 0 : index
    %get3A_10 = vector.load %arg2[%get3A_8, %get3A_9] : memref<1000x128xf32, #tpu.memory_space<vmem>>, vector<1000x128xf32>
    %add3A_11 = arith.addf %add3A, %get3A_10 : vector<1000x128xf32>
    %mul3A = vector.broadcast %get3A_5 : vector<1000x1xf32> to vector<1000x128xf32>
    %mul3A_12 = arith.mulf %add3A_11, %mul3A : vector<1000x128xf32>
    %get3A_13 = arith.constant 0 : index
    %get3A_14 = arith.constant 0 : index
    %get3A_15 = vector.load %arg4[%get3A_13, %get3A_14] : memref<1x128xf32, #tpu.memory_space<vmem>>, vector<1x128xf32>
    %add3A_16 = vector.broadcast %get3A_15 : vector<1x128xf32> to vector<1000x128xf32>
    %add3A_17 = arith.addf %mul3A_12, %add3A_16 : vector<1000x128xf32>
    %get3A_18 = arith.constant 0 : index
    %get3A_19 = arith.constant 0 : index
    %get3A_20 = vector.load %arg5[%get3A_18, %get3A_19] : memref<1x128xf32, #tpu.memory_space<vmem>>, vector<1x128xf32>
    %mul3A_21 = arith.constant 0.999994993 : f32
    %mul3A_22 = vector.broadcast %mul3A_21 : f32 to vector<1x128xf32>
    %mul3A_23 = arith.mulf %get3A_20, %mul3A_22 : vector<1x128xf32>
    %mul3A_24 = vector.broadcast %mul3A_23 : vector<1x128xf32> to vector<1000x128xf32>
    %mul3A_25 = arith.mulf %add3A_17, %mul3A_24 : vector<1000x128xf32>
    %get3A_26 = arith.constant 0 : index
    %get3A_27 = arith.constant 0 : index
    %get3A_28 = vector.load %arg6[%get3A_26, %get3A_27] : memref<1x128xf32, #tpu.memory_space<vmem>>, vector<1x128xf32>
    %add3A_29 = vector.broadcast %get3A_28 : vector<1x128xf32> to vector<1000x128xf32>
    %add3A_30 = arith.addf %mul3A_25, %add3A_29 : vector<1000x128xf32>
    %max3A = arith.constant 0.000000e+00 : f32
    %max3A_31 = vector.broadcast %max3A : f32 to vector<1000x128xf32>
    %max3A_32 = arith.maximumf %add3A_30, %max3A_31 : vector<1000x128xf32>
    %get3A_33 = arith.constant 0 : index
    %get3A_34 = arith.constant 0 : index
    %get3A_35 = vector.load %arg7[%get3A_33, %get3A_34] : memref<128x128xf32, #tpu.memory_space<vmem>>, vector<128x128xf32>
    %dot_general3A = arith.constant dense<0.000000e+00> : vector<1000x128xf32>
    %dot_general3A_36 = tpu.matmul %max3A_32, %get3A_35, %dot_general3A {dimension_numbers = #tpu.dot_dimension_numbers<[1], [0], [0], [1], [0, 0, 1, 1], [], []>, transpose_lhs_hint = false} : vector<1000x128xf32>, vector<128x128xf32>, vector<1000x128xf32> -> vector<1000x128xf32>
    %mul3A_37 = vector.broadcast %get3A_5 : vector<1000x1xf32> to vector<1000x128xf32>
    %mul3A_38 = arith.mulf %dot_general3A_36, %mul3A_37 : vector<1000x128xf32>
    %swap3A = arith.constant 0 : index
    %swap3A_39 = arith.constant 0 : index
    %swap3A_40 = vector.load %arg8[%swap3A, %swap3A_39] : memref<1000x128xf32, #tpu.memory_space<vmem>>, vector<1000x128xf32>
    tpu.vector_store %arg8[%swap3A, %swap3A_39], %mul3A_38 {strides = array<i32>} : memref<1000x128xf32, #tpu.memory_space<vmem>>, vector<1000x128xf32>,
    return
  }
  func.func @transform_0(%arg0: i32) -> (i32, i32, i32) {
    %c0_i32 = arith.constant 0 : i32
    %c0_i32_0 = arith.constant 0 : i32
    %c0_i32_1 = arith.constant 0 : i32
    return %c0_i32, %arg0, %c0_i32_0 : i32, i32, i32
  }
  func.func @transform_1(%arg0: i32) -> (i32, i32) {
    %c0_i32 = arith.constant 0 : i32
    %c0_i32_0 = arith.constant 0 : i32
    return %arg0, %c0_i32 : i32, i32
  }
  func.func @transform_2(%arg0: i32) -> (i32, i32) {
    %c0_i32 = arith.constant 0 : i32
    %c0_i32_0 = arith.constant 0 : i32
    return %arg0, %c0_i32 : i32, i32
  }
  func.func @transform_3(%arg0: i32) -> (i32, i32) {
    %c0_i32 = arith.constant 0 : i32
    %c0_i32_0 = arith.constant 0 : i32
    %c0_i32_1 = arith.constant 0 : i32
    return %c0_i32, %c0_i32_0 : i32, i32
  }
  func.func @transform_4(%arg0: i32) -> (i32, i32) {
    %c0_i32 = arith.constant 0 : i32
    %c0_i32_0 = arith.constant 0 : i32
    %c0_i32_1 = arith.constant 0 : i32
    return %c0_i32, %c0_i32_0 : i32, i32
  }
  func.func @transform_5(%arg0: i32) -> (i32, i32) {
    %c0_i32 = arith.constant 0 : i32
    %c0_i32_0 = arith.constant 0 : i32
    %c0_i32_1 = arith.constant 0 : i32
    return %c0_i32, %c0_i32_0 : i32, i32
  }
  func.func @transform_6(%arg0: i32) -> (i32, i32) {
    %c0_i32 = arith.constant 0 : i32
    %c0_i32_0 = arith.constant 0 : i32
    %c0_i32_1 = arith.constant 0 : i32
    return %c0_i32, %c0_i32_0 : i32, i32
  }
  func.func @transform_7(%arg0: i32) -> (i32, i32) {
    %c0_i32 = arith.constant 0 : i32
    %c0_i32_0 = arith.constant 0 : i32
    return %arg0, %c0_i32 : i32, i32
  }
}

module attributes {stable_mosaic.version = 14 : i64} {
  func.func @_tcc_body(%arg0: i32, %arg1: memref<2x1000x128xf32, #tpu.memory_space<vmem>>, %arg2: memref<1000x128xf32, #tpu.memory_space<vmem>>, %arg3: memref<1000x1xf32, #tpu.memory_space<vmem>>, %arg4: memref<1x128xf32, #tpu.memory_space<vmem>>, %arg5: memref<1x128xf32, #tpu.memory_space<vmem>>, %arg6: memref<1x128xf32, #tpu.memory_space<vmem>>, %arg7: memref<1x1x1000xi32, #tpu.memory_space<vmem>>, %arg8: memref<128x10xf32, #tpu.memory_space<vmem>>, %arg9: memref<1x10xf32, #tpu.memory_space<vmem>>, %arg10: memref<64x10xf32, #tpu.memory_space<vmem>>, %arg11: memref<64x128xf32, #tpu.memory_space<vmem>>, %arg12: memref<64x1xf32, #tpu.memory_space<vmem>>) attributes {dimension_semantics = [#tpu.dimension_semantics<arbitrary>], iteration_bounds = array<i64: 10>, scalar_prefetch = 0 : i64, scratch_operands = 2 : i64, tpu.core_type = #tpu.core_type<tc>, window_params = [{transform_indices = @transform_0, window_bounds = array<i64: 2, 1000, 128>}, {transform_indices = @transform_1, window_bounds = array<i64: 1000, 128>}, {transform_indices = @transform_2, window_bounds = array<i64: 1000, 1>}, {pipeline_mode = #tpu.pipeline_mode<synchronous>, transform_indices = @transform_3, window_bounds = array<i64: 1, 128>}, {pipeline_mode = #tpu.pipeline_mode<synchronous>, transform_indices = @transform_4, window_bounds = array<i64: 1, 128>}, {pipeline_mode = #tpu.pipeline_mode<synchronous>, transform_indices = @transform_5, window_bounds = array<i64: 1, 128>}, {transform_indices = @transform_6, window_bounds = array<i64: 1, 1, 1000>}, {pipeline_mode = #tpu.pipeline_mode<synchronous>, transform_indices = @transform_7, window_bounds = array<i64: 128, 10>}, {pipeline_mode = #tpu.pipeline_mode<synchronous>, transform_indices = @transform_8, window_bounds = array<i64: 1, 10>}, {pipeline_mode = #tpu.pipeline_mode<synchronous>, transform_indices = @transform_9, window_bounds = array<i64: 64, 10>}]} {
    %get3A = arith.constant 0 : index
    %get3A_0 = arith.constant 0 : index
    %get3A_1 = arith.constant 0 : index
    %get3A_2 = vector.load %arg1[%get3A, %get3A_0, %get3A_1] : memref<2x1000x128xf32, #tpu.memory_space<vmem>>, vector<2x1000x128xf32>
    %slice3A = vector.extract_strided_slice %get3A_2 {offsets = [0, 0, 0], sizes = [1, 1000, 128], strides = [1, 1, 1]} : vector<2x1000x128xf32> to vector<1x1000x128xf32>
    %squeeze3A = vector.shape_cast %slice3A : vector<1x1000x128xf32> to vector<1000x128xf32>
    %slice3A_3 = vector.extract_strided_slice %get3A_2 {offsets = [1, 0, 0], sizes = [1, 1000, 128], strides = [1, 1, 1]} : vector<2x1000x128xf32> to vector<1x1000x128xf32>
    %squeeze3A_4 = vector.shape_cast %slice3A_3 : vector<1x1000x128xf32> to vector<1000x128xf32>
    %add3A = arith.addf %squeeze3A, %squeeze3A_4 : vector<1000x128xf32>
    %get3A_5 = arith.constant 0 : index
    %get3A_6 = arith.constant 0 : index
    %get3A_7 = vector.load %arg2[%get3A_5, %get3A_6] : memref<1000x128xf32, #tpu.memory_space<vmem>>, vector<1000x128xf32>
    %add3A_8 = arith.addf %add3A, %get3A_7 : vector<1000x128xf32>
    %get3A_9 = arith.constant 0 : index
    %get3A_10 = arith.constant 0 : index
    %get3A_11 = vector.load %arg3[%get3A_9, %get3A_10] : memref<1000x1xf32, #tpu.memory_space<vmem>>, vector<1000x1xf32>
    %mul3A = vector.broadcast %get3A_11 : vector<1000x1xf32> to vector<1000x128xf32>
    %mul3A_12 = arith.mulf %add3A_8, %mul3A : vector<1000x128xf32>
    %get3A_13 = arith.constant 0 : index
    %get3A_14 = arith.constant 0 : index
    %get3A_15 = vector.load %arg4[%get3A_13, %get3A_14] : memref<1x128xf32, #tpu.memory_space<vmem>>, vector<1x128xf32>
    %add3A_16 = vector.broadcast %get3A_15 : vector<1x128xf32> to vector<1000x128xf32>
    %add3A_17 = arith.addf %mul3A_12, %add3A_16 : vector<1000x128xf32>
    %get3A_18 = arith.constant 0 : index
    %get3A_19 = arith.constant 0 : index
    %get3A_20 = vector.load %arg5[%get3A_18, %get3A_19] : memref<1x128xf32, #tpu.memory_space<vmem>>, vector<1x128xf32>
    %mul3A_21 = arith.constant 0.999994993 : f32
    %mul3A_22 = vector.broadcast %mul3A_21 : f32 to vector<1x128xf32>
    %mul3A_23 = arith.mulf %get3A_20, %mul3A_22 : vector<1x128xf32>
    %mul3A_24 = vector.broadcast %mul3A_23 : vector<1x128xf32> to vector<1000x128xf32>
    %mul3A_25 = arith.mulf %add3A_17, %mul3A_24 : vector<1000x128xf32>
    %get3A_26 = arith.constant 0 : index
    %get3A_27 = arith.constant 0 : index
    %get3A_28 = vector.load %arg6[%get3A_26, %get3A_27] : memref<1x128xf32, #tpu.memory_space<vmem>>, vector<1x128xf32>
    %add3A_29 = vector.broadcast %get3A_28 : vector<1x128xf32> to vector<1000x128xf32>
    %add3A_30 = arith.addf %mul3A_25, %add3A_29 : vector<1000x128xf32>
    %get3A_31 = arith.constant 0 : index
    %get3A_32 = arith.constant 0 : index
    %get3A_33 = arith.constant 0 : index
    %get3A_34 = vector.load %arg7[%get3A_31, %get3A_32, %get3A_33] : memref<1x1x1000xi32, #tpu.memory_space<vmem>>, vector<1x1x1000xi32>
    %get3A_35 = vector.shape_cast %get3A_34 : vector<1x1x1000xi32> to vector<1x1000xi32>
    %iota3A = tpu.iota {dimensions = array<i32: 0>} : vector<64x1xi32>
    %eq3A = vector.broadcast %get3A_35 : vector<1x1000xi32> to vector<64x1000xi32>
    %eq3A_36 = vector.broadcast %iota3A : vector<64x1xi32> to vector<64x1000xi32>
    %eq3A_37 = arith.cmpi eq, %eq3A, %eq3A_36 : vector<64x1000xi32>
    %convert_element_type3A = arith.extui %eq3A_37 : vector<64x1000xi1> to vector<64x1000xi32>
    %convert_element_type3A_38 = arith.sitofp %convert_element_type3A : vector<64x1000xi32> to vector<64x1000xf32>
    %eq3A_39 = arith.constant 0 : i32
    %eq3A_40 = arith.cmpi eq, %arg0, %eq3A_39 : i32
    %convert_element_type3A_41 = arith.extui %eq3A_40 : i1 to i32
    %cond3A = arith.constant 0 : i32
    %cond3A_42 = arith.cmpi ne, %convert_element_type3A_41, %cond3A : i32
    scf.if %cond3A_42 {
      %broadcast_in_dim3A_63 = arith.constant 0.000000e+00 : f32
      %broadcast_in_dim3A_64 = vector.broadcast %broadcast_in_dim3A_63 : f32 to vector<64x128xf32>
      %swap3A_65 = arith.constant 0 : index
      %swap3A_66 = arith.constant 0 : index
      %swap3A_67 = vector.load %arg11[%swap3A_65, %swap3A_66] : memref<64x128xf32, #tpu.memory_space<vmem>>, vector<64x128xf32>
      tpu.vector_store %arg11[%swap3A_65, %swap3A_66], %broadcast_in_dim3A_64 {strides = array<i32>} : memref<64x128xf32, #tpu.memory_space<vmem>>, vector<64x128xf32>,
      %broadcast_in_dim3A_68 = arith.constant 0.000000e+00 : f32
      %broadcast_in_dim3A_69 = vector.broadcast %broadcast_in_dim3A_68 : f32 to vector<64x1xf32>
      %swap3A_70 = arith.constant 0 : index
      %swap3A_71 = arith.constant 0 : index
      %swap3A_72 = vector.load %arg12[%swap3A_70, %swap3A_71] : memref<64x1xf32, #tpu.memory_space<vmem>>, vector<64x1xf32>
      tpu.vector_store %arg12[%swap3A_70, %swap3A_71], %broadcast_in_dim3A_69 {strides = array<i32>} : memref<64x1xf32, #tpu.memory_space<vmem>>, vector<64x1xf32>,
    } else {
    }
    %get3A_43 = arith.constant 0 : index
    %get3A_44 = arith.constant 0 : index
    %get3A_45 = vector.load %arg11[%get3A_43, %get3A_44] : memref<64x128xf32, #tpu.memory_space<vmem>>, vector<64x128xf32>
    %dot_general3A = arith.constant dense<0.000000e+00> : vector<64x128xf32>
    %dot_general3A_46 = tpu.matmul %convert_element_type3A_38, %add3A_30, %dot_general3A {dimension_numbers = #tpu.dot_dimension_numbers<[1], [0], [0], [1], [0, 0, 1, 1], [], []>, transpose_lhs_hint = false} : vector<64x1000xf32>, vector<1000x128xf32>, vector<64x128xf32> -> vector<64x128xf32>
    %add3A_47 = arith.addf %get3A_45, %dot_general3A_46 : vector<64x128xf32>
    %swap3A = arith.constant 0 : index
    %swap3A_48 = arith.constant 0 : index
    %swap3A_49 = vector.load %arg11[%swap3A, %swap3A_48] : memref<64x128xf32, #tpu.memory_space<vmem>>, vector<64x128xf32>
    tpu.vector_store %arg11[%swap3A, %swap3A_48], %add3A_47 {strides = array<i32>} : memref<64x128xf32, #tpu.memory_space<vmem>>, vector<64x128xf32>,
    %get3A_50 = arith.constant 0 : index
    %get3A_51 = arith.constant 0 : index
    %get3A_52 = vector.load %arg12[%get3A_50, %get3A_51] : memref<64x1xf32, #tpu.memory_space<vmem>>, vector<64x1xf32>
    %reduce_sum3A = arith.constant dense<0.000000e+00> : vector<64xf32>
    %reduce_sum3A_53 = vector.multi_reduction <add>, %convert_element_type3A_38, %reduce_sum3A [1] : vector<64x1000xf32> to vector<64xf32>
    %broadcast_in_dim3A = vector.shape_cast %reduce_sum3A_53 : vector<64xf32> to vector<64x1xf32>
    %add3A_54 = arith.addf %get3A_52, %broadcast_in_dim3A : vector<64x1xf32>
    %swap3A_55 = arith.constant 0 : index
    %swap3A_56 = arith.constant 0 : index
    %swap3A_57 = vector.load %arg12[%swap3A_55, %swap3A_56] : memref<64x1xf32, #tpu.memory_space<vmem>>, vector<64x1xf32>
    tpu.vector_store %arg12[%swap3A_55, %swap3A_56], %add3A_54 {strides = array<i32>} : memref<64x1xf32, #tpu.memory_space<vmem>>, vector<64x1xf32>,
    %eq3A_58 = arith.constant 9 : i32
    %eq3A_59 = arith.cmpi eq, %arg0, %eq3A_58 : i32
    %convert_element_type3A_60 = arith.extui %eq3A_59 : i1 to i32
    %cond3A_61 = arith.constant 0 : i32
    %cond3A_62 = arith.cmpi ne, %convert_element_type3A_60, %cond3A_61 : i32
    scf.if %cond3A_62 {
      %get3A_63 = arith.constant 0 : index
      %get3A_64 = arith.constant 0 : index
      %get3A_65 = vector.load %arg11[%get3A_63, %get3A_64] : memref<64x128xf32, #tpu.memory_space<vmem>>, vector<64x128xf32>
      %get3A_66 = arith.constant 0 : index
      %get3A_67 = arith.constant 0 : index
      %get3A_68 = vector.load %arg12[%get3A_66, %get3A_67] : memref<64x1xf32, #tpu.memory_space<vmem>>, vector<64x1xf32>
      %max3A = arith.constant 1.000000e+00 : f32
      %max3A_69 = vector.broadcast %max3A : f32 to vector<64x1xf32>
      %max3A_70 = arith.maximumf %get3A_68, %max3A_69 : vector<64x1xf32>
      %div3A = vector.broadcast %max3A_70 : vector<64x1xf32> to vector<64x128xf32>
      %div3A_71 = arith.divf %get3A_65, %div3A : vector<64x128xf32>
      %get3A_72 = arith.constant 0 : index
      %get3A_73 = arith.constant 0 : index
      %get3A_74 = vector.load %arg8[%get3A_72, %get3A_73] : memref<128x10xf32, #tpu.memory_space<vmem>>, vector<128x10xf32>
      %dot_general3A_75 = arith.constant dense<0.000000e+00> : vector<64x10xf32>
      %dot_general3A_76 = tpu.matmul %div3A_71, %get3A_74, %dot_general3A_75 {dimension_numbers = #tpu.dot_dimension_numbers<[1], [0], [0], [1], [0, 0, 1, 1], [], []>, transpose_lhs_hint = false} : vector<64x128xf32>, vector<128x10xf32>, vector<64x10xf32> -> vector<64x10xf32>
      %get3A_77 = arith.constant 0 : index
      %get3A_78 = arith.constant 0 : index
      %get3A_79 = vector.load %arg9[%get3A_77, %get3A_78] : memref<1x10xf32, #tpu.memory_space<vmem>>, vector<1x10xf32>
      %add3A_80 = vector.broadcast %get3A_79 : vector<1x10xf32> to vector<64x10xf32>
      %add3A_81 = arith.addf %dot_general3A_76, %add3A_80 : vector<64x10xf32>
      %swap3A_82 = arith.constant 0 : index
      %swap3A_83 = arith.constant 0 : index
      %swap3A_84 = vector.load %arg10[%swap3A_82, %swap3A_83] : memref<64x10xf32, #tpu.memory_space<vmem>>, vector<64x10xf32>
      tpu.vector_store %arg10[%swap3A_82, %swap3A_83], %add3A_81 {strides = array<i32>} : memref<64x10xf32, #tpu.memory_space<vmem>>, vector<64x10xf32>,
    } else {
    }
    return
  }
  func.func @transform_0(%arg0: i32) -> (i32, i32, i32) {
    %c0_i32 = arith.constant 0 : i32
    %c0_i32_0 = arith.constant 0 : i32
    %c0_i32_1 = arith.constant 0 : i32
    return %c0_i32, %arg0, %c0_i32_0 : i32, i32, i32
  }
  func.func @transform_1(%arg0: i32) -> (i32, i32) {
    %c0_i32 = arith.constant 0 : i32
    %c0_i32_0 = arith.constant 0 : i32
    return %arg0, %c0_i32 : i32, i32
  }
  func.func @transform_2(%arg0: i32) -> (i32, i32) {
    %c0_i32 = arith.constant 0 : i32
    %c0_i32_0 = arith.constant 0 : i32
    return %arg0, %c0_i32 : i32, i32
  }
  func.func @transform_3(%arg0: i32) -> (i32, i32) {
    %c0_i32 = arith.constant 0 : i32
    %c0_i32_0 = arith.constant 0 : i32
    %c0_i32_1 = arith.constant 0 : i32
    return %c0_i32, %c0_i32_0 : i32, i32
  }
  func.func @transform_4(%arg0: i32) -> (i32, i32) {
    %c0_i32 = arith.constant 0 : i32
    %c0_i32_0 = arith.constant 0 : i32
    %c0_i32_1 = arith.constant 0 : i32
    return %c0_i32, %c0_i32_0 : i32, i32
  }
  func.func @transform_5(%arg0: i32) -> (i32, i32) {
    %c0_i32 = arith.constant 0 : i32
    %c0_i32_0 = arith.constant 0 : i32
    %c0_i32_1 = arith.constant 0 : i32
    return %c0_i32, %c0_i32_0 : i32, i32
  }
  func.func @transform_6(%arg0: i32) -> (i32, i32, i32) {
    %c0_i32 = arith.constant 0 : i32
    %c0_i32_0 = arith.constant 0 : i32
    %c0_i32_1 = arith.constant 0 : i32
    return %arg0, %c0_i32, %c0_i32_0 : i32, i32, i32
  }
  func.func @transform_7(%arg0: i32) -> (i32, i32) {
    %c0_i32 = arith.constant 0 : i32
    %c0_i32_0 = arith.constant 0 : i32
    %c0_i32_1 = arith.constant 0 : i32
    return %c0_i32, %c0_i32_0 : i32, i32
  }
  func.func @transform_8(%arg0: i32) -> (i32, i32) {
    %c0_i32 = arith.constant 0 : i32
    %c0_i32_0 = arith.constant 0 : i32
    %c0_i32_1 = arith.constant 0 : i32
    return %c0_i32, %c0_i32_0 : i32, i32
  }
  func.func @transform_9(%arg0: i32) -> (i32, i32) {
    %c0_i32 = arith.constant 0 : i32
    %c0_i32_0 = arith.constant 0 : i32
    %c0_i32_1 = arith.constant 0 : i32
    return %c0_i32, %c0_i32_0 : i32, i32
  }
}

</mosaic_0001>

<sc_bundles>
// kernel: kernel.10.cloned.1.call-start
scs
__scs_entry_jumppad:
0x0: {  	(pc) =	sbr.rel $0x88, $3  }
0x1: {  	(tag) =	ssettag $0x0;
	lr =	simm.s32 $0x1  }
0x2: {  	[smem:$0x3F96] =	sst lr;
	_ =	strace $0xD0000000  }
0x3: {  	_ = 	snop  }
0x4: {  	_ = 	snop  }
0x5: {  	_ = 	snop  }
0x6: {  	_ = 	snop  }
0x7: {  	_ = 	snop  }
__scs_overlays_trampoline_lowered:
0x8: {  	[smem:$0x3FA5] =	sst s0  }
0x9: {  	[smem:$0x3FA6] =	sst s1  }
0xa: {  	[smem:$0x3FA7] =	sst s2  }
0xb: {  	[smem:$0x3FA8] =	sst s3  }
0xc: {  	[smem:$0x3FA9] =	sst s4  }
0xd: {  	[smem:$0x3FAA] =	sst s5  }
0xe: {  	[smem:$0x3FAB] =	sst s6  }
0xf: {  	[smem:$0x3FAC] =	sst s7  }
0x10: {  	[smem:$0x3FAD] =	sst s8  }
0x11: {  	[smem:$0x3FAE] =	sst s9;
	s0 =	simm.s32 @!p0 $0x0  }
0x12: {  	s1 =	sld [smem:$0x3F94];
	s0 =	simm.s32 @p0 $0x1  }
0x13: {  	[smem:$0x3FAF] =	sst s0;
	s0 =	simm.s32 @!p1 $0x0  }
0x14: {  	s2 =	sld [smem:$0x3F93];
	s0 =	simm.s32 @p1 $0x1  }
0x15: {  	[smem:$0x3FB0] =	sst s0;
	s0 =	simm.s32 @!p2 $0x0  }
0x16: {  	s3 =	sld [smem:$0x3FDB];
	s0 =	simm.s32 @p2 $0x1  }
0x17: {  	s4 =	simm.s32 $0x1BF5;
	[smem:$0x3FB2] =	sst s0  }
0x18: {  	s0 =	sld [smem:$0x3F95];
	_ =	swait.ge [sflag:s4], $0x0  }
0x19: {  	s7 =	sld [smem:$0x3F96]  }
0x1a: {  	s8 =	sadd.s32 $0xFFFFE003, lr  }
0x1b: {  	s9 =	sadd.s32 $0xFFFFFEF7, lr;
	s5 =	simm.s32 $0xFFFFFFFF;
	p2 =	slt.u32 s8, $0xFFFFF086  }
0x1c: {  	p1 =	slt.u32 s9, $0xF7A;
	s5 =	simm.s32 @!p2 $0x0  }
0x1d: {  	s5 =	simm.s32 @p1 $0x1;
	p0 =	seq.s32 s7, s2  }
0x1e: {  	s7 =	smul.u32 @!p0 $0xF7A, s2;
	p2 =	seq.s32 @!p0 s5, $0x0  }
0x1f: {  	s9 =	smul.u32 $0xF7A, s1;
	s8 =	simm.s32 @!p0 $0x1BF5;
	p2 =	por !p2, p0  }
0x20: {  	[sflag:s8] =	ssyncset.s32 @!p0 $0xFFFFF086;
	s6 =	sadd.s32 @!p0 s3, s7;
	s7 =	simm.s32 @!p0 $0x108  }
0x21: {  	s3 =	sadd.s32 s3, s9;
	s6 =	sadd.s32 @!p0 $0x88, s6;
	s7 =	simm.s32 @p2 $0x1082  }
0x22: {  	[simem:s7], [sflag:s8] =	dma.local @!p0 [hbm:s6], $0xF7A  }
0x23: {  	s9 =	sor.u32 $0xD0000000, s2;
	s6 =	simm.s32 $0x108;
	_ =	swait.ge @!p0 [sflag:s8], $0x0  }
0x24: {  	s3 =	sadd.s32 $0x88, s3;
	s6 =	simm.s32 @!p1 $0x1082;
	[sflag:s4] =	ssyncset.s32 $0xFFFFF086  }
0x25: {  	[simem:s6], [sflag:s4] =	dma.local [hbm:s3], $0xF7A  }
0x26: {  	[smem:$0x3F96] =	sst s1;
	(tag) =	ssettag s2;
	_ =	strace s9  }
0x27: {  	s1 =	sld [smem:$0x3FA6]  }
0x28: {  	s2 =	sld [smem:$0x3FA7]  }
0x29: {  	s4 =	sld [smem:$0x3FA9]  }
0x2a: {  	p0 =	seq.s32 s5, $0x0;
	s5 =	sld [smem:$0x3FAA]  }
0x2b: {  	s6 =	sld [smem:$0x3FAB]  }
0x2c: {  	s7 =	sld [smem:$0x3FAC]  }
0x2d: {  	s3 =	simm.s32 $0x108;
	s8 =	sld [smem:$0x3FAD]  }
0x2e: {  	s3 =	simm.s32 @!p0 $0x1082;
	s9 =	sld [smem:$0x3FAE]  }
0x2f: {  	lr =	sadd.s32 s0, s3;
	s0 =	sld [smem:$0x3FA5]  }
0x30: {  	s3 =	sld [smem:$0x3FA8]  }
0x31: {  	[smem:$0x3FB1] =	sst s10  }
0x32: {  	s10 =	sld [smem:$0x3FAF];
	_ =	sdelay $0x3  }
0x33: {  	p0 =	seq.s32 s10, $0x1;
	s10 =	sld [smem:$0x3FB1];
	_ =	sdelay $0x3  }
0x34: {  	[smem:$0x3FB1] =	sst s10  }
0x35: {  	s10 =	sld [smem:$0x3FB0];
	_ =	sdelay $0x3  }
0x36: {  	p1 =	seq.s32 s10, $0x1;
	s10 =	sld [smem:$0x3FB1];
	_ =	sdelay $0x3  }
0x37: {  	[smem:$0x3FB1] =	sst s10  }
0x38: {  	s10 =	sld [smem:$0x3FB2]  }
0x39: {  	_ = 	snop;
	(pc) =	sbr.ind lr, $3  }
0x3a: {  	_ = 	snop  }
0x3b: {  	_ = 	snop  }
0x3c: {  	p2 =	seq.s32 s10, $0x1;
	s10 =	sld [smem:$0x3FB1]  }
0x3d: {  	_ =	shalt  }
0x3e: {  	_ =	shalt  }
0x3f: {  	_ =	shalt  }
0x40: {  	_ =	shalt  }
0x41: {  	_ =	shalt  }
0x42: {  	_ =	shalt  }
0x43: {  	_ =	shalt  }
0x44: {  	_ =	shalt  }
0x45: {  	_ =	shalt  }
0x46: {  	_ =	shalt  }
0x47: {  	_ =	shalt  }
0x48: {  	_ =	shalt  }
0x49: {  	_ =	shalt  }
0x4a: {  	_ =	shalt  }
0x4b: {  	_ =	shalt  }
0x4c: {  	_ =	shalt  }
0x4d: {  	_ =	shalt  }
0x4e: {  	_ =	shalt  }
0x4f: {  	_ =	shalt  }
0x50: {  	_ =	shalt  }
0x51: {  	_ =	shalt  }
0x52: {  	_ =	shalt  }
0x53: {  	_ =	shalt  }
0x54: {  	_ =	shalt  }
0x55: {  	_ =	shalt  }
0x56: {  	_ =	shalt  }
0x57: {  	_ =	shalt  }
0x58: {  	_ =	shalt  }
0x59: {  	_ =	shalt  }
0x5a: {  	_ =	shalt  }
0x5b: {  	_ =	shalt  }
0x5c: {  	_ =	shalt  }
0x5d: {  	_ =	shalt  }
0x5e: {  	_ =	shalt  }
0x5f: {  	_ =	shalt  }
0x60: {  	_ =	shalt  }
0x61: {  	_ =	shalt  }
0x62: {  	_ =	shalt  }
0x63: {  	_ =	shalt  }
0x64: {  	_ =	shalt  }
0x65: {  	_ =	shalt  }
0x66: {  	_ =	shalt  }
0x67: {  	_ =	shalt  }
0x68: {  	_ =	shalt  }
0x69: {  	_ =	shalt  }
0x6a: {  	_ =	shalt  }
0x6b: {  	_ =	shalt  }
0x6c: {  	_ =	shalt  }
0x6d: {  	_ =	shalt  }
0x6e: {  	_ =	shalt  }
0x6f: {  	_ =	shalt  }
0x70: {  	_ =	shalt  }
0x71: {  	_ =	shalt  }
0x72: {  	_ =	shalt  }
0x73: {  	_ =	shalt  }
0x74: {  	_ =	shalt  }
0x75: {  	_ =	shalt  }
0x76: {  	_ =	shalt  }
0x77: {  	_ =	shalt  }
0x78: {  	_ =	shalt  }
0x79: {  	_ =	shalt  }
0x7a: {  	_ =	shalt  }
0x7b: {  	_ =	shalt  }
0x7c: {  	_ =	shalt  }
0x7d: {  	_ =	shalt  }
0x7e: {  	_ =	shalt  }
0x7f: {  	_ =	shalt  }
0x80: {  	_ =	shalt  }
0x81: {  	_ =	shalt  }
0x82: {  	_ =	shalt  }
0x83: {  	_ =	shalt  }
0x84: {  	_ =	shalt  }
0x85: {  	_ =	shalt  }
0x86: {  	_ =	shalt  }
0x87: {  	_ =	shalt  }
.Lfunc_end0:
.L_simem_size_0:
called_computation_lowered:
.L_overlay_start_0:
0x88: {  	s2 =	sld [smem:$0x3FD9]  }
0x89: {  	s3 =	sld [smem:$0x3FFE];
	_ =	sdelay $0x1  }
0x8a: {  	s1 =	srdreg.scid  }
0x8b: {  	s0 =	sand.u32 $0x1, s1  }
0x8c: {  	s16 =	sshll.u32 s0, $0xA;
	s2 =	sadd.s32 s3, s2  }
0x8d: {  	s2 =	sadd.s32 s2, s16  }
0x8e: {  	[smem:$0x3FBD] =	sst s2  }
0x8f: {  	_ = 	snop  }
0x90: {  	(tm) =	ssettm $0x1  }
0x91: {  	s17 =	sld [smem:$0x3FFB];
	_ =	sdelay $0x3  }
0x92: {  	_ =	strace s17  }
0x93: {  	s2 =	sld [smem:$0x3FFC];
	_ =	sdelay $0x3  }
0x94: {  	_ =	strace s2  }
0x95: {  	s2 =	sld [smem:$0x3FFD];
	_ =	sdelay $0x3  }
0x96: {  	_ =	strace s2  }
0x97: {  	_ =	strace $0x8FFFFFFF  }
0x98: {  	s18 =	sld [smem:$0x3FDB];
	_ =	sdelay $0x1  }
0x99: {  	s19 =	simm.s32 $_scs_section_size  }
0x9a: {  	s4 =	simm.s32 $_size__tile_overlayer_lowered;
	s5 =	simm.s32 $_tile_overlayer_lowered  }
0x9b: {  	s22 =	simm.s32 $0x1BFF;
	s21 =	sshll.u32 s5, $0x1;
	s2 =	sadd.s32 s19, s18  }
0x9c: {  	s6 =	simm.s32 $0x0;
	s20 =	sshll.u32 s4, $0x1;
	s4 =	sadd.s32 s21, s2  }
0x9d: {  	[timem:s6], [sflag:s22] =	dma.local [hbm:s4], s20  }
0x9e: {  	_ =	swait.ge [sflag:s22], s20  }
0x9f: {  	s3 =	ssub.s32 $0x0, s20;
	[sflag:s22] =	ssyncset.done $0x0  }
0xa0: {  	[sflag:s22] =	ssyncadd.s32 s3;
	_ =	sdelay $0x1  }
0xa1: {  	s23 =	simm.s32 $0x1B8B  }
0xa2: {  	_ =	swait.ge [sflag:s23], $0x1  }
0xa3: {  	[sflag:s23] =	ssyncset.done $0x0  }
0xa4: {  	s25 =	simm.s32 $0x1B8E;
	s24 =	sld [smem:$0x3FFE];
	[sflag:s23] =	ssyncadd.s32 $0xFFFFFFFF  }
0xa5: {  	s26 =	simm.s32 $execute0_lowered;
	[smem:$0x3FD2] =	sst s25  }
0xa6: {  	s4 =	sshll.u32 s26, $0x1;
	_ =	strace $0x80000046;
	[dreg:$0x1] =	wrdreg $0xFFFFFFFF  }
0xa7: {  	s28 =	simm.s32 $_size_execute0_lowered;
	s2 =	sadd.s32 s2, s4;
	[dreg:$0x0] =	wrdreg $0x0  }
0xa8: {  	s4 =	sshll.u32 s28, $0x1;
	[dreg:$0x2] =	wrdreg s2  }
0xa9: {  	[dreg:$0x3] =	wrdreg s4  }
0xaa: {  	[dreg:$0x4] =	wrdreg $0xC0  }
0xab: {  	_ =	task [dreg:s6], $0x5FFFF  }
0xac: {  	[dreg:$0x1] =	wrdreg $0xFFFFFFFF  }
0xad: {  	[dreg:$0x0] =	wrdreg $0x60  }
0xae: {  	[dreg:$0x2] =	wrdreg s24  }
0xaf: {  	[dreg:$0x3] =	wrdreg $0x68000  }
0xb0: {  	[dreg:$0x4] =	wrdreg $0x9  }
0xb1: {  	_ =	task.clear_ibuf [dreg:s6], $0x5FFFF;
	_ =	strace $0x90000046  }
0xb2: {  	s29 =	simm.s32 $0x9;
	_ =	strace $0x80000048  }
0xb3: {  	_ =	swait.ge [sflag:s29], $0x1  }
0xb4: {  	[sflag:s29] =	ssyncadd.s32 $0xFFFFFFFF  }
0xb5: {  	_ =	strace $0x90000048  }
0xb6: {  	_ =	sfence  }
0xb7: {  	s30 =	sld [smem:$0x0];
	_ =	sdelay $0x2  }
0xb8: {  	s31 =	sshll.u32 s1, $0xD;
	s1 =	sshrl.u32 s1, $0x2  }
0xb9: {  	s3 =	sand.u32 $0x4000, s31;
	s1 =	sadd.s32 s1, s30  }
0xba: {  	s0 =	sor.u32 s3, s0;
	s1 =	sshll.u32 s1, $0x11  }
0xbb: {  	s0 =	sor.u32 s1, s0  }
0xbc: {  	s0 =	sadd.s32 $0x8F2B, s0  }
0xbd: {  	[sflag:s0] =	ssyncadd.remote.s32 $0x1  }
0xbe: {  	_ =	sfence.sel $0xFFFF  }
0xbf: {  	[dreg:$0x0] =	wrdreg $0xFFFFFFFF;
	(pc) =	sbr.abs _section_cstart, $3  }
0xc0: {  	[dreg:$0x1] =	wrdreg $0xFFFFFFFF  }
0xc1: {  	_ =	task.clear_ibuf [dreg:s6], $0x2FFFF;
	_ =	strace $0x9FFFFFFF  }
0xc2: {  	(tm) =	ssettm $0x7FFFFFFF  }
0xc3: {  	_ =	shalt  }
tec
execute0_lowered:
.L_overlay_start_1:
0x0: {  	(tag) =	ssettag $0x1  }
0x1: {  	s0 =	srdreg.scid;
	s7 =	rddreg [dreg:$0x0]  }
0x2: {  	s2 =	rddreg [dreg:$0x1];
	s6 =	sand.u32 $0x1, s0;
	s0 =	stileid.u32  }
0x3: {  	s3 =	simm.s32 $0x0;
	s13 =	simm.s32 $0x80;
	s8 =	smul.u32 $0x2780, s0  }
0x4: {  	s14 =	simm.s32 $0x0;
	[smem:$0x7FF] =	sst s3;
	s9 =	smul.u32 $0x27800, s6  }
0x5: {  	s5 =	sadd.s32 $0xD800, s7;
	s1 =	sshll.u32 s6, $0x4;
	s11 =	smul.u32 $0x4F000, s0  }
0x6: {  	s6 =	ssub.s32 $0x2, s6;
	s31 =	sshll.u32 s0, $0x6;
	s4 =	sor.u32 s0, s1  }
0x7: {  	s1 =	rddreg [dreg:$0x2];
	_ =	strace $0x80000047;
	s28 =	sshrl.u32 s6, $0x1  }
0x8: {  	s4 =	smul.u32 $0x500, s4;
	s8 =	sadd.s32 s8, s9;
	s29 =	sshrl.u32 s11, $0x2  }
0x9: {  	s30 =	ssub.s32 s6, s28;
	s6 =	sor.u32 $0x1C01, s31;
	s11 =	simm.s32 $0x1  }
0xa: {  	s8 =	sadd.s32 s8, s7;
	s12 =	sadd.s32 s29, s2;
	s9 =	smax.u32 s30, $0x1  }
0xb: {  	s10 =	sadd.s32 s4, s7;
	s4 =	sadd.s32 $0x10000, s7;
	s8 =	sadd.s32 $0x10800, s8  }
0xc: {  	s7 =	sadd.s32 $0x3800, s10;
	s10 =	sshrl.u32 s12, $0x3;
	s12 =	simm.s32 $0x2800  }
.LBB2_1:
0xd: {  	[spmem:s10], [sflag:s6] =	dma.local [hbm:s5], $0x2780  }
0xe: {  	_ =	swait.ge [sflag:s11], $0x2780  }
0xf: {  	[sflag:s11] =	ssyncset.done $0x0  }
0x10: {  	[sflag:s11] =	ssyncadd.s32 $0xFFFFD880  }
0x11: {  	[tilespmem:s3], [sflag:$0x1] =	stream.linear.gather [hbm4b:s7+s3], $0x2800, $0x38;
	[tilespmem:$0x1A400] =	vst v63  }
0x12: {  	_ =	swait.ge [sflag:s11], $0x2800  }
0x13: {  	[sflag:s11] =	ssyncset.done $0x0  }
0x14: {  	[sflag:s11] =	ssyncadd.s32 $0xFFFFD800  }
0x15: {  	[tilespmem:s12], [sflag:$0x1] =	stream.linear.gather [hbm4b:s4+s3], $0x4000, $0x38;
	[tilespmem:$0x1A400] =	vst v63  }
0x16: {  	_ =	swait.ge [sflag:s11], $0x4000  }
0x17: {  	[sflag:s11] =	ssyncset.done $0x0  }
0x18: {  	[sflag:s11] =	ssyncadd.s32 $0xFFFFC000  }
0x19: {  	s15 =	simm.s32 $0x0;
	[bflag:$0x0] =	sbarrier.arrive $0xFFFF  }
0x1a: {  	[spmem:s2] =	stream.indirect.scatter.add.f32 [tilespmem:s12], [sflag:$0x1], $0x80, s15, s13, $0xb8;
	[tilespmem:$0x1A400] =	vst v63  }
0x1b: {  	_ =	swait.ge [sflag:s11], $0x4000  }
0x1c: {  	s15 =	simm.s32 $0x200;
	[sflag:s11] =	ssyncset.done $0x0  }
.LBB2_2:
0x1d: {  	s16 =	sshra.s32 s15, $0x2;
	[sflag:s11] =	ssyncadd.s32 $0xFFFFC000;
	p0 =	sne.s32 s15, $0x9E00  }
0x1e: {  	[spmem:s2] =	stream.indirect.scatter.add.f32 [tilespmem:s12], [sflag:$0x1], $0x80, s16, s13, $0xb8;
	[tilespmem:$0x1A400] =	vst v63  }
.Ltmp0:
0x1f: {  	_ = 	snop;
	(pc) =	sbr.rel @p0 .LBB2_2-.Ltmp0, $4  }
0x20: {  	_ = 	snop  }
0x21: {  	s15 =	sadd.s32 $0x200, s15  }
0x22: {  	_ =	swait.ge [sflag:s11], $0x4000  }
0x23: {  	[sflag:s11] =	ssyncset.done $0x0  }
0x24: {  	s14 =	sadd.s32 $0x1, s14  }
0x25: {  	[sflag:s11] =	ssyncadd.s32 $0xFFFFC000;
	p0 =	sne.s32 s14, s9  }
.Ltmp1:
0x26: {  	[bflag:$0x0] =	sbarrier.arrive $0xFFFF;
	(pc) =	sbr.rel @p0 .LBB2_1-.Ltmp1, $4  }
0x27: {  	[hbm:s8], [sflag:s6] =	dma.local [spmem:s10], $0x2780  }
0x28: {  	_ =	swait.ge [sflag:s11], $0x2780  }
0x29: {  	[sflag:s11] =	ssyncset.done $0x0  }
0x2a: {  	[sflag:s11] =	ssyncadd.s32 $0xFFFFD880  }
0x2b: {  	_ =	sfence.sel $0x180000  }
0x2c: {  	[bflag:$0x0] =	sbarrier.arrive $0xFFFF  }
0x2d: {  	p0 =	sne.s32 s0, $0x0;
	_ =	strace $0x90000047  }
0x2e: {  	s0 =	sadd.s32 @!p0 $0x100000, s1;
	[bflag:$0x2] =	sbarrier.arrive $0xFFFF  }
0x2f: {  	[sflag:s0] =	ssyncadd.tile.s32 @!p0 $0x1;
	_ =	shalt  }
.Lfunc_end2:
_tile_overlayer_lowered:
.L_overlay_start_2:
0x30: {  	(tag) =	ssettag $0x2  }
0x31: {  	s0 =	rddreg [dreg:$0x0];
	s2 =	stileid.u32  }
0x32: {  	s1 =	rddreg [dreg:$0x1];
	p0 =	sne.s32 s2, $0x0  }
0x33: {  	s3 =	rddreg [dreg:$0x2];
	[bflag:$0x3] =	sbarrier.arrive $0xFFFF;
	s2 =	simm.s32 @!p0 $0x1C01  }
0x34: {  	[timem:s3], [sflag:s2] =	dma.local @!p0 [hbm:s0], s1  }
0x35: {  	s0 =	simm.s32 @!p0 $0x1  }
0x36: {  	_ =	swait.ge @!p0 [sflag:s0], s1  }
0x37: {  	s1 =	ssub.s32 @!p0 $0x0, s1;
	[sflag:s0] =	ssyncset.done @!p0 $0x0  }
0x38: {  	[sflag:s0] =	ssyncadd.s32 @!p0 s1  }
0x39: {  	[bflag:$0x3] =	sbarrier.arrive $0xFFFF  }
0x3a: {  	_ =	shalt  }

// kernel: kernel.13.cloned.1.call-start
scs
__scs_entry_jumppad:
0x0: {  	(pc) =	sbr.rel $0x88, $3  }
0x1: {  	(tag) =	ssettag $0x0;
	lr =	simm.s32 $0x1  }
0x2: {  	[smem:$0x3F96] =	sst lr;
	_ =	strace $0xD0000000  }
0x3: {  	_ = 	snop  }
0x4: {  	_ = 	snop  }
0x5: {  	_ = 	snop  }
0x6: {  	_ = 	snop  }
0x7: {  	_ = 	snop  }
__scs_overlays_trampoline_lowered:
0x8: {  	[smem:$0x3FA5] =	sst s0  }
0x9: {  	[smem:$0x3FA6] =	sst s1  }
0xa: {  	[smem:$0x3FA7] =	sst s2  }
0xb: {  	[smem:$0x3FA8] =	sst s3  }
0xc: {  	[smem:$0x3FA9] =	sst s4  }
0xd: {  	[smem:$0x3FAA] =	sst s5  }
0xe: {  	[smem:$0x3FAB] =	sst s6  }
0xf: {  	[smem:$0x3FAC] =	sst s7  }
0x10: {  	[smem:$0x3FAD] =	sst s8  }
0x11: {  	[smem:$0x3FAE] =	sst s9;
	s0 =	simm.s32 @!p0 $0x0  }
0x12: {  	s1 =	sld [smem:$0x3F94];
	s0 =	simm.s32 @p0 $0x1  }
0x13: {  	[smem:$0x3FAF] =	sst s0;
	s0 =	simm.s32 @!p1 $0x0  }
0x14: {  	s2 =	sld [smem:$0x3F93];
	s0 =	simm.s32 @p1 $0x1  }
0x15: {  	[smem:$0x3FB0] =	sst s0;
	s0 =	simm.s32 @!p2 $0x0  }
0x16: {  	s3 =	sld [smem:$0x3FDB];
	s0 =	simm.s32 @p2 $0x1  }
0x17: {  	s4 =	simm.s32 $0x1BF5;
	[smem:$0x3FB2] =	sst s0  }
0x18: {  	s0 =	sld [smem:$0x3F95];
	_ =	swait.ge [sflag:s4], $0x0  }
0x19: {  	s7 =	sld [smem:$0x3F96]  }
0x1a: {  	s8 =	sadd.s32 $0xFFFFE003, lr  }
0x1b: {  	s9 =	sadd.s32 $0xFFFFFEF7, lr;
	s5 =	simm.s32 $0xFFFFFFFF;
	p2 =	slt.u32 s8, $0xFFFFF086  }
0x1c: {  	p1 =	slt.u32 s9, $0xF7A;
	s5 =	simm.s32 @!p2 $0x0  }
0x1d: {  	s5 =	simm.s32 @p1 $0x1;
	p0 =	seq.s32 s7, s2  }
0x1e: {  	s7 =	smul.u32 @!p0 $0xF7A, s2;
	p2 =	seq.s32 @!p0 s5, $0x0  }
0x1f: {  	s9 =	smul.u32 $0xF7A, s1;
	s8 =	simm.s32 @!p0 $0x1BF5;
	p2 =	por !p2, p0  }
0x20: {  	[sflag:s8] =	ssyncset.s32 @!p0 $0xFFFFF086;
	s6 =	sadd.s32 @!p0 s3, s7;
	s7 =	simm.s32 @!p0 $0x108  }
0x21: {  	s3 =	sadd.s32 s3, s9;
	s6 =	sadd.s32 @!p0 $0x88, s6;
	s7 =	simm.s32 @p2 $0x1082  }
0x22: {  	[simem:s7], [sflag:s8] =	dma.local @!p0 [hbm:s6], $0xF7A  }
0x23: {  	s9 =	sor.u32 $0xD0000000, s2;
	s6 =	simm.s32 $0x108;
	_ =	swait.ge @!p0 [sflag:s8], $0x0  }
0x24: {  	s3 =	sadd.s32 $0x88, s3;
	s6 =	simm.s32 @!p1 $0x1082;
	[sflag:s4] =	ssyncset.s32 $0xFFFFF086  }
0x25: {  	[simem:s6], [sflag:s4] =	dma.local [hbm:s3], $0xF7A  }
0x26: {  	[smem:$0x3F96] =	sst s1;
	(tag) =	ssettag s2;
	_ =	strace s9  }
0x27: {  	s1 =	sld [smem:$0x3FA6]  }
0x28: {  	s2 =	sld [smem:$0x3FA7]  }
0x29: {  	s4 =	sld [smem:$0x3FA9]  }
0x2a: {  	p0 =	seq.s32 s5, $0x0;
	s5 =	sld [smem:$0x3FAA]  }
0x2b: {  	s6 =	sld [smem:$0x3FAB]  }
0x2c: {  	s7 =	sld [smem:$0x3FAC]  }
0x2d: {  	s3 =	simm.s32 $0x108;
	s8 =	sld [smem:$0x3FAD]  }
0x2e: {  	s3 =	simm.s32 @!p0 $0x1082;
	s9 =	sld [smem:$0x3FAE]  }
0x2f: {  	lr =	sadd.s32 s0, s3;
	s0 =	sld [smem:$0x3FA5]  }
0x30: {  	s3 =	sld [smem:$0x3FA8]  }
0x31: {  	[smem:$0x3FB1] =	sst s10  }
0x32: {  	s10 =	sld [smem:$0x3FAF];
	_ =	sdelay $0x3  }
0x33: {  	p0 =	seq.s32 s10, $0x1;
	s10 =	sld [smem:$0x3FB1];
	_ =	sdelay $0x3  }
0x34: {  	[smem:$0x3FB1] =	sst s10  }
0x35: {  	s10 =	sld [smem:$0x3FB0];
	_ =	sdelay $0x3  }
0x36: {  	p1 =	seq.s32 s10, $0x1;
	s10 =	sld [smem:$0x3FB1];
	_ =	sdelay $0x3  }
0x37: {  	[smem:$0x3FB1] =	sst s10  }
0x38: {  	s10 =	sld [smem:$0x3FB2]  }
0x39: {  	_ = 	snop;
	(pc) =	sbr.ind lr, $3  }
0x3a: {  	_ = 	snop  }
0x3b: {  	_ = 	snop  }
0x3c: {  	p2 =	seq.s32 s10, $0x1;
	s10 =	sld [smem:$0x3FB1]  }
0x3d: {  	_ =	shalt  }
0x3e: {  	_ =	shalt  }
0x3f: {  	_ =	shalt  }
0x40: {  	_ =	shalt  }
0x41: {  	_ =	shalt  }
0x42: {  	_ =	shalt  }
0x43: {  	_ =	shalt  }
0x44: {  	_ =	shalt  }
0x45: {  	_ =	shalt  }
0x46: {  	_ =	shalt  }
0x47: {  	_ =	shalt  }
0x48: {  	_ =	shalt  }
0x49: {  	_ =	shalt  }
0x4a: {  	_ =	shalt  }
0x4b: {  	_ =	shalt  }
0x4c: {  	_ =	shalt  }
0x4d: {  	_ =	shalt  }
0x4e: {  	_ =	shalt  }
0x4f: {  	_ =	shalt  }
0x50: {  	_ =	shalt  }
0x51: {  	_ =	shalt  }
0x52: {  	_ =	shalt  }
0x53: {  	_ =	shalt  }
0x54: {  	_ =	shalt  }
0x55: {  	_ =	shalt  }
0x56: {  	_ =	shalt  }
0x57: {  	_ =	shalt  }
0x58: {  	_ =	shalt  }
0x59: {  	_ =	shalt  }
0x5a: {  	_ =	shalt  }
0x5b: {  	_ =	shalt  }
0x5c: {  	_ =	shalt  }
0x5d: {  	_ =	shalt  }
0x5e: {  	_ =	shalt  }
0x5f: {  	_ =	shalt  }
0x60: {  	_ =	shalt  }
0x61: {  	_ =	shalt  }
0x62: {  	_ =	shalt  }
0x63: {  	_ =	shalt  }
0x64: {  	_ =	shalt  }
0x65: {  	_ =	shalt  }
0x66: {  	_ =	shalt  }
0x67: {  	_ =	shalt  }
0x68: {  	_ =	shalt  }
0x69: {  	_ =	shalt  }
0x6a: {  	_ =	shalt  }
0x6b: {  	_ =	shalt  }
0x6c: {  	_ =	shalt  }
0x6d: {  	_ =	shalt  }
0x6e: {  	_ =	shalt  }
0x6f: {  	_ =	shalt  }
0x70: {  	_ =	shalt  }
0x71: {  	_ =	shalt  }
0x72: {  	_ =	shalt  }
0x73: {  	_ =	shalt  }
0x74: {  	_ =	shalt  }
0x75: {  	_ =	shalt  }
0x76: {  	_ =	shalt  }
0x77: {  	_ =	shalt  }
0x78: {  	_ =	shalt  }
0x79: {  	_ =	shalt  }
0x7a: {  	_ =	shalt  }
0x7b: {  	_ =	shalt  }
0x7c: {  	_ =	shalt  }
0x7d: {  	_ =	shalt  }
0x7e: {  	_ =	shalt  }
0x7f: {  	_ =	shalt  }
0x80: {  	_ =	shalt  }
0x81: {  	_ =	shalt  }
0x82: {  	_ =	shalt  }
0x83: {  	_ =	shalt  }
0x84: {  	_ =	shalt  }
0x85: {  	_ =	shalt  }
0x86: {  	_ =	shalt  }
0x87: {  	_ =	shalt  }
.Lfunc_end0:
.L_simem_size_0:
called_computation.1_lowered:
.L_overlay_start_0:
0x88: {  	s2 =	sld [smem:$0x3FD9]  }
0x89: {  	s3 =	sld [smem:$0x3FFE];
	_ =	sdelay $0x1  }
0x8a: {  	s1 =	srdreg.scid  }
0x8b: {  	s0 =	sand.u32 $0x1, s1  }
0x8c: {  	s16 =	sshll.u32 s0, $0xA;
	s2 =	sadd.s32 s3, s2  }
0x8d: {  	s2 =	sadd.s32 s2, s16  }
0x8e: {  	[smem:$0x3FBD] =	sst s2  }
0x8f: {  	_ = 	snop  }
0x90: {  	(tm) =	ssettm $0x1  }
0x91: {  	s17 =	sld [smem:$0x3FFB];
	_ =	sdelay $0x3  }
0x92: {  	_ =	strace s17  }
0x93: {  	s2 =	sld [smem:$0x3FFC];
	_ =	sdelay $0x3  }
0x94: {  	_ =	strace s2  }
0x95: {  	s2 =	sld [smem:$0x3FFD];
	_ =	sdelay $0x3  }
0x96: {  	_ =	strace s2  }
0x97: {  	_ =	strace $0x8FFFFFFF  }
0x98: {  	s18 =	sld [smem:$0x3FDB];
	_ =	sdelay $0x1  }
0x99: {  	s19 =	simm.s32 $_scs_section_size  }
0x9a: {  	s4 =	simm.s32 $_size__tile_overlayer_lowered;
	s5 =	simm.s32 $_tile_overlayer_lowered  }
0x9b: {  	s22 =	simm.s32 $0x1BFF;
	s21 =	sshll.u32 s5, $0x1;
	s2 =	sadd.s32 s19, s18  }
0x9c: {  	s6 =	simm.s32 $0x0;
	s20 =	sshll.u32 s4, $0x1;
	s4 =	sadd.s32 s21, s2  }
0x9d: {  	[timem:s6], [sflag:s22] =	dma.local [hbm:s4], s20  }
0x9e: {  	_ =	swait.ge [sflag:s22], s20  }
0x9f: {  	s3 =	ssub.s32 $0x0, s20;
	[sflag:s22] =	ssyncset.done $0x0  }
0xa0: {  	[sflag:s22] =	ssyncadd.s32 s3;
	_ =	sdelay $0x1  }
0xa1: {  	s23 =	simm.s32 $0x1B8B  }
0xa2: {  	_ =	swait.ge [sflag:s23], $0x1  }
0xa3: {  	[sflag:s23] =	ssyncset.done $0x0  }
0xa4: {  	s25 =	simm.s32 $0x1B8E;
	s24 =	sld [smem:$0x3FFE];
	[sflag:s23] =	ssyncadd.s32 $0xFFFFFFFF  }
0xa5: {  	s26 =	simm.s32 $execute0_lowered;
	[smem:$0x3FD2] =	sst s25  }
0xa6: {  	s4 =	sshll.u32 s26, $0x1;
	_ =	strace $0x80000049;
	[dreg:$0x1] =	wrdreg $0xFFFFFFFF  }
0xa7: {  	s28 =	simm.s32 $_size_execute0_lowered;
	s2 =	sadd.s32 s2, s4;
	[dreg:$0x0] =	wrdreg $0x0  }
0xa8: {  	s4 =	sshll.u32 s28, $0x1;
	[dreg:$0x2] =	wrdreg s2  }
0xa9: {  	[dreg:$0x3] =	wrdreg s4  }
0xaa: {  	[dreg:$0x4] =	wrdreg $0xC0  }
0xab: {  	_ =	task [dreg:s6], $0x5FFFF  }
0xac: {  	[dreg:$0x1] =	wrdreg $0xFFFFFFFF  }
0xad: {  	[dreg:$0x0] =	wrdreg $0x60  }
0xae: {  	[dreg:$0x2] =	wrdreg s24  }
0xaf: {  	[dreg:$0x3] =	wrdreg $0xA8000  }
0xb0: {  	[dreg:$0x4] =	wrdreg $0x9  }
0xb1: {  	_ =	task.clear_ibuf [dreg:s6], $0x5FFFF;
	_ =	strace $0x90000049  }
0xb2: {  	s29 =	simm.s32 $0x9;
	_ =	strace $0x8000004B  }
0xb3: {  	_ =	swait.ge [sflag:s29], $0x1  }
0xb4: {  	[sflag:s29] =	ssyncadd.s32 $0xFFFFFFFF  }
0xb5: {  	_ =	strace $0x9000004B  }
0xb6: {  	_ =	sfence  }
0xb7: {  	s30 =	sld [smem:$0x0];
	_ =	sdelay $0x2  }
0xb8: {  	s31 =	sshll.u32 s1, $0xD;
	s1 =	sshrl.u32 s1, $0x2  }
0xb9: {  	s3 =	sand.u32 $0x4000, s31;
	s1 =	sadd.s32 s1, s30  }
0xba: {  	s0 =	sor.u32 s3, s0;
	s1 =	sshll.u32 s1, $0x11  }
0xbb: {  	s0 =	sor.u32 s1, s0  }
0xbc: {  	s0 =	sadd.s32 $0x8F2B, s0  }
0xbd: {  	[sflag:s0] =	ssyncadd.remote.s32 $0x1  }
0xbe: {  	_ =	sfence.sel $0xFFFF  }
0xbf: {  	[dreg:$0x0] =	wrdreg $0xFFFFFFFF;
	(pc) =	sbr.abs _section_cstart, $3  }
0xc0: {  	[dreg:$0x1] =	wrdreg $0xFFFFFFFF  }
0xc1: {  	_ =	task.clear_ibuf [dreg:s6], $0x2FFFF;
	_ =	strace $0x9FFFFFFF  }
0xc2: {  	(tm) =	ssettm $0x7FFFFFFF  }
0xc3: {  	_ =	shalt  }
tec
execute0_lowered:
.L_overlay_start_1:
0x0: {  	(tag) =	ssettag $0x1  }
0x1: {  	s6 =	rddreg [dreg:$0x0]  }
0x2: {  	s2 =	rddreg [dreg:$0x1]  }
0x3: {  	s0 =	rddreg [dreg:$0x2];
	s3 =	simm.s32 $0x0;
	s4 =	srdreg.scid  }
0x4: {  	s1 =	stileid.u32;
	s15 =	simm.s32 $0x1400;
	s16 =	simm.s32 $0x80  }
0x5: {  	s17 =	simm.s32 $0x2800;
	s18 =	simm.s32 $0x6800;
	s19 =	simm.s32 $0x1  }
0x6: {  	s20 =	simm.s32 $0x2;
	s21 =	simm.s32 $0x2700;
	s22 =	simm.s32 $0x2780  }
0x7: {  	s23 =	simm.s32 $0x0;
	[smem:$0x7FF] =	sst s3;
	s7 =	smul.u32 $0x2780, s1  }
0x8: {  	s5 =	sand.u32 $0x1, s4;
	s4 =	sadd.s32 $0x10000, s6;
	s9 =	smul.u32 $0x4F000, s1  }
0x9: {  	s11 =	sadd.s32 $0x69800, s6;
	s12 =	sadd.s32 $0x5F800, s6;
	s14 =	smul.u32 $0x50, s1  }
0xa: {  	s28 =	sshll.u32 s1, $0x6;
	_ =	strace $0x8000004A;
	s8 =	smul.u32 $0x27800, s5  }
0xb: {  	s10 =	ssub.s32 $0x2, s5;
	s13 =	smul.u32 $0x500, s5;
	s5 =	sadd.s32 $0xD800, s6  }
0xc: {  	s25 =	sshrl.u32 s10, $0x1;
	s26 =	sshrl.u32 s9, $0x2;
	s7 =	sadd.s32 s7, s8  }
0xd: {  	s8 =	ssub.s32 s10, s25;
	s29 =	sadd.s32 s14, s13;
	s30 =	sadd.s32 s26, s2  }
0xe: {  	s14 =	simm.s32 $0x3;
	s7 =	sadd.s32 s7, s6;
	s6 =	sor.u32 $0x1C03, s28  }
0xf: {  	s10 =	sshll.u32 s29, $0x4;
	s8 =	smax.u32 s8, $0x1;
	s13 =	sshrl.u32 s30, $0x3  }
0x10: {  	s7 =	sadd.s32 $0x73800, s7;
	s31 =	sadd.s32 $0x280, s10;
	s9 =	sadd.s32 s11, s10  }
0x11: {  	s10 =	sadd.s32 s12, s10;
	s11 =	sadd.s32 s11, s31;
	s12 =	sadd.s32 s12, s31  }
.LBB2_1:
0x12: {  	[spmem:s13], [sflag:s6] =	dma.local [hbm:s5], $0x2780  }
0x13: {  	_ =	swait.ge [sflag:s14], $0x2780  }
0x14: {  	[sflag:s14] =	ssyncset.done $0x0  }
0x15: {  	[sflag:s14] =	ssyncadd.s32 $0xFFFFD880  }
0x16: {  	[bflag:$0x0] =	sbarrier.arrive $0xFFFF  }
0x17: {  	[tilespmem:s3], [sflag:$0x3] =	stream.linear.gather [hbm4b:s9+s3], $0x1400, $0x38;
	[tilespmem:$0x1E400] =	vst v63  }
0x18: {  	_ =	swait.ge [sflag:s14], $0x1400  }
0x19: {  	[sflag:s14] =	ssyncset.done $0x0  }
0x1a: {  	[sflag:s14] =	ssyncadd.s32 $0xFFFFEC00  }
0x1b: {  	[tilespmem:s15], [sflag:$0x3] =	stream.linear.gather [hbm4b:s10+s3], $0x1400, $0x38;
	[tilespmem:$0x1E400] =	vst v63  }
0x1c: {  	_ =	swait.ge [sflag:s14], $0x1400  }
0x1d: {  	[sflag:s14] =	ssyncset.done $0x0  }
0x1e: {  	[sflag:s14] =	ssyncadd.s32 $0xFFFFEC00  }
0x1f: {  	[tilespmem:s17], [sflag:$0x1] =	stream.indirect.gather [hbm4b:s4+s16], $0x80, s3, s16, $0xb8;
	[tilespmem:$0x1E400] =	vst v63  }
0x20: {  	_ = 	snop  }
0x21: {  	[tilespmem:s18], [sflag:$0x2] =	stream.indirect.gather [hbm4b:s4+s16], $0x80, s16, s16, $0xb8;
	[tilespmem:$0x1E400] =	vst v63  }
0x22: {  	_ =	swait.ge [sflag:s19], $0x4000  }
0x23: {  	[sflag:s19] =	ssyncset.done $0x0  }
0x24: {  	s24 =	simm.s32 $0x1400;
	[sflag:s19] =	ssyncadd.s32 $0xFFFFC000  }
0x25: {  	[spmem:s2] =	stream.indirect.scatter.add.f32 [tilespmem:s17], [sflag:$0x3], $0x80, s24, s16, $0xb8;
	[tilespmem:$0x1E400] =	vst v63  }
0x26: {  	_ =	swait.ge [sflag:s14], $0x4000  }
0x27: {  	[sflag:s14] =	ssyncset.done $0x0  }
0x28: {  	s30 =	simm.s32 $0x100;
	[sflag:s14] =	ssyncadd.s32 $0xFFFFC000  }
0x29: {  	[tilespmem:s17], [sflag:$0x1] =	stream.indirect.gather [hbm4b:s4+s16], $0x80, s30, s16, $0xb8;
	[tilespmem:$0x1E400] =	vst v63  }
0x2a: {  	_ =	swait.ge [sflag:s20], $0x4000  }
0x2b: {  	[sflag:s20] =	ssyncset.done $0x0  }
0x2c: {  	s31 =	simm.s32 $0x1480;
	[sflag:s20] =	ssyncadd.s32 $0xFFFFC000  }
0x2d: {  	[spmem:s2] =	stream.indirect.scatter.add.f32 [tilespmem:s18], [sflag:$0x3], $0x80, s31, s16, $0xb8;
	[tilespmem:$0x1E400] =	vst v63  }
0x2e: {  	_ =	swait.ge [sflag:s14], $0x4000  }
0x2f: {  	[sflag:s14] =	ssyncset.done $0x0  }
0x30: {  	s25 =	simm.s32 $0x180;
	s24 =	simm.s32 $0x400;
	[sflag:s14] =	ssyncadd.s32 $0xFFFFC000  }
.LBB2_2:
0x31: {  	[tilespmem:s18], [sflag:$0x2] =	stream.indirect.gather [hbm4b:s4+s16], $0x80, s25, s16, $0xb8;
	[tilespmem:$0x1E400] =	vst v63  }
0x32: {  	s25 =	smov.u32 s24  }
0x33: {  	p0 =	sne.s32 s24, $0x4800;
	s24 =	sadd.s32 $0x400, s24;
	_ =	swait.ge [sflag:s19], $0x4000  }
0x34: {  	s25 =	sshra.s32 s25, $0x2;
	[sflag:s19] =	ssyncset.done $0x0  }
0x35: {  	s26 =	sadd.s32 $0x1400, s25;
	[sflag:s19] =	ssyncadd.s32 $0xFFFFC000  }
0x36: {  	[spmem:s2] =	stream.indirect.scatter.add.f32 [tilespmem:s17], [sflag:$0x3], $0x80, s26, s16, $0xb8;
	[tilespmem:$0x1E400] =	vst v63  }
0x37: {  	_ =	swait.ge [sflag:s14], $0x4000  }
0x38: {  	[sflag:s14] =	ssyncset.done $0x0  }
0x39: {  	s26 =	sadd.s32 $0x100, s25;
	[sflag:s14] =	ssyncadd.s32 $0xFFFFC000  }
0x3a: {  	[tilespmem:s17], [sflag:$0x1] =	stream.indirect.gather [hbm4b:s4+s16], $0x80, s26, s16, $0xb8;
	[tilespmem:$0x1E400] =	vst v63  }
0x3b: {  	_ =	swait.ge [sflag:s20], $0x4000  }
0x3c: {  	[sflag:s20] =	ssyncset.done $0x0  }
.Ltmp0:
0x3d: {  	s26 =	sadd.s32 $0x1480, s25;
	[sflag:s20] =	ssyncadd.s32 $0xFFFFC000;
	(pc) =	sbr.rel @p0 .LBB2_2-.Ltmp0, $4  }
0x3e: {  	[spmem:s2] =	stream.indirect.scatter.add.f32 [tilespmem:s18], [sflag:$0x3], $0x80, s26, s16, $0xb8;
	[tilespmem:$0x1E400] =	vst v63  }
0x3f: {  	_ =	swait.ge [sflag:s14], $0x4000  }
0x40: {  	[sflag:s14] =	ssyncset.done $0x0  }
0x41: {  	s25 =	sadd.s32 $0x180, s25;
	[sflag:s14] =	ssyncadd.s32 $0xFFFFC000  }
0x42: {  	[tilespmem:s18], [sflag:$0x2] =	stream.indirect.gather [hbm4b:s4+s16], $0x80, s25, s16, $0xb8;
	[tilespmem:$0x1E400] =	vst v63  }
0x43: {  	_ =	swait.ge [sflag:s19], $0x4000  }
0x44: {  	[sflag:s19] =	ssyncset.done $0x0  }
0x45: {  	[sflag:s19] =	ssyncadd.s32 $0xFFFFC000  }
0x46: {  	[spmem:s2] =	stream.indirect.scatter.add.f32 [tilespmem:s17], [sflag:$0x3], $0x80, s21, s16, $0xb8;
	[tilespmem:$0x1E400] =	vst v63  }
0x47: {  	_ =	swait.ge [sflag:s14], $0x4000  }
0x48: {  	[sflag:s14] =	ssyncset.done $0x0  }
0x49: {  	[sflag:s14] =	ssyncadd.s32 $0xFFFFC000  }
0x4a: {  	_ =	swait.ge [sflag:s20], $0x4000  }
0x4b: {  	[sflag:s20] =	ssyncset.done $0x0  }
0x4c: {  	[sflag:s20] =	ssyncadd.s32 $0xFFFFC000  }
0x4d: {  	[spmem:s2] =	stream.indirect.scatter.add.f32 [tilespmem:s18], [sflag:$0x3], $0x80, s22, s16, $0xb8;
	[tilespmem:$0x1E400] =	vst v63  }
0x4e: {  	_ =	swait.ge [sflag:s14], $0x4000  }
0x4f: {  	[sflag:s14] =	ssyncset.done $0x0  }
0x50: {  	s24 =	simm.s32 $0x0;
	[sflag:s14] =	ssyncadd.s32 $0xFFFFC000  }
0x51: {  	[tilespmem:s24], [sflag:$0x3] =	stream.linear.gather [hbm4b:s11+s24], $0x1400, $0x38;
	[tilespmem:$0x1E400] =	vst v63  }
0x52: {  	_ =	swait.ge [sflag:s14], $0x1400  }
0x53: {  	[sflag:s14] =	ssyncset.done $0x0  }
0x54: {  	[sflag:s14] =	ssyncadd.s32 $0xFFFFEC00  }
0x55: {  	[tilespmem:s15], [sflag:$0x3] =	stream.linear.gather [hbm4b:s12+s24], $0x1400, $0x38;
	[tilespmem:$0x1E400] =	vst v63  }
0x56: {  	_ =	swait.ge [sflag:s14], $0x1400  }
0x57: {  	[sflag:s14] =	ssyncset.done $0x0  }
0x58: {  	[sflag:s14] =	ssyncadd.s32 $0xFFFFEC00  }
0x59: {  	[tilespmem:s17], [sflag:$0x1] =	stream.indirect.gather [hbm4b:s4+s16], $0x80, s24, s16, $0xb8;
	[tilespmem:$0x1E400] =	vst v63  }
0x5a: {  	_ = 	snop  }
0x5b: {  	[tilespmem:s18], [sflag:$0x2] =	stream.indirect.gather [hbm4b:s4+s16], $0x80, s16, s16, $0xb8;
	[tilespmem:$0x1E400] =	vst v63  }
0x5c: {  	_ =	swait.ge [sflag:s19], $0x4000  }
0x5d: {  	[sflag:s19] =	ssyncset.done $0x0  }
0x5e: {  	s29 =	simm.s32 $0x1400;
	[sflag:s19] =	ssyncadd.s32 $0xFFFFC000  }
0x5f: {  	[spmem:s2] =	stream.indirect.scatter.add.f32 [tilespmem:s17], [sflag:$0x3], $0x80, s29, s16, $0xb8;
	[tilespmem:$0x1E400] =	vst v63  }
0x60: {  	_ =	swait.ge [sflag:s14], $0x4000  }
0x61: {  	[sflag:s14] =	ssyncset.done $0x0  }
0x62: {  	s30 =	simm.s32 $0x100;
	[sflag:s14] =	ssyncadd.s32 $0xFFFFC000  }
0x63: {  	[tilespmem:s17], [sflag:$0x1] =	stream.indirect.gather [hbm4b:s4+s16], $0x80, s30, s16, $0xb8;
	[tilespmem:$0x1E400] =	vst v63  }
0x64: {  	_ =	swait.ge [sflag:s20], $0x4000  }
0x65: {  	[sflag:s20] =	ssyncset.done $0x0  }
0x66: {  	s31 =	simm.s32 $0x1480;
	[sflag:s20] =	ssyncadd.s32 $0xFFFFC000  }
0x67: {  	[spmem:s2] =	stream.indirect.scatter.add.f32 [tilespmem:s18], [sflag:$0x3], $0x80, s31, s16, $0xb8;
	[tilespmem:$0x1E400] =	vst v63  }
0x68: {  	_ =	swait.ge [sflag:s14], $0x4000  }
0x69: {  	[sflag:s14] =	ssyncset.done $0x0  }
0x6a: {  	s25 =	simm.s32 $0x180;
	s24 =	simm.s32 $0x400;
	[sflag:s14] =	ssyncadd.s32 $0xFFFFC000  }
.LBB2_4:
0x6b: {  	[tilespmem:s18], [sflag:$0x2] =	stream.indirect.gather [hbm4b:s4+s16], $0x80, s25, s16, $0xb8;
	[tilespmem:$0x1E400] =	vst v63  }
0x6c: {  	s25 =	smov.u32 s24  }
0x6d: {  	p0 =	sne.s32 s24, $0x4800;
	s24 =	sadd.s32 $0x400, s24;
	_ =	swait.ge [sflag:s19], $0x4000  }
0x6e: {  	s25 =	sshra.s32 s25, $0x2;
	[sflag:s19] =	ssyncset.done $0x0  }
0x6f: {  	s26 =	sadd.s32 $0x1400, s25;
	[sflag:s19] =	ssyncadd.s32 $0xFFFFC000  }
0x70: {  	[spmem:s2] =	stream.indirect.scatter.add.f32 [tilespmem:s17], [sflag:$0x3], $0x80, s26, s16, $0xb8;
	[tilespmem:$0x1E400] =	vst v63  }
0x71: {  	_ =	swait.ge [sflag:s14], $0x4000  }
0x72: {  	[sflag:s14] =	ssyncset.done $0x0  }
0x73: {  	s26 =	sadd.s32 $0x100, s25;
	[sflag:s14] =	ssyncadd.s32 $0xFFFFC000  }
0x74: {  	[tilespmem:s17], [sflag:$0x1] =	stream.indirect.gather [hbm4b:s4+s16], $0x80, s26, s16, $0xb8;
	[tilespmem:$0x1E400] =	vst v63  }
0x75: {  	_ =	swait.ge [sflag:s20], $0x4000  }
0x76: {  	[sflag:s20] =	ssyncset.done $0x0  }
.Ltmp1:
0x77: {  	s26 =	sadd.s32 $0x1480, s25;
	[sflag:s20] =	ssyncadd.s32 $0xFFFFC000;
	(pc) =	sbr.rel @p0 .LBB2_4-.Ltmp1, $4  }
0x78: {  	[spmem:s2] =	stream.indirect.scatter.add.f32 [tilespmem:s18], [sflag:$0x3], $0x80, s26, s16, $0xb8;
	[tilespmem:$0x1E400] =	vst v63  }
0x79: {  	_ =	swait.ge [sflag:s14], $0x4000  }
0x7a: {  	[sflag:s14] =	ssyncset.done $0x0  }
0x7b: {  	s25 =	sadd.s32 $0x180, s25;
	[sflag:s14] =	ssyncadd.s32 $0xFFFFC000  }
0x7c: {  	[tilespmem:s18], [sflag:$0x2] =	stream.indirect.gather [hbm4b:s4+s16], $0x80, s25, s16, $0xb8;
	[tilespmem:$0x1E400] =	vst v63  }
0x7d: {  	_ =	swait.ge [sflag:s19], $0x4000  }
0x7e: {  	[sflag:s19] =	ssyncset.done $0x0  }
0x7f: {  	[sflag:s19] =	ssyncadd.s32 $0xFFFFC000  }
0x80: {  	[spmem:s2] =	stream.indirect.scatter.add.f32 [tilespmem:s17], [sflag:$0x3], $0x80, s21, s16, $0xb8;
	[tilespmem:$0x1E400] =	vst v63  }
0x81: {  	_ =	swait.ge [sflag:s14], $0x4000  }
0x82: {  	[sflag:s14] =	ssyncset.done $0x0  }
0x83: {  	[sflag:s14] =	ssyncadd.s32 $0xFFFFC000  }
0x84: {  	_ =	swait.ge [sflag:s20], $0x4000  }
0x85: {  	[sflag:s20] =	ssyncset.done $0x0  }
0x86: {  	[sflag:s20] =	ssyncadd.s32 $0xFFFFC000  }
0x87: {  	[spmem:s2] =	stream.indirect.scatter.add.f32 [tilespmem:s18], [sflag:$0x3], $0x80, s22, s16, $0xb8;
	[tilespmem:$0x1E400] =	vst v63  }
0x88: {  	_ =	swait.ge [sflag:s14], $0x4000  }
0x89: {  	s23 =	sadd.s32 $0x1, s23;
	[sflag:s14] =	ssyncset.done $0x0  }
0x8a: {  	p0 =	sne.s32 s23, s8;
	[sflag:s14] =	ssyncadd.s32 $0xFFFFC000  }
.Ltmp2:
0x8b: {  	[bflag:$0x0] =	sbarrier.arrive $0xFFFF;
	(pc) =	sbr.rel @p0 .LBB2_1-.Ltmp2, $4  }
0x8c: {  	[hbm:s7], [sflag:s6] =	dma.local [spmem:s13], $0x2780  }
0x8d: {  	_ =	swait.ge [sflag:s14], $0x2780  }
0x8e: {  	[sflag:s14] =	ssyncset.done $0x0  }
0x8f: {  	[sflag:s14] =	ssyncadd.s32 $0xFFFFD880  }
0x90: {  	_ =	sfence.sel $0x180000  }
0x91: {  	[bflag:$0x0] =	sbarrier.arrive $0xFFFF  }
0x92: {  	p0 =	sne.s32 s1, $0x0;
	_ =	strace $0x9000004A  }
0x93: {  	s0 =	sadd.s32 @!p0 $0x100000, s0;
	[bflag:$0x2] =	sbarrier.arrive $0xFFFF  }
0x94: {  	[sflag:s0] =	ssyncadd.tile.s32 @!p0 $0x1;
	_ =	shalt  }
.Lfunc_end2:
_tile_overlayer_lowered:
.L_overlay_start_2:
0x95: {  	(tag) =	ssettag $0x2  }
0x96: {  	s0 =	rddreg [dreg:$0x0];
	s2 =	stileid.u32  }
0x97: {  	s1 =	rddreg [dreg:$0x1];
	p0 =	sne.s32 s2, $0x0  }
0x98: {  	s3 =	rddreg [dreg:$0x2];
	[bflag:$0x3] =	sbarrier.arrive $0xFFFF;
	s2 =	simm.s32 @!p0 $0x1C03  }
0x99: {  	[timem:s3], [sflag:s2] =	dma.local @!p0 [hbm:s0], s1  }
0x9a: {  	s0 =	simm.s32 @!p0 $0x3  }
0x9b: {  	_ =	swait.ge @!p0 [sflag:s0], s1  }
0x9c: {  	s1 =	ssub.s32 @!p0 $0x0, s1;
	[sflag:s0] =	ssyncset.done @!p0 $0x0  }
0x9d: {  	[sflag:s0] =	ssyncadd.s32 @!p0 s1  }
0x9e: {  	[bflag:$0x3] =	sbarrier.arrive $0xFFFF  }
0x9f: {  	_ =	shalt  }

// kernel: kernel.16.cloned.1.call-start
scs
__scs_entry_jumppad:
0x0: {  	(pc) =	sbr.rel $0x88, $3  }
0x1: {  	(tag) =	ssettag $0x0;
	lr =	simm.s32 $0x1  }
0x2: {  	[smem:$0x3F96] =	sst lr;
	_ =	strace $0xD0000000  }
0x3: {  	_ = 	snop  }
0x4: {  	_ = 	snop  }
0x5: {  	_ = 	snop  }
0x6: {  	_ = 	snop  }
0x7: {  	_ = 	snop  }
__scs_overlays_trampoline_lowered:
0x8: {  	[smem:$0x3FA5] =	sst s0  }
0x9: {  	[smem:$0x3FA6] =	sst s1  }
0xa: {  	[smem:$0x3FA7] =	sst s2  }
0xb: {  	[smem:$0x3FA8] =	sst s3  }
0xc: {  	[smem:$0x3FA9] =	sst s4  }
0xd: {  	[smem:$0x3FAA] =	sst s5  }
0xe: {  	[smem:$0x3FAB] =	sst s6  }
0xf: {  	[smem:$0x3FAC] =	sst s7  }
0x10: {  	[smem:$0x3FAD] =	sst s8  }
0x11: {  	[smem:$0x3FAE] =	sst s9;
	s0 =	simm.s32 @!p0 $0x0  }
0x12: {  	s1 =	sld [smem:$0x3F94];
	s0 =	simm.s32 @p0 $0x1  }
0x13: {  	[smem:$0x3FAF] =	sst s0;
	s0 =	simm.s32 @!p1 $0x0  }
0x14: {  	s2 =	sld [smem:$0x3F93];
	s0 =	simm.s32 @p1 $0x1  }
0x15: {  	[smem:$0x3FB0] =	sst s0;
	s0 =	simm.s32 @!p2 $0x0  }
0x16: {  	s3 =	sld [smem:$0x3FDB];
	s0 =	simm.s32 @p2 $0x1  }
0x17: {  	s4 =	simm.s32 $0x1BF5;
	[smem:$0x3FB2] =	sst s0  }
0x18: {  	s0 =	sld [smem:$0x3F95];
	_ =	swait.ge [sflag:s4], $0x0  }
0x19: {  	s7 =	sld [smem:$0x3F96]  }
0x1a: {  	s8 =	sadd.s32 $0xFFFFE003, lr  }
0x1b: {  	s9 =	sadd.s32 $0xFFFFFEF7, lr;
	s5 =	simm.s32 $0xFFFFFFFF;
	p2 =	slt.u32 s8, $0xFFFFF086  }
0x1c: {  	p1 =	slt.u32 s9, $0xF7A;
	s5 =	simm.s32 @!p2 $0x0  }
0x1d: {  	s5 =	simm.s32 @p1 $0x1;
	p0 =	seq.s32 s7, s2  }
0x1e: {  	s7 =	smul.u32 @!p0 $0xF7A, s2;
	p2 =	seq.s32 @!p0 s5, $0x0  }
0x1f: {  	s9 =	smul.u32 $0xF7A, s1;
	s8 =	simm.s32 @!p0 $0x1BF5;
	p2 =	por !p2, p0  }
0x20: {  	[sflag:s8] =	ssyncset.s32 @!p0 $0xFFFFF086;
	s6 =	sadd.s32 @!p0 s3, s7;
	s7 =	simm.s32 @!p0 $0x108  }
0x21: {  	s3 =	sadd.s32 s3, s9;
	s6 =	sadd.s32 @!p0 $0x88, s6;
	s7 =	simm.s32 @p2 $0x1082  }
0x22: {  	[simem:s7], [sflag:s8] =	dma.local @!p0 [hbm:s6], $0xF7A  }
0x23: {  	s9 =	sor.u32 $0xD0000000, s2;
	s6 =	simm.s32 $0x108;
	_ =	swait.ge @!p0 [sflag:s8], $0x0  }
0x24: {  	s3 =	sadd.s32 $0x88, s3;
	s6 =	simm.s32 @!p1 $0x1082;
	[sflag:s4] =	ssyncset.s32 $0xFFFFF086  }
0x25: {  	[simem:s6], [sflag:s4] =	dma.local [hbm:s3], $0xF7A  }
0x26: {  	[smem:$0x3F96] =	sst s1;
	(tag) =	ssettag s2;
	_ =	strace s9  }
0x27: {  	s1 =	sld [smem:$0x3FA6]  }
0x28: {  	s2 =	sld [smem:$0x3FA7]  }
0x29: {  	s4 =	sld [smem:$0x3FA9]  }
0x2a: {  	p0 =	seq.s32 s5, $0x0;
	s5 =	sld [smem:$0x3FAA]  }
0x2b: {  	s6 =	sld [smem:$0x3FAB]  }
0x2c: {  	s7 =	sld [smem:$0x3FAC]  }
0x2d: {  	s3 =	simm.s32 $0x108;
	s8 =	sld [smem:$0x3FAD]  }
0x2e: {  	s3 =	simm.s32 @!p0 $0x1082;
	s9 =	sld [smem:$0x3FAE]  }
0x2f: {  	lr =	sadd.s32 s0, s3;
	s0 =	sld [smem:$0x3FA5]  }
0x30: {  	s3 =	sld [smem:$0x3FA8]  }
0x31: {  	[smem:$0x3FB1] =	sst s10  }
0x32: {  	s10 =	sld [smem:$0x3FAF];
	_ =	sdelay $0x3  }
0x33: {  	p0 =	seq.s32 s10, $0x1;
	s10 =	sld [smem:$0x3FB1];
	_ =	sdelay $0x3  }
0x34: {  	[smem:$0x3FB1] =	sst s10  }
0x35: {  	s10 =	sld [smem:$0x3FB0];
	_ =	sdelay $0x3  }
0x36: {  	p1 =	seq.s32 s10, $0x1;
	s10 =	sld [smem:$0x3FB1];
	_ =	sdelay $0x3  }
0x37: {  	[smem:$0x3FB1] =	sst s10  }
0x38: {  	s10 =	sld [smem:$0x3FB2]  }
0x39: {  	_ = 	snop;
	(pc) =	sbr.ind lr, $3  }
0x3a: {  	_ = 	snop  }
0x3b: {  	_ = 	snop  }
0x3c: {  	p2 =	seq.s32 s10, $0x1;
	s10 =	sld [smem:$0x3FB1]  }
0x3d: {  	_ =	shalt  }
0x3e: {  	_ =	shalt  }
0x3f: {  	_ =	shalt  }
0x40: {  	_ =	shalt  }
0x41: {  	_ =	shalt  }
0x42: {  	_ =	shalt  }
0x43: {  	_ =	shalt  }
0x44: {  	_ =	shalt  }
0x45: {  	_ =	shalt  }
0x46: {  	_ =	shalt  }
0x47: {  	_ =	shalt  }
0x48: {  	_ =	shalt  }
0x49: {  	_ =	shalt  }
0x4a: {  	_ =	shalt  }
0x4b: {  	_ =	shalt  }
0x4c: {  	_ =	shalt  }
0x4d: {  	_ =	shalt  }
0x4e: {  	_ =	shalt  }
0x4f: {  	_ =	shalt  }
0x50: {  	_ =	shalt  }
0x51: {  	_ =	shalt  }
0x52: {  	_ =	shalt  }
0x53: {  	_ =	shalt  }
0x54: {  	_ =	shalt  }
0x55: {  	_ =	shalt  }
0x56: {  	_ =	shalt  }
0x57: {  	_ =	shalt  }
0x58: {  	_ =	shalt  }
0x59: {  	_ =	shalt  }
0x5a: {  	_ =	shalt  }
0x5b: {  	_ =	shalt  }
0x5c: {  	_ =	shalt  }
0x5d: {  	_ =	shalt  }
0x5e: {  	_ =	shalt  }
0x5f: {  	_ =	shalt  }
0x60: {  	_ =	shalt  }
0x61: {  	_ =	shalt  }
0x62: {  	_ =	shalt  }
0x63: {  	_ =	shalt  }
0x64: {  	_ =	shalt  }
0x65: {  	_ =	shalt  }
0x66: {  	_ =	shalt  }
0x67: {  	_ =	shalt  }
0x68: {  	_ =	shalt  }
0x69: {  	_ =	shalt  }
0x6a: {  	_ =	shalt  }
0x6b: {  	_ =	shalt  }
0x6c: {  	_ =	shalt  }
0x6d: {  	_ =	shalt  }
0x6e: {  	_ =	shalt  }
0x6f: {  	_ =	shalt  }
0x70: {  	_ =	shalt  }
0x71: {  	_ =	shalt  }
0x72: {  	_ =	shalt  }
0x73: {  	_ =	shalt  }
0x74: {  	_ =	shalt  }
0x75: {  	_ =	shalt  }
0x76: {  	_ =	shalt  }
0x77: {  	_ =	shalt  }
0x78: {  	_ =	shalt  }
0x79: {  	_ =	shalt  }
0x7a: {  	_ =	shalt  }
0x7b: {  	_ =	shalt  }
0x7c: {  	_ =	shalt  }
0x7d: {  	_ =	shalt  }
0x7e: {  	_ =	shalt  }
0x7f: {  	_ =	shalt  }
0x80: {  	_ =	shalt  }
0x81: {  	_ =	shalt  }
0x82: {  	_ =	shalt  }
0x83: {  	_ =	shalt  }
0x84: {  	_ =	shalt  }
0x85: {  	_ =	shalt  }
0x86: {  	_ =	shalt  }
0x87: {  	_ =	shalt  }
.Lfunc_end0:
.L_simem_size_0:
called_computation.2_lowered:
.L_overlay_start_0:
0x88: {  	s2 =	sld [smem:$0x3FD9]  }
0x89: {  	s3 =	sld [smem:$0x3FFE];
	_ =	sdelay $0x1  }
0x8a: {  	s1 =	srdreg.scid  }
0x8b: {  	s0 =	sand.u32 $0x1, s1  }
0x8c: {  	s16 =	sshll.u32 s0, $0xA;
	s2 =	sadd.s32 s3, s2  }
0x8d: {  	s2 =	sadd.s32 s2, s16  }
0x8e: {  	[smem:$0x3FBD] =	sst s2  }
0x8f: {  	_ = 	snop  }
0x90: {  	(tm) =	ssettm $0x1  }
0x91: {  	s17 =	sld [smem:$0x3FFB];
	_ =	sdelay $0x3  }
0x92: {  	_ =	strace s17  }
0x93: {  	s2 =	sld [smem:$0x3FFC];
	_ =	sdelay $0x3  }
0x94: {  	_ =	strace s2  }
0x95: {  	s2 =	sld [smem:$0x3FFD];
	_ =	sdelay $0x3  }
0x96: {  	_ =	strace s2  }
0x97: {  	_ =	strace $0x8FFFFFFF  }
0x98: {  	s18 =	sld [smem:$0x3FDB];
	_ =	sdelay $0x1  }
0x99: {  	s19 =	simm.s32 $_scs_section_size  }
0x9a: {  	s4 =	simm.s32 $_size__tile_overlayer_lowered;
	s5 =	simm.s32 $_tile_overlayer_lowered  }
0x9b: {  	s22 =	simm.s32 $0x1BFF;
	s21 =	sshll.u32 s5, $0x1;
	s2 =	sadd.s32 s19, s18  }
0x9c: {  	s6 =	simm.s32 $0x0;
	s20 =	sshll.u32 s4, $0x1;
	s4 =	sadd.s32 s21, s2  }
0x9d: {  	[timem:s6], [sflag:s22] =	dma.local [hbm:s4], s20  }
0x9e: {  	_ =	swait.ge [sflag:s22], s20  }
0x9f: {  	s3 =	ssub.s32 $0x0, s20;
	[sflag:s22] =	ssyncset.done $0x0  }
0xa0: {  	[sflag:s22] =	ssyncadd.s32 s3;
	_ =	sdelay $0x1  }
0xa1: {  	s23 =	simm.s32 $0x1B8B  }
0xa2: {  	_ =	swait.ge [sflag:s23], $0x1  }
0xa3: {  	[sflag:s23] =	ssyncset.done $0x0  }
0xa4: {  	s25 =	simm.s32 $0x1B8E;
	s24 =	sld [smem:$0x3FFE];
	[sflag:s23] =	ssyncadd.s32 $0xFFFFFFFF  }
0xa5: {  	s26 =	simm.s32 $execute0_lowered;
	[smem:$0x3FD2] =	sst s25  }
0xa6: {  	s4 =	sshll.u32 s26, $0x1;
	_ =	strace $0x8000004C;
	[dreg:$0x1] =	wrdreg $0xFFFFFFFF  }
0xa7: {  	s28 =	simm.s32 $_size_execute0_lowered;
	s2 =	sadd.s32 s2, s4;
	[dreg:$0x0] =	wrdreg $0x0  }
0xa8: {  	s4 =	sshll.u32 s28, $0x1;
	[dreg:$0x2] =	wrdreg s2  }
0xa9: {  	[dreg:$0x3] =	wrdreg s4  }
0xaa: {  	[dreg:$0x4] =	wrdreg $0xC0  }
0xab: {  	_ =	task [dreg:s6], $0x5FFFF  }
0xac: {  	[dreg:$0x1] =	wrdreg $0xFFFFFFFF  }
0xad: {  	[dreg:$0x0] =	wrdreg $0x60  }
0xae: {  	[dreg:$0x2] =	wrdreg s24  }
0xaf: {  	[dreg:$0x3] =	wrdreg $0xA8000  }
0xb0: {  	[dreg:$0x4] =	wrdreg $0x9  }
0xb1: {  	_ =	task.clear_ibuf [dreg:s6], $0x5FFFF;
	_ =	strace $0x9000004C  }
0xb2: {  	s29 =	simm.s32 $0x9;
	_ =	strace $0x8000004E  }
0xb3: {  	_ =	swait.ge [sflag:s29], $0x1  }
0xb4: {  	[sflag:s29] =	ssyncadd.s32 $0xFFFFFFFF  }
0xb5: {  	_ =	strace $0x9000004E  }
0xb6: {  	_ =	sfence  }
0xb7: {  	s30 =	sld [smem:$0x0];
	_ =	sdelay $0x2  }
0xb8: {  	s31 =	sshll.u32 s1, $0xD;
	s1 =	sshrl.u32 s1, $0x2  }
0xb9: {  	s3 =	sand.u32 $0x4000, s31;
	s1 =	sadd.s32 s1, s30  }
0xba: {  	s0 =	sor.u32 s3, s0;
	s1 =	sshll.u32 s1, $0x11  }
0xbb: {  	s0 =	sor.u32 s1, s0  }
0xbc: {  	s0 =	sadd.s32 $0x8F2B, s0  }
0xbd: {  	[sflag:s0] =	ssyncadd.remote.s32 $0x1  }
0xbe: {  	_ =	sfence.sel $0xFFFF  }
0xbf: {  	[dreg:$0x0] =	wrdreg $0xFFFFFFFF;
	(pc) =	sbr.abs _section_cstart, $3  }
0xc0: {  	[dreg:$0x1] =	wrdreg $0xFFFFFFFF  }
0xc1: {  	_ =	task.clear_ibuf [dreg:s6], $0x2FFFF;
	_ =	strace $0x9FFFFFFF  }
0xc2: {  	(tm) =	ssettm $0x7FFFFFFF  }
0xc3: {  	_ =	shalt  }
tec
execute0_lowered:
.L_overlay_start_1:
0x0: {  	(tag) =	ssettag $0x1  }
0x1: {  	s6 =	rddreg [dreg:$0x0]  }
0x2: {  	s2 =	rddreg [dreg:$0x1]  }
0x3: {  	s0 =	rddreg [dreg:$0x2];
	s3 =	simm.s32 $0x0;
	s4 =	srdreg.scid  }
0x4: {  	s1 =	stileid.u32;
	s15 =	simm.s32 $0x1400;
	s16 =	simm.s32 $0x80  }
0x5: {  	s17 =	simm.s32 $0x2800;
	s18 =	simm.s32 $0x6800;
	s19 =	simm.s32 $0x1  }
0x6: {  	s20 =	simm.s32 $0x2;
	s21 =	simm.s32 $0x2700;
	s22 =	simm.s32 $0x2780  }
0x7: {  	s23 =	simm.s32 $0x0;
	[smem:$0x7FF] =	sst s3;
	s7 =	smul.u32 $0x2780, s1  }
0x8: {  	s5 =	sand.u32 $0x1, s4;
	s4 =	sadd.s32 $0x10000, s6;
	s9 =	smul.u32 $0x4F000, s1  }
0x9: {  	s11 =	sadd.s32 $0x69800, s6;
	s12 =	sadd.s32 $0x5F800, s6;
	s14 =	smul.u32 $0x50, s1  }
0xa: {  	s28 =	sshll.u32 s1, $0x6;
	_ =	strace $0x8000004D;
	s8 =	smul.u32 $0x27800, s5  }
0xb: {  	s10 =	ssub.s32 $0x2, s5;
	s13 =	smul.u32 $0x500, s5;
	s5 =	sadd.s32 $0xD800, s6  }
0xc: {  	s25 =	sshrl.u32 s10, $0x1;
	s26 =	sshrl.u32 s9, $0x2;
	s7 =	sadd.s32 s7, s8  }
0xd: {  	s8 =	ssub.s32 s10, s25;
	s29 =	sadd.s32 s14, s13;
	s30 =	sadd.s32 s26, s2  }
0xe: {  	s14 =	simm.s32 $0x3;
	s7 =	sadd.s32 s7, s6;
	s6 =	sor.u32 $0x1C03, s28  }
0xf: {  	s10 =	sshll.u32 s29, $0x4;
	s8 =	smax.u32 s8, $0x1;
	s13 =	sshrl.u32 s30, $0x3  }
0x10: {  	s7 =	sadd.s32 $0x73800, s7;
	s31 =	sadd.s32 $0x280, s10;
	s9 =	sadd.s32 s11, s10  }
0x11: {  	s10 =	sadd.s32 s12, s10;
	s11 =	sadd.s32 s11, s31;
	s12 =	sadd.s32 s12, s31  }
.LBB2_1:
0x12: {  	[spmem:s13], [sflag:s6] =	dma.local [hbm:s5], $0x2780  }
0x13: {  	_ =	swait.ge [sflag:s14], $0x2780  }
0x14: {  	[sflag:s14] =	ssyncset.done $0x0  }
0x15: {  	[sflag:s14] =	ssyncadd.s32 $0xFFFFD880  }
0x16: {  	[bflag:$0x0] =	sbarrier.arrive $0xFFFF  }
0x17: {  	[tilespmem:s3], [sflag:$0x3] =	stream.linear.gather [hbm4b:s9+s3], $0x1400, $0x38;
	[tilespmem:$0x1E400] =	vst v63  }
0x18: {  	_ =	swait.ge [sflag:s14], $0x1400  }
0x19: {  	[sflag:s14] =	ssyncset.done $0x0  }
0x1a: {  	[sflag:s14] =	ssyncadd.s32 $0xFFFFEC00  }
0x1b: {  	[tilespmem:s15], [sflag:$0x3] =	stream.linear.gather [hbm4b:s10+s3], $0x1400, $0x38;
	[tilespmem:$0x1E400] =	vst v63  }
0x1c: {  	_ =	swait.ge [sflag:s14], $0x1400  }
0x1d: {  	[sflag:s14] =	ssyncset.done $0x0  }
0x1e: {  	[sflag:s14] =	ssyncadd.s32 $0xFFFFEC00  }
0x1f: {  	[tilespmem:s17], [sflag:$0x1] =	stream.indirect.gather [hbm4b:s4+s16], $0x80, s3, s16, $0xb8;
	[tilespmem:$0x1E400] =	vst v63  }
0x20: {  	_ = 	snop  }
0x21: {  	[tilespmem:s18], [sflag:$0x2] =	stream.indirect.gather [hbm4b:s4+s16], $0x80, s16, s16, $0xb8;
	[tilespmem:$0x1E400] =	vst v63  }
0x22: {  	_ =	swait.ge [sflag:s19], $0x4000  }
0x23: {  	[sflag:s19] =	ssyncset.done $0x0  }
0x24: {  	s24 =	simm.s32 $0x1400;
	[sflag:s19] =	ssyncadd.s32 $0xFFFFC000  }
0x25: {  	[spmem:s2] =	stream.indirect.scatter.add.f32 [tilespmem:s17], [sflag:$0x3], $0x80, s24, s16, $0xb8;
	[tilespmem:$0x1E400] =	vst v63  }
0x26: {  	_ =	swait.ge [sflag:s14], $0x4000  }
0x27: {  	[sflag:s14] =	ssyncset.done $0x0  }
0x28: {  	s30 =	simm.s32 $0x100;
	[sflag:s14] =	ssyncadd.s32 $0xFFFFC000  }
0x29: {  	[tilespmem:s17], [sflag:$0x1] =	stream.indirect.gather [hbm4b:s4+s16], $0x80, s30, s16, $0xb8;
	[tilespmem:$0x1E400] =	vst v63  }
0x2a: {  	_ =	swait.ge [sflag:s20], $0x4000  }
0x2b: {  	[sflag:s20] =	ssyncset.done $0x0  }
0x2c: {  	s31 =	simm.s32 $0x1480;
	[sflag:s20] =	ssyncadd.s32 $0xFFFFC000  }
0x2d: {  	[spmem:s2] =	stream.indirect.scatter.add.f32 [tilespmem:s18], [sflag:$0x3], $0x80, s31, s16, $0xb8;
	[tilespmem:$0x1E400] =	vst v63  }
0x2e: {  	_ =	swait.ge [sflag:s14], $0x4000  }
0x2f: {  	[sflag:s14] =	ssyncset.done $0x0  }
0x30: {  	s25 =	simm.s32 $0x180;
	s24 =	simm.s32 $0x400;
	[sflag:s14] =	ssyncadd.s32 $0xFFFFC000  }
.LBB2_2:
0x31: {  	[tilespmem:s18], [sflag:$0x2] =	stream.indirect.gather [hbm4b:s4+s16], $0x80, s25, s16, $0xb8;
	[tilespmem:$0x1E400] =	vst v63  }
0x32: {  	s25 =	smov.u32 s24  }
0x33: {  	p0 =	sne.s32 s24, $0x4800;
	s24 =	sadd.s32 $0x400, s24;
	_ =	swait.ge [sflag:s19], $0x4000  }
0x34: {  	s25 =	sshra.s32 s25, $0x2;
	[sflag:s19] =	ssyncset.done $0x0  }
0x35: {  	s26 =	sadd.s32 $0x1400, s25;
	[sflag:s19] =	ssyncadd.s32 $0xFFFFC000  }
0x36: {  	[spmem:s2] =	stream.indirect.scatter.add.f32 [tilespmem:s17], [sflag:$0x3], $0x80, s26, s16, $0xb8;
	[tilespmem:$0x1E400] =	vst v63  }
0x37: {  	_ =	swait.ge [sflag:s14], $0x4000  }
0x38: {  	[sflag:s14] =	ssyncset.done $0x0  }
0x39: {  	s26 =	sadd.s32 $0x100, s25;
	[sflag:s14] =	ssyncadd.s32 $0xFFFFC000  }
0x3a: {  	[tilespmem:s17], [sflag:$0x1] =	stream.indirect.gather [hbm4b:s4+s16], $0x80, s26, s16, $0xb8;
	[tilespmem:$0x1E400] =	vst v63  }
0x3b: {  	_ =	swait.ge [sflag:s20], $0x4000  }
0x3c: {  	[sflag:s20] =	ssyncset.done $0x0  }
.Ltmp0:
0x3d: {  	s26 =	sadd.s32 $0x1480, s25;
	[sflag:s20] =	ssyncadd.s32 $0xFFFFC000;
	(pc) =	sbr.rel @p0 .LBB2_2-.Ltmp0, $4  }
0x3e: {  	[spmem:s2] =	stream.indirect.scatter.add.f32 [tilespmem:s18], [sflag:$0x3], $0x80, s26, s16, $0xb8;
	[tilespmem:$0x1E400] =	vst v63  }
0x3f: {  	_ =	swait.ge [sflag:s14], $0x4000  }
0x40: {  	[sflag:s14] =	ssyncset.done $0x0  }
0x41: {  	s25 =	sadd.s32 $0x180, s25;
	[sflag:s14] =	ssyncadd.s32 $0xFFFFC000  }
0x42: {  	[tilespmem:s18], [sflag:$0x2] =	stream.indirect.gather [hbm4b:s4+s16], $0x80, s25, s16, $0xb8;
	[tilespmem:$0x1E400] =	vst v63  }
0x43: {  	_ =	swait.ge [sflag:s19], $0x4000  }
0x44: {  	[sflag:s19] =	ssyncset.done $0x0  }
0x45: {  	[sflag:s19] =	ssyncadd.s32 $0xFFFFC000  }
0x46: {  	[spmem:s2] =	stream.indirect.scatter.add.f32 [tilespmem:s17], [sflag:$0x3], $0x80, s21, s16, $0xb8;
	[tilespmem:$0x1E400] =	vst v63  }
0x47: {  	_ =	swait.ge [sflag:s14], $0x4000  }
0x48: {  	[sflag:s14] =	ssyncset.done $0x0  }
0x49: {  	[sflag:s14] =	ssyncadd.s32 $0xFFFFC000  }
0x4a: {  	_ =	swait.ge [sflag:s20], $0x4000  }
0x4b: {  	[sflag:s20] =	ssyncset.done $0x0  }
0x4c: {  	[sflag:s20] =	ssyncadd.s32 $0xFFFFC000  }
0x4d: {  	[spmem:s2] =	stream.indirect.scatter.add.f32 [tilespmem:s18], [sflag:$0x3], $0x80, s22, s16, $0xb8;
	[tilespmem:$0x1E400] =	vst v63  }
0x4e: {  	_ =	swait.ge [sflag:s14], $0x4000  }
0x4f: {  	[sflag:s14] =	ssyncset.done $0x0  }
0x50: {  	s24 =	simm.s32 $0x0;
	[sflag:s14] =	ssyncadd.s32 $0xFFFFC000  }
0x51: {  	[tilespmem:s24], [sflag:$0x3] =	stream.linear.gather [hbm4b:s11+s24], $0x1400, $0x38;
	[tilespmem:$0x1E400] =	vst v63  }
0x52: {  	_ =	swait.ge [sflag:s14], $0x1400  }
0x53: {  	[sflag:s14] =	ssyncset.done $0x0  }
0x54: {  	[sflag:s14] =	ssyncadd.s32 $0xFFFFEC00  }
0x55: {  	[tilespmem:s15], [sflag:$0x3] =	stream.linear.gather [hbm4b:s12+s24], $0x1400, $0x38;
	[tilespmem:$0x1E400] =	vst v63  }
0x56: {  	_ =	swait.ge [sflag:s14], $0x1400  }
0x57: {  	[sflag:s14] =	ssyncset.done $0x0  }
0x58: {  	[sflag:s14] =	ssyncadd.s32 $0xFFFFEC00  }
0x59: {  	[tilespmem:s17], [sflag:$0x1] =	stream.indirect.gather [hbm4b:s4+s16], $0x80, s24, s16, $0xb8;
	[tilespmem:$0x1E400] =	vst v63  }
0x5a: {  	_ = 	snop  }
0x5b: {  	[tilespmem:s18], [sflag:$0x2] =	stream.indirect.gather [hbm4b:s4+s16], $0x80, s16, s16, $0xb8;
	[tilespmem:$0x1E400] =	vst v63  }
0x5c: {  	_ =	swait.ge [sflag:s19], $0x4000  }
0x5d: {  	[sflag:s19] =	ssyncset.done $0x0  }
0x5e: {  	s29 =	simm.s32 $0x1400;
	[sflag:s19] =	ssyncadd.s32 $0xFFFFC000  }
0x5f: {  	[spmem:s2] =	stream.indirect.scatter.add.f32 [tilespmem:s17], [sflag:$0x3], $0x80, s29, s16, $0xb8;
	[tilespmem:$0x1E400] =	vst v63  }
0x60: {  	_ =	swait.ge [sflag:s14], $0x4000  }
0x61: {  	[sflag:s14] =	ssyncset.done $0x0  }
0x62: {  	s30 =	simm.s32 $0x100;
	[sflag:s14] =	ssyncadd.s32 $0xFFFFC000  }
0x63: {  	[tilespmem:s17], [sflag:$0x1] =	stream.indirect.gather [hbm4b:s4+s16], $0x80, s30, s16, $0xb8;
	[tilespmem:$0x1E400] =	vst v63  }
0x64: {  	_ =	swait.ge [sflag:s20], $0x4000  }
0x65: {  	[sflag:s20] =	ssyncset.done $0x0  }
0x66: {  	s31 =	simm.s32 $0x1480;
	[sflag:s20] =	ssyncadd.s32 $0xFFFFC000  }
0x67: {  	[spmem:s2] =	stream.indirect.scatter.add.f32 [tilespmem:s18], [sflag:$0x3], $0x80, s31, s16, $0xb8;
	[tilespmem:$0x1E400] =	vst v63  }
0x68: {  	_ =	swait.ge [sflag:s14], $0x4000  }
0x69: {  	[sflag:s14] =	ssyncset.done $0x0  }
0x6a: {  	s25 =	simm.s32 $0x180;
	s24 =	simm.s32 $0x400;
	[sflag:s14] =	ssyncadd.s32 $0xFFFFC000  }
.LBB2_4:
0x6b: {  	[tilespmem:s18], [sflag:$0x2] =	stream.indirect.gather [hbm4b:s4+s16], $0x80, s25, s16, $0xb8;
	[tilespmem:$0x1E400] =	vst v63  }
0x6c: {  	s25 =	smov.u32 s24  }
0x6d: {  	p0 =	sne.s32 s24, $0x4800;
	s24 =	sadd.s32 $0x400, s24;
	_ =	swait.ge [sflag:s19], $0x4000  }
0x6e: {  	s25 =	sshra.s32 s25, $0x2;
	[sflag:s19] =	ssyncset.done $0x0  }
0x6f: {  	s26 =	sadd.s32 $0x1400, s25;
	[sflag:s19] =	ssyncadd.s32 $0xFFFFC000  }
0x70: {  	[spmem:s2] =	stream.indirect.scatter.add.f32 [tilespmem:s17], [sflag:$0x3], $0x80, s26, s16, $0xb8;
	[tilespmem:$0x1E400] =	vst v63  }
0x71: {  	_ =	swait.ge [sflag:s14], $0x4000  }
0x72: {  	[sflag:s14] =	ssyncset.done $0x0  }
0x73: {  	s26 =	sadd.s32 $0x100, s25;
	[sflag:s14] =	ssyncadd.s32 $0xFFFFC000  }
0x74: {  	[tilespmem:s17], [sflag:$0x1] =	stream.indirect.gather [hbm4b:s4+s16], $0x80, s26, s16, $0xb8;
	[tilespmem:$0x1E400] =	vst v63  }
0x75: {  	_ =	swait.ge [sflag:s20], $0x4000  }
0x76: {  	[sflag:s20] =	ssyncset.done $0x0  }
.Ltmp1:
0x77: {  	s26 =	sadd.s32 $0x1480, s25;
	[sflag:s20] =	ssyncadd.s32 $0xFFFFC000;
	(pc) =	sbr.rel @p0 .LBB2_4-.Ltmp1, $4  }
0x78: {  	[spmem:s2] =	stream.indirect.scatter.add.f32 [tilespmem:s18], [sflag:$0x3], $0x80, s26, s16, $0xb8;
	[tilespmem:$0x1E400] =	vst v63  }
0x79: {  	_ =	swait.ge [sflag:s14], $0x4000  }
0x7a: {  	[sflag:s14] =	ssyncset.done $0x0  }
0x7b: {  	s25 =	sadd.s32 $0x180, s25;
	[sflag:s14] =	ssyncadd.s32 $0xFFFFC000  }
0x7c: {  	[tilespmem:s18], [sflag:$0x2] =	stream.indirect.gather [hbm4b:s4+s16], $0x80, s25, s16, $0xb8;
	[tilespmem:$0x1E400] =	vst v63  }
0x7d: {  	_ =	swait.ge [sflag:s19], $0x4000  }
0x7e: {  	[sflag:s19] =	ssyncset.done $0x0  }
0x7f: {  	[sflag:s19] =	ssyncadd.s32 $0xFFFFC000  }
0x80: {  	[spmem:s2] =	stream.indirect.scatter.add.f32 [tilespmem:s17], [sflag:$0x3], $0x80, s21, s16, $0xb8;
	[tilespmem:$0x1E400] =	vst v63  }
0x81: {  	_ =	swait.ge [sflag:s14], $0x4000  }
0x82: {  	[sflag:s14] =	ssyncset.done $0x0  }
0x83: {  	[sflag:s14] =	ssyncadd.s32 $0xFFFFC000  }
0x84: {  	_ =	swait.ge [sflag:s20], $0x4000  }
0x85: {  	[sflag:s20] =	ssyncset.done $0x0  }
0x86: {  	[sflag:s20] =	ssyncadd.s32 $0xFFFFC000  }
0x87: {  	[spmem:s2] =	stream.indirect.scatter.add.f32 [tilespmem:s18], [sflag:$0x3], $0x80, s22, s16, $0xb8;
	[tilespmem:$0x1E400] =	vst v63  }
0x88: {  	_ =	swait.ge [sflag:s14], $0x4000  }
0x89: {  	s23 =	sadd.s32 $0x1, s23;
	[sflag:s14] =	ssyncset.done $0x0  }
0x8a: {  	p0 =	sne.s32 s23, s8;
	[sflag:s14] =	ssyncadd.s32 $0xFFFFC000  }
.Ltmp2:
0x8b: {  	[bflag:$0x0] =	sbarrier.arrive $0xFFFF;
	(pc) =	sbr.rel @p0 .LBB2_1-.Ltmp2, $4  }
0x8c: {  	[hbm:s7], [sflag:s6] =	dma.local [spmem:s13], $0x2780  }
0x8d: {  	_ =	swait.ge [sflag:s14], $0x2780  }
0x8e: {  	[sflag:s14] =	ssyncset.done $0x0  }
0x8f: {  	[sflag:s14] =	ssyncadd.s32 $0xFFFFD880  }
0x90: {  	_ =	sfence.sel $0x180000  }
0x91: {  	[bflag:$0x0] =	sbarrier.arrive $0xFFFF  }
0x92: {  	p0 =	sne.s32 s1, $0x0;
	_ =	strace $0x9000004D  }
0x93: {  	s0 =	sadd.s32 @!p0 $0x100000, s0;
	[bflag:$0x2] =	sbarrier.arrive $0xFFFF  }
0x94: {  	[sflag:s0] =	ssyncadd.tile.s32 @!p0 $0x1;
	_ =	shalt  }
.Lfunc_end2:
_tile_overlayer_lowered:
.L_overlay_start_2:
0x95: {  	(tag) =	ssettag $0x2  }
0x96: {  	s0 =	rddreg [dreg:$0x0];
	s2 =	stileid.u32  }
0x97: {  	s1 =	rddreg [dreg:$0x1];
	p0 =	sne.s32 s2, $0x0  }
0x98: {  	s3 =	rddreg [dreg:$0x2];
	[bflag:$0x3] =	sbarrier.arrive $0xFFFF;
	s2 =	simm.s32 @!p0 $0x1C03  }
0x99: {  	[timem:s3], [sflag:s2] =	dma.local @!p0 [hbm:s0], s1  }
0x9a: {  	s0 =	simm.s32 @!p0 $0x3  }
0x9b: {  	_ =	swait.ge @!p0 [sflag:s0], s1  }
0x9c: {  	s1 =	ssub.s32 @!p0 $0x0, s1;
	[sflag:s0] =	ssyncset.done @!p0 $0x0  }
0x9d: {  	[sflag:s0] =	ssyncadd.s32 @!p0 s1  }
0x9e: {  	[bflag:$0x3] =	sbarrier.arrive $0xFFFF  }
0x9f: {  	_ =	shalt  }

// kernel: kernel.19.cloned.1.call-start
scs
__scs_entry_jumppad:
0x0: {  	(pc) =	sbr.rel $0x88, $3  }
0x1: {  	(tag) =	ssettag $0x0;
	lr =	simm.s32 $0x1  }
0x2: {  	[smem:$0x3F96] =	sst lr;
	_ =	strace $0xD0000000  }
0x3: {  	_ = 	snop  }
0x4: {  	_ = 	snop  }
0x5: {  	_ = 	snop  }
0x6: {  	_ = 	snop  }
0x7: {  	_ = 	snop  }
__scs_overlays_trampoline_lowered:
0x8: {  	[smem:$0x3FA5] =	sst s0  }
0x9: {  	[smem:$0x3FA6] =	sst s1  }
0xa: {  	[smem:$0x3FA7] =	sst s2  }
0xb: {  	[smem:$0x3FA8] =	sst s3  }
0xc: {  	[smem:$0x3FA9] =	sst s4  }
0xd: {  	[smem:$0x3FAA] =	sst s5  }
0xe: {  	[smem:$0x3FAB] =	sst s6  }
0xf: {  	[smem:$0x3FAC] =	sst s7  }
0x10: {  	[smem:$0x3FAD] =	sst s8  }
0x11: {  	[smem:$0x3FAE] =	sst s9;
	s0 =	simm.s32 @!p0 $0x0  }
0x12: {  	s1 =	sld [smem:$0x3F94];
	s0 =	simm.s32 @p0 $0x1  }
0x13: {  	[smem:$0x3FAF] =	sst s0;
	s0 =	simm.s32 @!p1 $0x0  }
0x14: {  	s2 =	sld [smem:$0x3F93];
	s0 =	simm.s32 @p1 $0x1  }
0x15: {  	[smem:$0x3FB0] =	sst s0;
	s0 =	simm.s32 @!p2 $0x0  }
0x16: {  	s3 =	sld [smem:$0x3FDB];
	s0 =	simm.s32 @p2 $0x1  }
0x17: {  	s4 =	simm.s32 $0x1BF5;
	[smem:$0x3FB2] =	sst s0  }
0x18: {  	s0 =	sld [smem:$0x3F95];
	_ =	swait.ge [sflag:s4], $0x0  }
0x19: {  	s7 =	sld [smem:$0x3F96]  }
0x1a: {  	s8 =	sadd.s32 $0xFFFFE003, lr  }
0x1b: {  	s9 =	sadd.s32 $0xFFFFFEF7, lr;
	s5 =	simm.s32 $0xFFFFFFFF;
	p2 =	slt.u32 s8, $0xFFFFF086  }
0x1c: {  	p1 =	slt.u32 s9, $0xF7A;
	s5 =	simm.s32 @!p2 $0x0  }
0x1d: {  	s5 =	simm.s32 @p1 $0x1;
	p0 =	seq.s32 s7, s2  }
0x1e: {  	s7 =	smul.u32 @!p0 $0xF7A, s2;
	p2 =	seq.s32 @!p0 s5, $0x0  }
0x1f: {  	s9 =	smul.u32 $0xF7A, s1;
	s8 =	simm.s32 @!p0 $0x1BF5;
	p2 =	por !p2, p0  }
0x20: {  	[sflag:s8] =	ssyncset.s32 @!p0 $0xFFFFF086;
	s6 =	sadd.s32 @!p0 s3, s7;
	s7 =	simm.s32 @!p0 $0x108  }
0x21: {  	s3 =	sadd.s32 s3, s9;
	s6 =	sadd.s32 @!p0 $0x88, s6;
	s7 =	simm.s32 @p2 $0x1082  }
0x22: {  	[simem:s7], [sflag:s8] =	dma.local @!p0 [hbm:s6], $0xF7A  }
0x23: {  	s9 =	sor.u32 $0xD0000000, s2;
	s6 =	simm.s32 $0x108;
	_ =	swait.ge @!p0 [sflag:s8], $0x0  }
0x24: {  	s3 =	sadd.s32 $0x88, s3;
	s6 =	simm.s32 @!p1 $0x1082;
	[sflag:s4] =	ssyncset.s32 $0xFFFFF086  }
0x25: {  	[simem:s6], [sflag:s4] =	dma.local [hbm:s3], $0xF7A  }
0x26: {  	[smem:$0x3F96] =	sst s1;
	(tag) =	ssettag s2;
	_ =	strace s9  }
0x27: {  	s1 =	sld [smem:$0x3FA6]  }
0x28: {  	s2 =	sld [smem:$0x3FA7]  }
0x29: {  	s4 =	sld [smem:$0x3FA9]  }
0x2a: {  	p0 =	seq.s32 s5, $0x0;
	s5 =	sld [smem:$0x3FAA]  }
0x2b: {  	s6 =	sld [smem:$0x3FAB]  }
0x2c: {  	s7 =	sld [smem:$0x3FAC]  }
0x2d: {  	s3 =	simm.s32 $0x108;
	s8 =	sld [smem:$0x3FAD]  }
0x2e: {  	s3 =	simm.s32 @!p0 $0x1082;
	s9 =	sld [smem:$0x3FAE]  }
0x2f: {  	lr =	sadd.s32 s0, s3;
	s0 =	sld [smem:$0x3FA5]  }
0x30: {  	s3 =	sld [smem:$0x3FA8]  }
0x31: {  	[smem:$0x3FB1] =	sst s10  }
0x32: {  	s10 =	sld [smem:$0x3FAF];
	_ =	sdelay $0x3  }
0x33: {  	p0 =	seq.s32 s10, $0x1;
	s10 =	sld [smem:$0x3FB1];
	_ =	sdelay $0x3  }
0x34: {  	[smem:$0x3FB1] =	sst s10  }
0x35: {  	s10 =	sld [smem:$0x3FB0];
	_ =	sdelay $0x3  }
0x36: {  	p1 =	seq.s32 s10, $0x1;
	s10 =	sld [smem:$0x3FB1];
	_ =	sdelay $0x3  }
0x37: {  	[smem:$0x3FB1] =	sst s10  }
0x38: {  	s10 =	sld [smem:$0x3FB2]  }
0x39: {  	_ = 	snop;
	(pc) =	sbr.ind lr, $3  }
0x3a: {  	_ = 	snop  }
0x3b: {  	_ = 	snop  }
0x3c: {  	p2 =	seq.s32 s10, $0x1;
	s10 =	sld [smem:$0x3FB1]  }
0x3d: {  	_ =	shalt  }
0x3e: {  	_ =	shalt  }
0x3f: {  	_ =	shalt  }
0x40: {  	_ =	shalt  }
0x41: {  	_ =	shalt  }
0x42: {  	_ =	shalt  }
0x43: {  	_ =	shalt  }
0x44: {  	_ =	shalt  }
0x45: {  	_ =	shalt  }
0x46: {  	_ =	shalt  }
0x47: {  	_ =	shalt  }
0x48: {  	_ =	shalt  }
0x49: {  	_ =	shalt  }
0x4a: {  	_ =	shalt  }
0x4b: {  	_ =	shalt  }
0x4c: {  	_ =	shalt  }
0x4d: {  	_ =	shalt  }
0x4e: {  	_ =	shalt  }
0x4f: {  	_ =	shalt  }
0x50: {  	_ =	shalt  }
0x51: {  	_ =	shalt  }
0x52: {  	_ =	shalt  }
0x53: {  	_ =	shalt  }
0x54: {  	_ =	shalt  }
0x55: {  	_ =	shalt  }
0x56: {  	_ =	shalt  }
0x57: {  	_ =	shalt  }
0x58: {  	_ =	shalt  }
0x59: {  	_ =	shalt  }
0x5a: {  	_ =	shalt  }
0x5b: {  	_ =	shalt  }
0x5c: {  	_ =	shalt  }
0x5d: {  	_ =	shalt  }
0x5e: {  	_ =	shalt  }
0x5f: {  	_ =	shalt  }
0x60: {  	_ =	shalt  }
0x61: {  	_ =	shalt  }
0x62: {  	_ =	shalt  }
0x63: {  	_ =	shalt  }
0x64: {  	_ =	shalt  }
0x65: {  	_ =	shalt  }
0x66: {  	_ =	shalt  }
0x67: {  	_ =	shalt  }
0x68: {  	_ =	shalt  }
0x69: {  	_ =	shalt  }
0x6a: {  	_ =	shalt  }
0x6b: {  	_ =	shalt  }
0x6c: {  	_ =	shalt  }
0x6d: {  	_ =	shalt  }
0x6e: {  	_ =	shalt  }
0x6f: {  	_ =	shalt  }
0x70: {  	_ =	shalt  }
0x71: {  	_ =	shalt  }
0x72: {  	_ =	shalt  }
0x73: {  	_ =	shalt  }
0x74: {  	_ =	shalt  }
0x75: {  	_ =	shalt  }
0x76: {  	_ =	shalt  }
0x77: {  	_ =	shalt  }
0x78: {  	_ =	shalt  }
0x79: {  	_ =	shalt  }
0x7a: {  	_ =	shalt  }
0x7b: {  	_ =	shalt  }
0x7c: {  	_ =	shalt  }
0x7d: {  	_ =	shalt  }
0x7e: {  	_ =	shalt  }
0x7f: {  	_ =	shalt  }
0x80: {  	_ =	shalt  }
0x81: {  	_ =	shalt  }
0x82: {  	_ =	shalt  }
0x83: {  	_ =	shalt  }
0x84: {  	_ =	shalt  }
0x85: {  	_ =	shalt  }
0x86: {  	_ =	shalt  }
0x87: {  	_ =	shalt  }
.Lfunc_end0:
.L_simem_size_0:
called_computation.3_lowered:
.L_overlay_start_0:
0x88: {  	s2 =	sld [smem:$0x3FD9]  }
0x89: {  	s3 =	sld [smem:$0x3FFE];
	_ =	sdelay $0x1  }
0x8a: {  	s1 =	srdreg.scid  }
0x8b: {  	s0 =	sand.u32 $0x1, s1  }
0x8c: {  	s16 =	sshll.u32 s0, $0xA;
	s2 =	sadd.s32 s3, s2  }
0x8d: {  	s2 =	sadd.s32 s2, s16  }
0x8e: {  	[smem:$0x3FBD] =	sst s2  }
0x8f: {  	_ = 	snop  }
0x90: {  	(tm) =	ssettm $0x1  }
0x91: {  	s17 =	sld [smem:$0x3FFB];
	_ =	sdelay $0x3  }
0x92: {  	_ =	strace s17  }
0x93: {  	s2 =	sld [smem:$0x3FFC];
	_ =	sdelay $0x3  }
0x94: {  	_ =	strace s2  }
0x95: {  	s2 =	sld [smem:$0x3FFD];
	_ =	sdelay $0x3  }
0x96: {  	_ =	strace s2  }
0x97: {  	_ =	strace $0x8FFFFFFF  }
0x98: {  	s18 =	sld [smem:$0x3FDB];
	_ =	sdelay $0x1  }
0x99: {  	s19 =	simm.s32 $_scs_section_size  }
0x9a: {  	s4 =	simm.s32 $_size__tile_overlayer_lowered;
	s5 =	simm.s32 $_tile_overlayer_lowered  }
0x9b: {  	s22 =	simm.s32 $0x1BFF;
	s21 =	sshll.u32 s5, $0x1;
	s2 =	sadd.s32 s19, s18  }
0x9c: {  	s6 =	simm.s32 $0x0;
	s20 =	sshll.u32 s4, $0x1;
	s4 =	sadd.s32 s21, s2  }
0x9d: {  	[timem:s6], [sflag:s22] =	dma.local [hbm:s4], s20  }
0x9e: {  	_ =	swait.ge [sflag:s22], s20  }
0x9f: {  	s3 =	ssub.s32 $0x0, s20;
	[sflag:s22] =	ssyncset.done $0x0  }
0xa0: {  	[sflag:s22] =	ssyncadd.s32 s3;
	_ =	sdelay $0x1  }
0xa1: {  	s23 =	simm.s32 $0x1B8B  }
0xa2: {  	_ =	swait.ge [sflag:s23], $0x1  }
0xa3: {  	[sflag:s23] =	ssyncset.done $0x0  }
0xa4: {  	s25 =	simm.s32 $0x1B8E;
	s24 =	sld [smem:$0x3FFE];
	[sflag:s23] =	ssyncadd.s32 $0xFFFFFFFF  }
0xa5: {  	s26 =	simm.s32 $execute0_lowered;
	[smem:$0x3FD2] =	sst s25  }
0xa6: {  	s4 =	sshll.u32 s26, $0x1;
	_ =	strace $0x8000004F;
	[dreg:$0x1] =	wrdreg $0xFFFFFFFF  }
0xa7: {  	s28 =	simm.s32 $_size_execute0_lowered;
	s2 =	sadd.s32 s2, s4;
	[dreg:$0x0] =	wrdreg $0x0  }
0xa8: {  	s4 =	sshll.u32 s28, $0x1;
	[dreg:$0x2] =	wrdreg s2  }
0xa9: {  	[dreg:$0x3] =	wrdreg s4  }
0xaa: {  	[dreg:$0x4] =	wrdreg $0xC0  }
0xab: {  	_ =	task [dreg:s6], $0x5FFFF  }
0xac: {  	[dreg:$0x1] =	wrdreg $0xFFFFFFFF  }
0xad: {  	[dreg:$0x0] =	wrdreg $0x60  }
0xae: {  	[dreg:$0x2] =	wrdreg s24  }
0xaf: {  	[dreg:$0x3] =	wrdreg $0xA8000  }
0xb0: {  	[dreg:$0x4] =	wrdreg $0x9  }
0xb1: {  	_ =	task.clear_ibuf [dreg:s6], $0x5FFFF;
	_ =	strace $0x9000004F  }
0xb2: {  	s29 =	simm.s32 $0x9;
	_ =	strace $0x80000051  }
0xb3: {  	_ =	swait.ge [sflag:s29], $0x1  }
0xb4: {  	[sflag:s29] =	ssyncadd.s32 $0xFFFFFFFF  }
0xb5: {  	_ =	strace $0x90000051  }
0xb6: {  	_ =	sfence  }
0xb7: {  	s30 =	sld [smem:$0x0];
	_ =	sdelay $0x2  }
0xb8: {  	s31 =	sshll.u32 s1, $0xD;
	s1 =	sshrl.u32 s1, $0x2  }
0xb9: {  	s3 =	sand.u32 $0x4000, s31;
	s1 =	sadd.s32 s1, s30  }
0xba: {  	s0 =	sor.u32 s3, s0;
	s1 =	sshll.u32 s1, $0x11  }
0xbb: {  	s0 =	sor.u32 s1, s0  }
0xbc: {  	s0 =	sadd.s32 $0x8F2B, s0  }
0xbd: {  	[sflag:s0] =	ssyncadd.remote.s32 $0x1  }
0xbe: {  	_ =	sfence.sel $0xFFFF  }
0xbf: {  	[dreg:$0x0] =	wrdreg $0xFFFFFFFF;
	(pc) =	sbr.abs _section_cstart, $3  }
0xc0: {  	[dreg:$0x1] =	wrdreg $0xFFFFFFFF  }
0xc1: {  	_ =	task.clear_ibuf [dreg:s6], $0x2FFFF;
	_ =	strace $0x9FFFFFFF  }
0xc2: {  	(tm) =	ssettm $0x7FFFFFFF  }
0xc3: {  	_ =	shalt  }
tec
execute0_lowered:
.L_overlay_start_1:
0x0: {  	(tag) =	ssettag $0x1  }
0x1: {  	s6 =	rddreg [dreg:$0x0]  }
0x2: {  	s2 =	rddreg [dreg:$0x1]  }
0x3: {  	s0 =	rddreg [dreg:$0x2];
	s3 =	simm.s32 $0x0;
	s4 =	srdreg.scid  }
0x4: {  	s1 =	stileid.u32;
	s15 =	simm.s32 $0x1400;
	s16 =	simm.s32 $0x80  }
0x5: {  	s17 =	simm.s32 $0x2800;
	s18 =	simm.s32 $0x6800;
	s19 =	simm.s32 $0x1  }
0x6: {  	s20 =	simm.s32 $0x2;
	s21 =	simm.s32 $0x2700;
	s22 =	simm.s32 $0x2780  }
0x7: {  	s23 =	simm.s32 $0x0;
	[smem:$0x7FF] =	sst s3;
	s7 =	smul.u32 $0x2780, s1  }
0x8: {  	s5 =	sand.u32 $0x1, s4;
	s4 =	sadd.s32 $0x10000, s6;
	s9 =	smul.u32 $0x4F000, s1  }
0x9: {  	s11 =	sadd.s32 $0x69800, s6;
	s12 =	sadd.s32 $0x5F800, s6;
	s14 =	smul.u32 $0x50, s1  }
0xa: {  	s28 =	sshll.u32 s1, $0x6;
	_ =	strace $0x80000050;
	s8 =	smul.u32 $0x27800, s5  }
0xb: {  	s10 =	ssub.s32 $0x2, s5;
	s13 =	smul.u32 $0x500, s5;
	s5 =	sadd.s32 $0xD800, s6  }
0xc: {  	s25 =	sshrl.u32 s10, $0x1;
	s26 =	sshrl.u32 s9, $0x2;
	s7 =	sadd.s32 s7, s8  }
0xd: {  	s8 =	ssub.s32 s10, s25;
	s29 =	sadd.s32 s14, s13;
	s30 =	sadd.s32 s26, s2  }
0xe: {  	s14 =	simm.s32 $0x3;
	s7 =	sadd.s32 s7, s6;
	s6 =	sor.u32 $0x1C03, s28  }
0xf: {  	s10 =	sshll.u32 s29, $0x4;
	s8 =	smax.u32 s8, $0x1;
	s13 =	sshrl.u32 s30, $0x3  }
0x10: {  	s7 =	sadd.s32 $0x73800, s7;
	s31 =	sadd.s32 $0x280, s10;
	s9 =	sadd.s32 s11, s10  }
0x11: {  	s10 =	sadd.s32 s12, s10;
	s11 =	sadd.s32 s11, s31;
	s12 =	sadd.s32 s12, s31  }
.LBB2_1:
0x12: {  	[spmem:s13], [sflag:s6] =	dma.local [hbm:s5], $0x2780  }
0x13: {  	_ =	swait.ge [sflag:s14], $0x2780  }
0x14: {  	[sflag:s14] =	ssyncset.done $0x0  }
0x15: {  	[sflag:s14] =	ssyncadd.s32 $0xFFFFD880  }
0x16: {  	[bflag:$0x0] =	sbarrier.arrive $0xFFFF  }
0x17: {  	[tilespmem:s3], [sflag:$0x3] =	stream.linear.gather [hbm4b:s9+s3], $0x1400, $0x38;
	[tilespmem:$0x1E400] =	vst v63  }
0x18: {  	_ =	swait.ge [sflag:s14], $0x1400  }
0x19: {  	[sflag:s14] =	ssyncset.done $0x0  }
0x1a: {  	[sflag:s14] =	ssyncadd.s32 $0xFFFFEC00  }
0x1b: {  	[tilespmem:s15], [sflag:$0x3] =	stream.linear.gather [hbm4b:s10+s3], $0x1400, $0x38;
	[tilespmem:$0x1E400] =	vst v63  }
0x1c: {  	_ =	swait.ge [sflag:s14], $0x1400  }
0x1d: {  	[sflag:s14] =	ssyncset.done $0x0  }
0x1e: {  	[sflag:s14] =	ssyncadd.s32 $0xFFFFEC00  }
0x1f: {  	[tilespmem:s17], [sflag:$0x1] =	stream.indirect.gather [hbm4b:s4+s16], $0x80, s3, s16, $0xb8;
	[tilespmem:$0x1E400] =	vst v63  }
0x20: {  	_ = 	snop  }
0x21: {  	[tilespmem:s18], [sflag:$0x2] =	stream.indirect.gather [hbm4b:s4+s16], $0x80, s16, s16, $0xb8;
	[tilespmem:$0x1E400] =	vst v63  }
0x22: {  	_ =	swait.ge [sflag:s19], $0x4000  }
0x23: {  	[sflag:s19] =	ssyncset.done $0x0  }
0x24: {  	s24 =	simm.s32 $0x1400;
	[sflag:s19] =	ssyncadd.s32 $0xFFFFC000  }
0x25: {  	[spmem:s2] =	stream.indirect.scatter.add.f32 [tilespmem:s17], [sflag:$0x3], $0x80, s24, s16, $0xb8;
	[tilespmem:$0x1E400] =	vst v63  }
0x26: {  	_ =	swait.ge [sflag:s14], $0x4000  }
0x27: {  	[sflag:s14] =	ssyncset.done $0x0  }
0x28: {  	s30 =	simm.s32 $0x100;
	[sflag:s14] =	ssyncadd.s32 $0xFFFFC000  }
0x29: {  	[tilespmem:s17], [sflag:$0x1] =	stream.indirect.gather [hbm4b:s4+s16], $0x80, s30, s16, $0xb8;
	[tilespmem:$0x1E400] =	vst v63  }
0x2a: {  	_ =	swait.ge [sflag:s20], $0x4000  }
0x2b: {  	[sflag:s20] =	ssyncset.done $0x0  }
0x2c: {  	s31 =	simm.s32 $0x1480;
	[sflag:s20] =	ssyncadd.s32 $0xFFFFC000  }
0x2d: {  	[spmem:s2] =	stream.indirect.scatter.add.f32 [tilespmem:s18], [sflag:$0x3], $0x80, s31, s16, $0xb8;
	[tilespmem:$0x1E400] =	vst v63  }
0x2e: {  	_ =	swait.ge [sflag:s14], $0x4000  }
0x2f: {  	[sflag:s14] =	ssyncset.done $0x0  }
0x30: {  	s25 =	simm.s32 $0x180;
	s24 =	simm.s32 $0x400;
	[sflag:s14] =	ssyncadd.s32 $0xFFFFC000  }
.LBB2_2:
0x31: {  	[tilespmem:s18], [sflag:$0x2] =	stream.indirect.gather [hbm4b:s4+s16], $0x80, s25, s16, $0xb8;
	[tilespmem:$0x1E400] =	vst v63  }
0x32: {  	s25 =	smov.u32 s24  }
0x33: {  	p0 =	sne.s32 s24, $0x4800;
	s24 =	sadd.s32 $0x400, s24;
	_ =	swait.ge [sflag:s19], $0x4000  }
0x34: {  	s25 =	sshra.s32 s25, $0x2;
	[sflag:s19] =	ssyncset.done $0x0  }
0x35: {  	s26 =	sadd.s32 $0x1400, s25;
	[sflag:s19] =	ssyncadd.s32 $0xFFFFC000  }
0x36: {  	[spmem:s2] =	stream.indirect.scatter.add.f32 [tilespmem:s17], [sflag:$0x3], $0x80, s26, s16, $0xb8;
	[tilespmem:$0x1E400] =	vst v63  }
0x37: {  	_ =	swait.ge [sflag:s14], $0x4000  }
0x38: {  	[sflag:s14] =	ssyncset.done $0x0  }
0x39: {  	s26 =	sadd.s32 $0x100, s25;
	[sflag:s14] =	ssyncadd.s32 $0xFFFFC000  }
0x3a: {  	[tilespmem:s17], [sflag:$0x1] =	stream.indirect.gather [hbm4b:s4+s16], $0x80, s26, s16, $0xb8;
	[tilespmem:$0x1E400] =	vst v63  }
0x3b: {  	_ =	swait.ge [sflag:s20], $0x4000  }
0x3c: {  	[sflag:s20] =	ssyncset.done $0x0  }
.Ltmp0:
0x3d: {  	s26 =	sadd.s32 $0x1480, s25;
	[sflag:s20] =	ssyncadd.s32 $0xFFFFC000;
	(pc) =	sbr.rel @p0 .LBB2_2-.Ltmp0, $4  }
0x3e: {  	[spmem:s2] =	stream.indirect.scatter.add.f32 [tilespmem:s18], [sflag:$0x3], $0x80, s26, s16, $0xb8;
	[tilespmem:$0x1E400] =	vst v63  }
0x3f: {  	_ =	swait.ge [sflag:s14], $0x4000  }
0x40: {  	[sflag:s14] =	ssyncset.done $0x0  }
0x41: {  	s25 =	sadd.s32 $0x180, s25;
	[sflag:s14] =	ssyncadd.s32 $0xFFFFC000  }
0x42: {  	[tilespmem:s18], [sflag:$0x2] =	stream.indirect.gather [hbm4b:s4+s16], $0x80, s25, s16, $0xb8;
	[tilespmem:$0x1E400] =	vst v63  }
0x43: {  	_ =	swait.ge [sflag:s19], $0x4000  }
0x44: {  	[sflag:s19] =	ssyncset.done $0x0  }
0x45: {  	[sflag:s19] =	ssyncadd.s32 $0xFFFFC000  }
0x46: {  	[spmem:s2] =	stream.indirect.scatter.add.f32 [tilespmem:s17], [sflag:$0x3], $0x80, s21, s16, $0xb8;
	[tilespmem:$0x1E400] =	vst v63  }
0x47: {  	_ =	swait.ge [sflag:s14], $0x4000  }
0x48: {  	[sflag:s14] =	ssyncset.done $0x0  }
0x49: {  	[sflag:s14] =	ssyncadd.s32 $0xFFFFC000  }
0x4a: {  	_ =	swait.ge [sflag:s20], $0x4000  }
0x4b: {  	[sflag:s20] =	ssyncset.done $0x0  }
0x4c: {  	[sflag:s20] =	ssyncadd.s32 $0xFFFFC000  }
0x4d: {  	[spmem:s2] =	stream.indirect.scatter.add.f32 [tilespmem:s18], [sflag:$0x3], $0x80, s22, s16, $0xb8;
	[tilespmem:$0x1E400] =	vst v63  }
0x4e: {  	_ =	swait.ge [sflag:s14], $0x4000  }
0x4f: {  	[sflag:s14] =	ssyncset.done $0x0  }
0x50: {  	s24 =	simm.s32 $0x0;
	[sflag:s14] =	ssyncadd.s32 $0xFFFFC000  }
0x51: {  	[tilespmem:s24], [sflag:$0x3] =	stream.linear.gather [hbm4b:s11+s24], $0x1400, $0x38;
	[tilespmem:$0x1E400] =	vst v63  }
0x52: {  	_ =	swait.ge [sflag:s14], $0x1400  }
0x53: {  	[sflag:s14] =	ssyncset.done $0x0  }
0x54: {  	[sflag:s14] =	ssyncadd.s32 $0xFFFFEC00  }
0x55: {  	[tilespmem:s15], [sflag:$0x3] =	stream.linear.gather [hbm4b:s12+s24], $0x1400, $0x38;
	[tilespmem:$0x1E400] =	vst v63  }
0x56: {  	_ =	swait.ge [sflag:s14], $0x1400  }
0x57: {  	[sflag:s14] =	ssyncset.done $0x0  }
0x58: {  	[sflag:s14] =	ssyncadd.s32 $0xFFFFEC00  }
0x59: {  	[tilespmem:s17], [sflag:$0x1] =	stream.indirect.gather [hbm4b:s4+s16], $0x80, s24, s16, $0xb8;
	[tilespmem:$0x1E400] =	vst v63  }
0x5a: {  	_ = 	snop  }
0x5b: {  	[tilespmem:s18], [sflag:$0x2] =	stream.indirect.gather [hbm4b:s4+s16], $0x80, s16, s16, $0xb8;
	[tilespmem:$0x1E400] =	vst v63  }
0x5c: {  	_ =	swait.ge [sflag:s19], $0x4000  }
0x5d: {  	[sflag:s19] =	ssyncset.done $0x0  }
0x5e: {  	s29 =	simm.s32 $0x1400;
	[sflag:s19] =	ssyncadd.s32 $0xFFFFC000  }
0x5f: {  	[spmem:s2] =	stream.indirect.scatter.add.f32 [tilespmem:s17], [sflag:$0x3], $0x80, s29, s16, $0xb8;
	[tilespmem:$0x1E400] =	vst v63  }
0x60: {  	_ =	swait.ge [sflag:s14], $0x4000  }
0x61: {  	[sflag:s14] =	ssyncset.done $0x0  }
0x62: {  	s30 =	simm.s32 $0x100;
	[sflag:s14] =	ssyncadd.s32 $0xFFFFC000  }
0x63: {  	[tilespmem:s17], [sflag:$0x1] =	stream.indirect.gather [hbm4b:s4+s16], $0x80, s30, s16, $0xb8;
	[tilespmem:$0x1E400] =	vst v63  }
0x64: {  	_ =	swait.ge [sflag:s20], $0x4000  }
0x65: {  	[sflag:s20] =	ssyncset.done $0x0  }
0x66: {  	s31 =	simm.s32 $0x1480;
	[sflag:s20] =	ssyncadd.s32 $0xFFFFC000  }
0x67: {  	[spmem:s2] =	stream.indirect.scatter.add.f32 [tilespmem:s18], [sflag:$0x3], $0x80, s31, s16, $0xb8;
	[tilespmem:$0x1E400] =	vst v63  }
0x68: {  	_ =	swait.ge [sflag:s14], $0x4000  }
0x69: {  	[sflag:s14] =	ssyncset.done $0x0  }
0x6a: {  	s25 =	simm.s32 $0x180;
	s24 =	simm.s32 $0x400;
	[sflag:s14] =	ssyncadd.s32 $0xFFFFC000  }
.LBB2_4:
0x6b: {  	[tilespmem:s18], [sflag:$0x2] =	stream.indirect.gather [hbm4b:s4+s16], $0x80, s25, s16, $0xb8;
	[tilespmem:$0x1E400] =	vst v63  }
0x6c: {  	s25 =	smov.u32 s24  }
0x6d: {  	p0 =	sne.s32 s24, $0x4800;
	s24 =	sadd.s32 $0x400, s24;
	_ =	swait.ge [sflag:s19], $0x4000  }
0x6e: {  	s25 =	sshra.s32 s25, $0x2;
	[sflag:s19] =	ssyncset.done $0x0  }
0x6f: {  	s26 =	sadd.s32 $0x1400, s25;
	[sflag:s19] =	ssyncadd.s32 $0xFFFFC000  }
0x70: {  	[spmem:s2] =	stream.indirect.scatter.add.f32 [tilespmem:s17], [sflag:$0x3], $0x80, s26, s16, $0xb8;
	[tilespmem:$0x1E400] =	vst v63  }
0x71: {  	_ =	swait.ge [sflag:s14], $0x4000  }
0x72: {  	[sflag:s14] =	ssyncset.done $0x0  }
0x73: {  	s26 =	sadd.s32 $0x100, s25;
	[sflag:s14] =	ssyncadd.s32 $0xFFFFC000  }
0x74: {  	[tilespmem:s17], [sflag:$0x1] =	stream.indirect.gather [hbm4b:s4+s16], $0x80, s26, s16, $0xb8;
	[tilespmem:$0x1E400] =	vst v63  }
0x75: {  	_ =	swait.ge [sflag:s20], $0x4000  }
0x76: {  	[sflag:s20] =	ssyncset.done $0x0  }
.Ltmp1:
0x77: {  	s26 =	sadd.s32 $0x1480, s25;
	[sflag:s20] =	ssyncadd.s32 $0xFFFFC000;
	(pc) =	sbr.rel @p0 .LBB2_4-.Ltmp1, $4  }
0x78: {  	[spmem:s2] =	stream.indirect.scatter.add.f32 [tilespmem:s18], [sflag:$0x3], $0x80, s26, s16, $0xb8;
	[tilespmem:$0x1E400] =	vst v63  }
0x79: {  	_ =	swait.ge [sflag:s14], $0x4000  }
0x7a: {  	[sflag:s14] =	ssyncset.done $0x0  }
0x7b: {  	s25 =	sadd.s32 $0x180, s25;
	[sflag:s14] =	ssyncadd.s32 $0xFFFFC000  }
0x7c: {  	[tilespmem:s18], [sflag:$0x2] =	stream.indirect.gather [hbm4b:s4+s16], $0x80, s25, s16, $0xb8;
	[tilespmem:$0x1E400] =	vst v63  }
0x7d: {  	_ =	swait.ge [sflag:s19], $0x4000  }
0x7e: {  	[sflag:s19] =	ssyncset.done $0x0  }
0x7f: {  	[sflag:s19] =	ssyncadd.s32 $0xFFFFC000  }
0x80: {  	[spmem:s2] =	stream.indirect.scatter.add.f32 [tilespmem:s17], [sflag:$0x3], $0x80, s21, s16, $0xb8;
	[tilespmem:$0x1E400] =	vst v63  }
0x81: {  	_ =	swait.ge [sflag:s14], $0x4000  }
0x82: {  	[sflag:s14] =	ssyncset.done $0x0  }
0x83: {  	[sflag:s14] =	ssyncadd.s32 $0xFFFFC000  }
0x84: {  	_ =	swait.ge [sflag:s20], $0x4000  }
0x85: {  	[sflag:s20] =	ssyncset.done $0x0  }
0x86: {  	[sflag:s20] =	ssyncadd.s32 $0xFFFFC000  }
0x87: {  	[spmem:s2] =	stream.indirect.scatter.add.f32 [tilespmem:s18], [sflag:$0x3], $0x80, s22, s16, $0xb8;
	[tilespmem:$0x1E400] =	vst v63  }
0x88: {  	_ =	swait.ge [sflag:s14], $0x4000  }
0x89: {  	s23 =	sadd.s32 $0x1, s23;
	[sflag:s14] =	ssyncset.done $0x0  }
0x8a: {  	p0 =	sne.s32 s23, s8;
	[sflag:s14] =	ssyncadd.s32 $0xFFFFC000  }
.Ltmp2:
0x8b: {  	[bflag:$0x0] =	sbarrier.arrive $0xFFFF;
	(pc) =	sbr.rel @p0 .LBB2_1-.Ltmp2, $4  }
0x8c: {  	[hbm:s7], [sflag:s6] =	dma.local [spmem:s13], $0x2780  }
0x8d: {  	_ =	swait.ge [sflag:s14], $0x2780  }
0x8e: {  	[sflag:s14] =	ssyncset.done $0x0  }
0x8f: {  	[sflag:s14] =	ssyncadd.s32 $0xFFFFD880  }
0x90: {  	_ =	sfence.sel $0x180000  }
0x91: {  	[bflag:$0x0] =	sbarrier.arrive $0xFFFF  }
0x92: {  	p0 =	sne.s32 s1, $0x0;
	_ =	strace $0x90000050  }
0x93: {  	s0 =	sadd.s32 @!p0 $0x100000, s0;
	[bflag:$0x2] =	sbarrier.arrive $0xFFFF  }
0x94: {  	[sflag:s0] =	ssyncadd.tile.s32 @!p0 $0x1;
	_ =	shalt  }
.Lfunc_end2:
_tile_overlayer_lowered:
.L_overlay_start_2:
0x95: {  	(tag) =	ssettag $0x2  }
0x96: {  	s0 =	rddreg [dreg:$0x0];
	s2 =	stileid.u32  }
0x97: {  	s1 =	rddreg [dreg:$0x1];
	p0 =	sne.s32 s2, $0x0  }
0x98: {  	s3 =	rddreg [dreg:$0x2];
	[bflag:$0x3] =	sbarrier.arrive $0xFFFF;
	s2 =	simm.s32 @!p0 $0x1C03  }
0x99: {  	[timem:s3], [sflag:s2] =	dma.local @!p0 [hbm:s0], s1  }
0x9a: {  	s0 =	simm.s32 @!p0 $0x3  }
0x9b: {  	_ =	swait.ge @!p0 [sflag:s0], s1  }
0x9c: {  	s1 =	ssub.s32 @!p0 $0x0, s1;
	[sflag:s0] =	ssyncset.done @!p0 $0x0  }
0x9d: {  	[sflag:s0] =	ssyncadd.s32 @!p0 s1  }
0x9e: {  	[bflag:$0x3] =	sbarrier.arrive $0xFFFF  }
0x9f: {  	_ =	shalt  }

</sc_bundles>
